<compile_context>
chip_gen: v7x
topology: tpu7x:2x2x1
jax: 0.10.2.dev20260603
libtpu: 0.0.44.dev20260713+nightly
codegen_flags: <defaults>
</compile_context>

<pallas_src>
import functools

import jax
import jax.numpy as jnp
from jax import lax
from jax.experimental import pallas as pl
from jax.experimental.pallas import tpu as pltpu
from jax.experimental.pallas import tpu_sc as plsc

B, C, H, W = 64, 384, 32, 32
HW = H * W
E = 8
RED = 48
L = 16

BTC = 56
BSC = B - BTC
BB = 8
HB = 2
NCH = H // HB
CV = C // L



def _tc_body(x_ref, w1_ref, b1_ref, w2_ref, b2_ref, wn_ref):
    xs = x_ref[...]
    n = H
    while n > 1:
        n //= 2
        xs = xs[:, :n] + xs[:, n:2 * n]
    ys = xs[:, 0]
    n = W
    while n > 1:
        n //= 2
        ys = ys[:, :n] + ys[:, n:2 * n]
    pooled = ys[:, 0] * (1.0 / HW)
    h = jnp.dot(pooled, w1_ref[...], preferred_element_type=jnp.float32)
    h = h + b1_ref[...]
    h = h * jax.nn.sigmoid(h)
    logits = jnp.dot(h, w2_ref[...], preferred_element_type=jnp.float32)
    logits = logits + b2_ref[...]
    w = jax.nn.softmax(logits, axis=1)
    idx = lax.broadcasted_iota(jnp.int32, (BB, E), 1)
    m1 = jnp.max(w, axis=1, keepdims=True)
    i1 = jnp.min(jnp.where(w == m1, idx, E), axis=1, keepdims=True)
    w_rest = jnp.where(idx == i1, -jnp.inf, w)
    m2 = jnp.max(w_rest, axis=1, keepdims=True)
    i2 = jnp.min(jnp.where(w_rest == m2, idx, E), axis=1, keepdims=True)
    mask = (idx == i1) | (idx == i2)
    wsel = jnp.where(mask, w, 0.0)
    wn_ref[...] = wsel / (jnp.sum(wsel, axis=1, keepdims=True) + 1e-8)



def _sc_body(x_hbm, w1_hbm, b1_hbm, w2p_hbm, b2p_hbm, wn_hbm,
             xb0, xb1, pbuf, w1v, b1v, w2v, b2v, ob, csem0, csem1):
    wid = lax.axis_index("s") * 2 + lax.axis_index("c")

    pltpu.sync_copy(w1_hbm, w1v)
    pltpu.sync_copy(b1_hbm, b1v)
    pltpu.sync_copy(w2p_hbm, w2v)
    pltpu.sync_copy(b2p_hbm, b2v)

    zero = jnp.zeros((L,), jnp.float32)

    @pl.when(wid < BSC)
    def _():
        b = BTC + wid

        def start(ci, buf, sem):
            pltpu.make_async_copy(
                x_hbm.at[b, pl.ds(ci * HB, HB)], buf, sem).start()

        def wait(ci, buf, sem):
            pltpu.make_async_copy(
                x_hbm.at[b, pl.ds(ci * HB, HB)], buf, sem).wait()

        def accumulate(buf, carry):
            def pos(t, accs):
                accs = list(accs)
                hh = t // W
                ww = t - hh * W
                for cv in range(CV):
                    accs[cv] = accs[cv] + buf[hh, ww, pl.ds(cv * L, L)]
                return tuple(accs)
            return lax.fori_loop(0, HB * W, pos, carry, unroll=False)

        start(0, xb0, csem0)
        accs = (zero,) * CV

        def chunk_pair(g2, carry, ):
            ci = 2 * g2

            @pl.when(ci + 1 < NCH)
            def _():
                start(ci + 1, xb1, csem1)

            wait(ci, xb0, csem0)
            carry = accumulate(xb0, carry)

            @pl.when(ci + 2 < NCH)
            def _():
                start(ci + 2, xb0, csem0)

            wait(ci + 1, xb1, csem1)
            return accumulate(xb1, carry)

        accs = lax.fori_loop(0, NCH // 2, chunk_pair, accs, unroll=False)
        for cv in range(CV):
            pbuf[pl.ds(cv * L, L)] = accs[cv]

        inv = 1.0 / HW

        def h_acc(q, carry):
            hvs = list(carry)
            pv = pbuf[pl.ds(q * L, L)]
            for k in range(L):
                s = pv[k] * inv
                for j in range(RED // L):
                    hvs[j] = hvs[j] + s * w1v[q * L + k, pl.ds(j * L, L)]
            return tuple(hvs)

        hvs = lax.fori_loop(0, C // L, h_acc, (zero,) * (RED // L),
                            unroll=False)
        hjs = []
        for j in range(RED // L):
            hj = hvs[j] + b1v[pl.ds(j * L, L)]
            hj = hj / (1.0 + jnp.exp(-hj))
            hjs.append(hj)

        logits = b2v[...]
        for j in range(RED // L):
            for k in range(L):
                logits = logits + hjs[j][k] * w2v[j * L + k]

        ex = jnp.exp(logits)
        es = [ex[k] for k in range(E)]
        tot = es[0]
        for k in range(1, E):
            tot = tot + es[k]
        rtot = (jnp.ones((L,), jnp.float32) / jnp.full((L,), tot))[0]
        ws = [e * rtot for e in es]
        m1 = ws[0]
        for k in range(1, E):
            m1 = jnp.maximum(m1, ws[k])
        i1 = jnp.int32(E - 1)
        for k in reversed(range(E)):
            i1 = jnp.where(ws[k] == m1, jnp.int32(k), i1)
        wr = [jnp.where(i1 == k, -1.0, ws[k]) for k in range(E)]
        m2 = wr[0]
        for k in range(1, E):
            m2 = jnp.maximum(m2, wr[k])
        i2 = jnp.int32(E - 1)
        for k in reversed(range(E)):
            i2 = jnp.where(wr[k] == m2, jnp.int32(k), i2)
        keep = [(i1 == k) | (i2 == k) for k in range(E)]
        wm = [jnp.where(keep[k], ws[k], 0.0) for k in range(E)]
        den = wm[0]
        for k in range(1, E):
            den = den + wm[k]
        rden = (jnp.ones((L,), jnp.float32)
                / jnp.full((L,), den + 1e-8))[0]
        lanes = lax.iota(jnp.int32, L)
        wnv = zero
        for k in range(E):
            wnv = jnp.where(lanes == k, wm[k] * rden, wnv)
        ob[...] = wnv
        pltpu.sync_copy(ob, wn_hbm.at[wid])



def _bc_body(wn_tc_ref, wn_sc_ref, out_ref):
    wn_tc = wn_tc_ref[...]
    wn_sc = wn_sc_ref[...][:, :E]
    wn = jnp.concatenate([wn_tc, wn_sc], axis=0)
    wnt = wn.T
    out_ref[...] = jnp.broadcast_to(wnt[:, None, None, :], (E, H, W, B))


@jax.jit
def kernel(x, W1, b1, W2, b2):
    xt = jnp.transpose(x, (0, 2, 3, 1))
    w2p = jnp.pad(W2, ((0, 0), (0, L - E)))
    b2p = jnp.concatenate([b2, jnp.full((L - E,), -1e30, jnp.float32)])

    wn_tc = pl.pallas_call(
        _tc_body,
        grid=(BTC // BB,),
        in_specs=[
            pl.BlockSpec((BB, H, W, C), lambda i: (i, 0, 0, 0)),
            pl.BlockSpec((C, RED), lambda i: (0, 0)),
            pl.BlockSpec((1, RED), lambda i: (0, 0)),
            pl.BlockSpec((RED, E), lambda i: (0, 0)),
            pl.BlockSpec((1, E), lambda i: (0, 0)),
        ],
        out_specs=pl.BlockSpec((BB, E), lambda i: (i, 0)),
        out_shape=jax.ShapeDtypeStruct((BTC, E), jnp.float32),
    )(xt, W1, b1.reshape(1, RED), W2, b2.reshape(1, E))

    mesh = plsc.VectorSubcoreMesh(core_axis_name="c", subcore_axis_name="s")
    wn_sc = functools.partial(
        pl.kernel,
        out_type=jax.ShapeDtypeStruct((BSC, L), jnp.float32),
        mesh=mesh,
        compiler_params=pltpu.CompilerParams(
            needs_layout_passes=False, use_tc_tiling_on_sc=True),
        scratch_types=[
            pltpu.VMEM((HB, W, C), jnp.float32),
            pltpu.VMEM((HB, W, C), jnp.float32),
            pltpu.VMEM((C,), jnp.float32),
            pltpu.VMEM((C, RED), jnp.float32),
            pltpu.VMEM((RED,), jnp.float32),
            pltpu.VMEM((RED, L), jnp.float32),
            pltpu.VMEM((L,), jnp.float32),
            pltpu.VMEM((L,), jnp.float32),
            pltpu.SemaphoreType.DMA,
            pltpu.SemaphoreType.DMA,
        ],
    )(_sc_body)(xt, W1, b1, w2p, b2p)

    pout = pl.pallas_call(
        _bc_body,
        in_specs=[
            pl.BlockSpec((BTC, E), lambda: (0, 0)),
            pl.BlockSpec((BSC, L), lambda: (0, 0)),
        ],
        out_specs=pl.BlockSpec((E, H, W, B), lambda: (0, 0, 0, 0)),
        out_shape=jax.ShapeDtypeStruct((E, H, W, B), jnp.float32),
    )(wn_tc, wn_sc)
    return jnp.transpose(pout, (3, 0, 1, 2))

# --- scband reference (transcript-rebuilt; emitter-appended) ---
"""Pipeline reference for scband-dynamic-routing-layer-10909216932613 (READ-ONLY COPY).

The authoritative reference and input builder live on the scoring server;
editing this copy changes nothing except your own understanding.
"""

import jax, jax.numpy as jnp
import numpy as np

B, C, H, W = 64, 384, 32, 32
E = 8
TOP_K = 2
RED = max(C // 8, 8)  # 48


def setup_inputs(seed: int = 0) -> dict:
    key = jax.random.key(seed)
    k1, k2, k3, k4, k5 = jax.random.split(key, 5)
    x = jax.random.normal(k1, (B, C, H, W), dtype=jnp.float32)
    # routing network params (1x1 convs == dense on pooled vector)
    W1 = jax.random.normal(k2, (C, RED), dtype=jnp.float32) * (1.0 / np.sqrt(C))
    b1 = jax.random.normal(k3, (RED,), dtype=jnp.float32) * 0.01
    W2 = jax.random.normal(k4, (RED, E), dtype=jnp.float32) * (1.0 / np.sqrt(RED))
    b2 = jax.random.normal(k5, (E,), dtype=jnp.float32) * 0.01
    return {"x": x, "W1": W1, "b1": b1, "W2": W2, "b2": b2}


def reference(x, W1, b1, W2, b2):
    # global average pool -> [B, C]
    pooled = jnp.mean(x, axis=(2, 3))
    # routing network: Conv2d(1x1) -> SiLU -> Conv2d(1x1), on [B,C,1,1] == dense
    h = jax.nn.silu(pooled @ W1 + b1)
    logits = h @ W2 + b2  # [B, E]
    # soft top-k (training path): softmax over experts, mask to top_k, renormalize
    weights = jax.nn.softmax(logits, axis=1)  # [B, E]
    _, topk_idx = jax.lax.top_k(weights, TOP_K)  # [B, TOP_K]
    mask = jax.nn.one_hot(topk_idx, E, dtype=weights.dtype).sum(axis=1)  # [B, E]
    w = weights * mask
    w = w / (jnp.sum(w, axis=1, keepdims=True) + 1e-08)
    # repeat routing weights over spatial dims: [B, E, H, W]
    out = jnp.broadcast_to(w[:, :, None, None], (B, E, H, W))
    return out

if __name__ == "__main__":
    import jax
    _d = setup_inputs()
    print(jax.jit(kernel)(*tuple(_d.values())))

</pallas_src>

<mosaic_0001>
#map = affine_map<(d0, d1) -> (0, 0, 0, 0)>
#map1 = affine_map<(d0, d1) -> (0, 0)>
#map2 = affine_map<(d0, d1) -> (0)>
module attributes {stable_mosaic.version = 14 : i64} {
  func.func @_sc_body(%arg0: i32, %arg1: i32, %arg2: memref<64x32x32x384xf32, #tpu.memory_space<hbm>>, %arg3: memref<384x48xf32, #tpu.memory_space<hbm>>, %arg4: memref<48xf32, #tpu.memory_space<hbm>>, %arg5: memref<48x16xf32, #tpu.memory_space<hbm>>, %arg6: memref<16xf32, #tpu.memory_space<hbm>>, %arg7: memref<8x16xf32, #tpu.memory_space<hbm>>, %arg8: memref<2x32x384xf32, #tpu.memory_space<vmem>>, %arg9: memref<2x32x384xf32, #tpu.memory_space<vmem>>, %arg10: memref<384xf32, #tpu.memory_space<vmem>>, %arg11: memref<384x48xf32, #tpu.memory_space<vmem>>, %arg12: memref<48xf32, #tpu.memory_space<vmem>>, %arg13: memref<48x16xf32, #tpu.memory_space<vmem>>, %arg14: memref<16xf32, #tpu.memory_space<vmem>>, %arg15: memref<16xf32, #tpu.memory_space<vmem>>, %arg16: memref<!tpu.dma_semaphore, #tpu.memory_space<semaphore_mem>>, %arg17: memref<!tpu.dma_semaphore, #tpu.memory_space<semaphore_mem>>) attributes {dimension_semantics = [#tpu.dimension_semantics<core_parallel>, #tpu.dimension_semantics<subcore_parallel>], iteration_bounds = array<i64: 2, 16>, scalar_prefetch = 0 : i64, scratch_operands = 10 : i64, tpu.core_type = #tpu.core_type<sc_vector_subcore>, window_params = [{transform_indices = #map}, {transform_indices = #map1}, {transform_indices = #map2}, {transform_indices = #map1}, {transform_indices = #map2}, {transform_indices = #map1}]} {
    %mul3A = arith.constant 2 : i32
    %mul3A_0 = arith.muli %arg1, %mul3A : i32
    %add3A = arith.addi %mul3A_0, %arg0 : i32
    "tpu.region"() ({
      %run_scoped3A = tpu.sem_alloc : memref<!tpu.dma_semaphore, #tpu.memory_space<semaphore_mem>>
      tpu.enqueue_dma source(%arg3 : memref<384x48xf32, #tpu.memory_space<hbm>>) target(%arg11 : memref<384x48xf32, #tpu.memory_space<vmem>>) target_semaphore(%run_scoped3A : memref<!tpu.dma_semaphore, #tpu.memory_space<semaphore_mem>>)
      tpu.wait_dma2 semaphore(%run_scoped3A : memref<!tpu.dma_semaphore, #tpu.memory_space<semaphore_mem>>) src(%arg3 : memref<384x48xf32, #tpu.memory_space<hbm>>) dst(%arg11 : memref<384x48xf32, #tpu.memory_space<vmem>>)
      tpu.yield
    }) : () -> ()
    "tpu.region"() ({
      %run_scoped3A = tpu.sem_alloc : memref<!tpu.dma_semaphore, #tpu.memory_space<semaphore_mem>>
      tpu.enqueue_dma source(%arg4 : memref<48xf32, #tpu.memory_space<hbm>>) target(%arg12 : memref<48xf32, #tpu.memory_space<vmem>>) target_semaphore(%run_scoped3A : memref<!tpu.dma_semaphore, #tpu.memory_space<semaphore_mem>>)
      tpu.wait_dma2 semaphore(%run_scoped3A : memref<!tpu.dma_semaphore, #tpu.memory_space<semaphore_mem>>) src(%arg4 : memref<48xf32, #tpu.memory_space<hbm>>) dst(%arg12 : memref<48xf32, #tpu.memory_space<vmem>>)
      tpu.yield
    }) : () -> ()
    "tpu.region"() ({
      %run_scoped3A = tpu.sem_alloc : memref<!tpu.dma_semaphore, #tpu.memory_space<semaphore_mem>>
      tpu.enqueue_dma source(%arg5 : memref<48x16xf32, #tpu.memory_space<hbm>>) target(%arg13 : memref<48x16xf32, #tpu.memory_space<vmem>>) target_semaphore(%run_scoped3A : memref<!tpu.dma_semaphore, #tpu.memory_space<semaphore_mem>>)
      tpu.wait_dma2 semaphore(%run_scoped3A : memref<!tpu.dma_semaphore, #tpu.memory_space<semaphore_mem>>) src(%arg5 : memref<48x16xf32, #tpu.memory_space<hbm>>) dst(%arg13 : memref<48x16xf32, #tpu.memory_space<vmem>>)
      tpu.yield
    }) : () -> ()
    "tpu.region"() ({
      %run_scoped3A = tpu.sem_alloc : memref<!tpu.dma_semaphore, #tpu.memory_space<semaphore_mem>>
      tpu.enqueue_dma source(%arg6 : memref<16xf32, #tpu.memory_space<hbm>>) target(%arg14 : memref<16xf32, #tpu.memory_space<vmem>>) target_semaphore(%run_scoped3A : memref<!tpu.dma_semaphore, #tpu.memory_space<semaphore_mem>>)
      tpu.wait_dma2 semaphore(%run_scoped3A : memref<!tpu.dma_semaphore, #tpu.memory_space<semaphore_mem>>) src(%arg6 : memref<16xf32, #tpu.memory_space<hbm>>) dst(%arg14 : memref<16xf32, #tpu.memory_space<vmem>>)
      tpu.yield
    }) : () -> ()
    %broadcast_in_dim3A = arith.constant 0.000000e+00 : f32
    %broadcast_in_dim3A_1 = vector.broadcast %broadcast_in_dim3A : f32 to vector<16xf32>
    %lt3A = arith.constant 8 : i32
    %lt3A_2 = arith.cmpi slt, %add3A, %lt3A : i32
    %convert_element_type3A = arith.extui %lt3A_2 : i1 to i32
    %cond3A = arith.constant 0 : i32
    %cond3A_3 = arith.cmpi ne, %convert_element_type3A, %cond3A : i32
    scf.if %cond3A_3 {
      %add3A_4 = arith.constant 56 : i32
      %add3A_5 = arith.addi %add3A_4, %add3A : i32
      %dma_start3A = arith.constant 0 : i32
      %dma_start3A_6 = arith.constant 0 : i32
      %dma_start3A_7 = arith.constant 0 : i32
      %dma_start3A_8 = tpu.memref_slice %arg2[%add3A_5, %dma_start3A, %dma_start3A_6, %dma_start3A_7] : memref<64x32x32x384xf32, #tpu.memory_space<hbm>> -> memref<1x2x32x384xf32, #tpu.memory_space<hbm>>
      %dma_start3A_9 = tpu.memref_squeeze %dma_start3A_8 : memref<1x2x32x384xf32, #tpu.memory_space<hbm>> -> memref<2x32x384xf32, #tpu.memory_space<hbm>>
      %dma_start3A_10 = arith.constant 0 : i32
      %dma_start3A_11 = arith.constant 0 : i32
      %dma_start3A_12 = arith.constant 0 : i32
      %dma_start3A_13 = tpu.memref_slice %arg2[%add3A_5, %dma_start3A_10, %dma_start3A_11, %dma_start3A_12] : memref<64x32x32x384xf32, #tpu.memory_space<hbm>> -> memref<1x2x32x384xf32, #tpu.memory_space<hbm>>
      %dma_start3A_14 = tpu.memref_squeeze %dma_start3A_13 : memref<1x2x32x384xf32, #tpu.memory_space<hbm>> -> memref<2x32x384xf32, #tpu.memory_space<hbm>>
      tpu.enqueue_dma source(%dma_start3A_14 : memref<2x32x384xf32, #tpu.memory_space<hbm>>) target(%arg8 : memref<2x32x384xf32, #tpu.memory_space<vmem>>) target_semaphore(%arg16 : memref<!tpu.dma_semaphore, #tpu.memory_space<semaphore_mem>>)
      %scan3A = arith.constant 0 : i32
      %scan3A_15 = arith.constant 8 : i32
      %scan3A_16 = arith.addi %scan3A, %scan3A_15 : i32
      %scan3A_17 = arith.constant 1 : i32
      %scan3A_18:24 = scf.for %scan3A_784 = %scan3A to %scan3A_16 step %scan3A_17 iter_args(%scan3A_785 = %broadcast_in_dim3A_1, %scan3A_786 = %broadcast_in_dim3A_1, %scan3A_787 = %broadcast_in_dim3A_1, %scan3A_788 = %broadcast_in_dim3A_1, %scan3A_789 = %broadcast_in_dim3A_1, %scan3A_790 = %broadcast_in_dim3A_1, %scan3A_791 = %broadcast_in_dim3A_1, %scan3A_792 = %broadcast_in_dim3A_1, %scan3A_793 = %broadcast_in_dim3A_1, %scan3A_794 = %broadcast_in_dim3A_1, %scan3A_795 = %broadcast_in_dim3A_1, %scan3A_796 = %broadcast_in_dim3A_1, %scan3A_797 = %broadcast_in_dim3A_1, %scan3A_798 = %broadcast_in_dim3A_1, %scan3A_799 = %broadcast_in_dim3A_1, %scan3A_800 = %broadcast_in_dim3A_1, %scan3A_801 = %broadcast_in_dim3A_1, %scan3A_802 = %broadcast_in_dim3A_1, %scan3A_803 = %broadcast_in_dim3A_1, %scan3A_804 = %broadcast_in_dim3A_1, %scan3A_805 = %broadcast_in_dim3A_1, %scan3A_806 = %broadcast_in_dim3A_1, %scan3A_807 = %broadcast_in_dim3A_1, %scan3A_808 = %broadcast_in_dim3A_1) -> (vector<16xf32>, vector<16xf32>, vector<16xf32>, vector<16xf32>, vector<16xf32>, vector<16xf32>, vector<16xf32>, vector<16xf32>, vector<16xf32>, vector<16xf32>, vector<16xf32>, vector<16xf32>, vector<16xf32>, vector<16xf32>, vector<16xf32>, vector<16xf32>, vector<16xf32>, vector<16xf32>, vector<16xf32>, vector<16xf32>, vector<16xf32>, vector<16xf32>, vector<16xf32>, vector<16xf32>)  : i32 {
        %mul3A_809 = arith.constant 2 : i32
        %mul3A_810 = arith.muli %mul3A_809, %scan3A_784 : i32
        %add3A_811 = arith.constant 1 : i32
        %add3A_812 = arith.addi %mul3A_810, %add3A_811 : i32
        %lt3A_813 = arith.constant 16 : i32
        %lt3A_814 = arith.cmpi slt, %add3A_812, %lt3A_813 : i32
        %convert_element_type3A_815 = arith.extui %lt3A_814 : i1 to i32
        %cond3A_816 = arith.constant 0 : i32
        %cond3A_817 = arith.cmpi ne, %convert_element_type3A_815, %cond3A_816 : i32
        scf.if %cond3A_817 {
          %add3A_858 = arith.constant 1 : i32
          %add3A_859 = arith.addi %mul3A_810, %add3A_858 : i32
          %mul3A_860 = arith.constant 2 : i32
          %mul3A_861 = arith.muli %add3A_859, %mul3A_860 : i32
          %dma_start3A_862 = arith.constant 0 : i32
          %dma_start3A_863 = arith.constant 0 : i32
          %dma_start3A_864 = tpu.memref_slice %arg2[%add3A_5, %mul3A_861, %dma_start3A_862, %dma_start3A_863] : memref<64x32x32x384xf32, #tpu.memory_space<hbm>> -> memref<1x2x32x384xf32, #tpu.memory_space<hbm>>
          %dma_start3A_865 = tpu.memref_squeeze %dma_start3A_864 : memref<1x2x32x384xf32, #tpu.memory_space<hbm>> -> memref<2x32x384xf32, #tpu.memory_space<hbm>>
          %dma_start3A_866 = arith.constant 0 : i32
          %dma_start3A_867 = arith.constant 0 : i32
          %dma_start3A_868 = tpu.memref_slice %arg2[%add3A_5, %mul3A_861, %dma_start3A_866, %dma_start3A_867] : memref<64x32x32x384xf32, #tpu.memory_space<hbm>> -> memref<1x2x32x384xf32, #tpu.memory_space<hbm>>
          %dma_start3A_869 = tpu.memref_squeeze %dma_start3A_868 : memref<1x2x32x384xf32, #tpu.memory_space<hbm>> -> memref<2x32x384xf32, #tpu.memory_space<hbm>>
          tpu.enqueue_dma source(%dma_start3A_869 : memref<2x32x384xf32, #tpu.memory_space<hbm>>) target(%arg9 : memref<2x32x384xf32, #tpu.memory_space<vmem>>) target_semaphore(%arg17 : memref<!tpu.dma_semaphore, #tpu.memory_space<semaphore_mem>>)
        } else {
        }
        %mul3A_818 = arith.constant 2 : i32
        %mul3A_819 = arith.muli %mul3A_810, %mul3A_818 : i32
        %dma_wait3A = arith.constant 0 : i32
        %dma_wait3A_820 = arith.constant 0 : i32
        %dma_wait3A_821 = tpu.memref_slice %arg2[%add3A_5, %mul3A_819, %dma_wait3A, %dma_wait3A_820] : memref<64x32x32x384xf32, #tpu.memory_space<hbm>> -> memref<1x2x32x384xf32, #tpu.memory_space<hbm>>
        %dma_wait3A_822 = tpu.memref_squeeze %dma_wait3A_821 : memref<1x2x32x384xf32, #tpu.memory_space<hbm>> -> memref<2x32x384xf32, #tpu.memory_space<hbm>>
        %dma_wait3A_823 = arith.constant 0 : i32
        %dma_wait3A_824 = arith.constant 0 : i32
        %dma_wait3A_825 = tpu.memref_slice %arg2[%add3A_5, %mul3A_819, %dma_wait3A_823, %dma_wait3A_824] : memref<64x32x32x384xf32, #tpu.memory_space<hbm>> -> memref<1x2x32x384xf32, #tpu.memory_space<hbm>>
        %dma_wait3A_826 = tpu.memref_squeeze %dma_wait3A_825 : memref<1x2x32x384xf32, #tpu.memory_space<hbm>> -> memref<2x32x384xf32, #tpu.memory_space<hbm>>
        tpu.wait_dma2 semaphore(%arg16 : memref<!tpu.dma_semaphore, #tpu.memory_space<semaphore_mem>>) src(%dma_wait3A_826 : memref<2x32x384xf32, #tpu.memory_space<hbm>>) dst(%arg8 : memref<2x32x384xf32, #tpu.memory_space<vmem>>)
        %scan3A_827 = arith.constant 0 : i32
        %scan3A_828 = arith.constant 64 : i32
        %scan3A_829 = arith.addi %scan3A_827, %scan3A_828 : i32
        %scan3A_830 = arith.constant 1 : i32
        %scan3A_831:24 = scf.for %scan3A_858 = %scan3A_827 to %scan3A_829 step %scan3A_830 iter_args(%scan3A_859 = %scan3A_785, %scan3A_860 = %scan3A_786, %scan3A_861 = %scan3A_787, %scan3A_862 = %scan3A_788, %scan3A_863 = %scan3A_789, %scan3A_864 = %scan3A_790, %scan3A_865 = %scan3A_791, %scan3A_866 = %scan3A_792, %scan3A_867 = %scan3A_793, %scan3A_868 = %scan3A_794, %scan3A_869 = %scan3A_795, %scan3A_870 = %scan3A_796, %scan3A_871 = %scan3A_797, %scan3A_872 = %scan3A_798, %scan3A_873 = %scan3A_799, %scan3A_874 = %scan3A_800, %scan3A_875 = %scan3A_801, %scan3A_876 = %scan3A_802, %scan3A_877 = %scan3A_803, %scan3A_878 = %scan3A_804, %scan3A_879 = %scan3A_805, %scan3A_880 = %scan3A_806, %scan3A_881 = %scan3A_807, %scan3A_882 = %scan3A_808) -> (vector<16xf32>, vector<16xf32>, vector<16xf32>, vector<16xf32>, vector<16xf32>, vector<16xf32>, vector<16xf32>, vector<16xf32>, vector<16xf32>, vector<16xf32>, vector<16xf32>, vector<16xf32>, vector<16xf32>, vector<16xf32>, vector<16xf32>, vector<16xf32>, vector<16xf32>, vector<16xf32>, vector<16xf32>, vector<16xf32>, vector<16xf32>, vector<16xf32>, vector<16xf32>, vector<16xf32>)  : i32 {
          %jit3A_883 = arith.constant 32 : i32
          %div3A_884 = arith.divsi %scan3A_858, %jit3A_883 : i32
          %sign3A = arith.constant 0 : i32
          %sign3A_885 = arith.cmpi sgt, %scan3A_858, %sign3A : i32
          %sign3A_886 = arith.extui %sign3A_885 : i1 to i32
          %sign3A_887 = arith.constant 0 : i32
          %sign3A_888 = arith.cmpi slt, %scan3A_858, %sign3A_887 : i32
          %sign3A_889 = arith.extui %sign3A_888 : i1 to i32
          %sign3A_890 = arith.subi %sign3A_886, %sign3A_889 : i32
          %sign3A_891 = arith.constant 0 : i32
          %sign3A_892 = arith.cmpi sgt, %jit3A_883, %sign3A_891 : i32
          %sign3A_893 = arith.extui %sign3A_892 : i1 to i32
          %sign3A_894 = arith.constant 0 : i32
          %sign3A_895 = arith.cmpi slt, %jit3A_883, %sign3A_894 : i32
          %sign3A_896 = arith.extui %sign3A_895 : i1 to i32
          %sign3A_897 = arith.subi %sign3A_893, %sign3A_896 : i32
          %ne3A = arith.cmpi ne, %sign3A_890, %sign3A_897 : i32
          %rem3A = arith.remsi %scan3A_858, %jit3A_883 : i32
          %ne3A_898 = arith.constant 0 : i32
          %ne3A_899 = arith.cmpi ne, %rem3A, %ne3A_898 : i32
          %and3A = arith.andi %ne3A, %ne3A_899 : i1
          %sub3A = arith.constant 1 : i32
          %sub3A_900 = arith.subi %div3A_884, %sub3A : i32
          %select_n3A_901 = arith.select %and3A, %sub3A_900, %div3A_884 : i32
          %mul3A_902 = arith.constant 32 : i32
          %mul3A_903 = arith.muli %select_n3A_901, %mul3A_902 : i32
          %sub3A_904 = arith.subi %scan3A_858, %mul3A_903 : i32
          %get3A_905 = arith.index_cast %select_n3A_901 : i32 to index
          %get3A_906 = arith.index_cast %sub3A_904 : i32 to index
          %get3A_907 = arith.constant 0 : index
          %get3A_908 = tpu.vector_load %arg8[%get3A_905, %get3A_906, %get3A_907] {strides = array<i32>} : memref<2x32x384xf32, #tpu.memory_space<vmem>>, vector<16xf32>,
          %add3A_909 = arith.addf %scan3A_859, %get3A_908 : vector<16xf32>
          %get3A_910 = arith.index_cast %select_n3A_901 : i32 to index
          %get3A_911 = arith.index_cast %sub3A_904 : i32 to index
          %get3A_912 = arith.constant 16 : index
          %get3A_913 = tpu.vector_load %arg8[%get3A_910, %get3A_911, %get3A_912] {strides = array<i32>} : memref<2x32x384xf32, #tpu.memory_space<vmem>>, vector<16xf32>,
          %add3A_914 = arith.addf %scan3A_860, %get3A_913 : vector<16xf32>
          %get3A_915 = arith.index_cast %select_n3A_901 : i32 to index
          %get3A_916 = arith.index_cast %sub3A_904 : i32 to index
          %get3A_917 = arith.constant 32 : index
          %get3A_918 = tpu.vector_load %arg8[%get3A_915, %get3A_916, %get3A_917] {strides = array<i32>} : memref<2x32x384xf32, #tpu.memory_space<vmem>>, vector<16xf32>,
          %add3A_919 = arith.addf %scan3A_861, %get3A_918 : vector<16xf32>
          %get3A_920 = arith.index_cast %select_n3A_901 : i32 to index
          %get3A_921 = arith.index_cast %sub3A_904 : i32 to index
          %get3A_922 = arith.constant 48 : index
          %get3A_923 = tpu.vector_load %arg8[%get3A_920, %get3A_921, %get3A_922] {strides = array<i32>} : memref<2x32x384xf32, #tpu.memory_space<vmem>>, vector<16xf32>,
          %add3A_924 = arith.addf %scan3A_862, %get3A_923 : vector<16xf32>
          %get3A_925 = arith.index_cast %select_n3A_901 : i32 to index
          %get3A_926 = arith.index_cast %sub3A_904 : i32 to index
          %get3A_927 = arith.constant 64 : index
          %get3A_928 = tpu.vector_load %arg8[%get3A_925, %get3A_926, %get3A_927] {strides = array<i32>} : memref<2x32x384xf32, #tpu.memory_space<vmem>>, vector<16xf32>,
          %add3A_929 = arith.addf %scan3A_863, %get3A_928 : vector<16xf32>
          %get3A_930 = arith.index_cast %select_n3A_901 : i32 to index
          %get3A_931 = arith.index_cast %sub3A_904 : i32 to index
          %get3A_932 = arith.constant 80 : index
          %get3A_933 = tpu.vector_load %arg8[%get3A_930, %get3A_931, %get3A_932] {strides = array<i32>} : memref<2x32x384xf32, #tpu.memory_space<vmem>>, vector<16xf32>,
          %add3A_934 = arith.addf %scan3A_864, %get3A_933 : vector<16xf32>
          %get3A_935 = arith.index_cast %select_n3A_901 : i32 to index
          %get3A_936 = arith.index_cast %sub3A_904 : i32 to index
          %get3A_937 = arith.constant 96 : index
          %get3A_938 = tpu.vector_load %arg8[%get3A_935, %get3A_936, %get3A_937] {strides = array<i32>} : memref<2x32x384xf32, #tpu.memory_space<vmem>>, vector<16xf32>,
          %add3A_939 = arith.addf %scan3A_865, %get3A_938 : vector<16xf32>
          %get3A_940 = arith.index_cast %select_n3A_901 : i32 to index
          %get3A_941 = arith.index_cast %sub3A_904 : i32 to index
          %get3A_942 = arith.constant 112 : index
          %get3A_943 = tpu.vector_load %arg8[%get3A_940, %get3A_941, %get3A_942] {strides = array<i32>} : memref<2x32x384xf32, #tpu.memory_space<vmem>>, vector<16xf32>,
          %add3A_944 = arith.addf %scan3A_866, %get3A_943 : vector<16xf32>
          %get3A_945 = arith.index_cast %select_n3A_901 : i32 to index
          %get3A_946 = arith.index_cast %sub3A_904 : i32 to index
          %get3A_947 = arith.constant 128 : index
          %get3A_948 = tpu.vector_load %arg8[%get3A_945, %get3A_946, %get3A_947] {strides = array<i32>} : memref<2x32x384xf32, #tpu.memory_space<vmem>>, vector<16xf32>,
          %add3A_949 = arith.addf %scan3A_867, %get3A_948 : vector<16xf32>
          %get3A_950 = arith.index_cast %select_n3A_901 : i32 to index
          %get3A_951 = arith.index_cast %sub3A_904 : i32 to index
          %get3A_952 = arith.constant 144 : index
          %get3A_953 = tpu.vector_load %arg8[%get3A_950, %get3A_951, %get3A_952] {strides = array<i32>} : memref<2x32x384xf32, #tpu.memory_space<vmem>>, vector<16xf32>,
          %add3A_954 = arith.addf %scan3A_868, %get3A_953 : vector<16xf32>
          %get3A_955 = arith.index_cast %select_n3A_901 : i32 to index
          %get3A_956 = arith.index_cast %sub3A_904 : i32 to index
          %get3A_957 = arith.constant 160 : index
          %get3A_958 = tpu.vector_load %arg8[%get3A_955, %get3A_956, %get3A_957] {strides = array<i32>} : memref<2x32x384xf32, #tpu.memory_space<vmem>>, vector<16xf32>,
          %add3A_959 = arith.addf %scan3A_869, %get3A_958 : vector<16xf32>
          %get3A_960 = arith.index_cast %select_n3A_901 : i32 to index
          %get3A_961 = arith.index_cast %sub3A_904 : i32 to index
          %get3A_962 = arith.constant 176 : index
          %get3A_963 = tpu.vector_load %arg8[%get3A_960, %get3A_961, %get3A_962] {strides = array<i32>} : memref<2x32x384xf32, #tpu.memory_space<vmem>>, vector<16xf32>,
          %add3A_964 = arith.addf %scan3A_870, %get3A_963 : vector<16xf32>
          %get3A_965 = arith.index_cast %select_n3A_901 : i32 to index
          %get3A_966 = arith.index_cast %sub3A_904 : i32 to index
          %get3A_967 = arith.constant 192 : index
          %get3A_968 = tpu.vector_load %arg8[%get3A_965, %get3A_966, %get3A_967] {strides = array<i32>} : memref<2x32x384xf32, #tpu.memory_space<vmem>>, vector<16xf32>,
          %add3A_969 = arith.addf %scan3A_871, %get3A_968 : vector<16xf32>
          %get3A_970 = arith.index_cast %select_n3A_901 : i32 to index
          %get3A_971 = arith.index_cast %sub3A_904 : i32 to index
          %get3A_972 = arith.constant 208 : index
          %get3A_973 = tpu.vector_load %arg8[%get3A_970, %get3A_971, %get3A_972] {strides = array<i32>} : memref<2x32x384xf32, #tpu.memory_space<vmem>>, vector<16xf32>,
          %add3A_974 = arith.addf %scan3A_872, %get3A_973 : vector<16xf32>
          %get3A_975 = arith.index_cast %select_n3A_901 : i32 to index
          %get3A_976 = arith.index_cast %sub3A_904 : i32 to index
          %get3A_977 = arith.constant 224 : index
          %get3A_978 = tpu.vector_load %arg8[%get3A_975, %get3A_976, %get3A_977] {strides = array<i32>} : memref<2x32x384xf32, #tpu.memory_space<vmem>>, vector<16xf32>,
          %add3A_979 = arith.addf %scan3A_873, %get3A_978 : vector<16xf32>
          %get3A_980 = arith.index_cast %select_n3A_901 : i32 to index
          %get3A_981 = arith.index_cast %sub3A_904 : i32 to index
          %get3A_982 = arith.constant 240 : index
          %get3A_983 = tpu.vector_load %arg8[%get3A_980, %get3A_981, %get3A_982] {strides = array<i32>} : memref<2x32x384xf32, #tpu.memory_space<vmem>>, vector<16xf32>,
          %add3A_984 = arith.addf %scan3A_874, %get3A_983 : vector<16xf32>
          %get3A_985 = arith.index_cast %select_n3A_901 : i32 to index
          %get3A_986 = arith.index_cast %sub3A_904 : i32 to index
          %get3A_987 = arith.constant 256 : index
          %get3A_988 = tpu.vector_load %arg8[%get3A_985, %get3A_986, %get3A_987] {strides = array<i32>} : memref<2x32x384xf32, #tpu.memory_space<vmem>>, vector<16xf32>,
          %add3A_989 = arith.addf %scan3A_875, %get3A_988 : vector<16xf32>
          %get3A_990 = arith.index_cast %select_n3A_901 : i32 to index
          %get3A_991 = arith.index_cast %sub3A_904 : i32 to index
          %get3A_992 = arith.constant 272 : index
          %get3A_993 = tpu.vector_load %arg8[%get3A_990, %get3A_991, %get3A_992] {strides = array<i32>} : memref<2x32x384xf32, #tpu.memory_space<vmem>>, vector<16xf32>,
          %add3A_994 = arith.addf %scan3A_876, %get3A_993 : vector<16xf32>
          %get3A_995 = arith.index_cast %select_n3A_901 : i32 to index
          %get3A_996 = arith.index_cast %sub3A_904 : i32 to index
          %get3A_997 = arith.constant 288 : index
          %get3A_998 = tpu.vector_load %arg8[%get3A_995, %get3A_996, %get3A_997] {strides = array<i32>} : memref<2x32x384xf32, #tpu.memory_space<vmem>>, vector<16xf32>,
          %add3A_999 = arith.addf %scan3A_877, %get3A_998 : vector<16xf32>
          %get3A_1000 = arith.index_cast %select_n3A_901 : i32 to index
          %get3A_1001 = arith.index_cast %sub3A_904 : i32 to index
          %get3A_1002 = arith.constant 304 : index
          %get3A_1003 = tpu.vector_load %arg8[%get3A_1000, %get3A_1001, %get3A_1002] {strides = array<i32>} : memref<2x32x384xf32, #tpu.memory_space<vmem>>, vector<16xf32>,
          %add3A_1004 = arith.addf %scan3A_878, %get3A_1003 : vector<16xf32>
          %get3A_1005 = arith.index_cast %select_n3A_901 : i32 to index
          %get3A_1006 = arith.index_cast %sub3A_904 : i32 to index
          %get3A_1007 = arith.constant 320 : index
          %get3A_1008 = tpu.vector_load %arg8[%get3A_1005, %get3A_1006, %get3A_1007] {strides = array<i32>} : memref<2x32x384xf32, #tpu.memory_space<vmem>>, vector<16xf32>,
          %add3A_1009 = arith.addf %scan3A_879, %get3A_1008 : vector<16xf32>
          %get3A_1010 = arith.index_cast %select_n3A_901 : i32 to index
          %get3A_1011 = arith.index_cast %sub3A_904 : i32 to index
          %get3A_1012 = arith.constant 336 : index
          %get3A_1013 = tpu.vector_load %arg8[%get3A_1010, %get3A_1011, %get3A_1012] {strides = array<i32>} : memref<2x32x384xf32, #tpu.memory_space<vmem>>, vector<16xf32>,
          %add3A_1014 = arith.addf %scan3A_880, %get3A_1013 : vector<16xf32>
          %get3A_1015 = arith.index_cast %select_n3A_901 : i32 to index
          %get3A_1016 = arith.index_cast %sub3A_904 : i32 to index
          %get3A_1017 = arith.constant 352 : index
          %get3A_1018 = tpu.vector_load %arg8[%get3A_1015, %get3A_1016, %get3A_1017] {strides = array<i32>} : memref<2x32x384xf32, #tpu.memory_space<vmem>>, vector<16xf32>,
          %add3A_1019 = arith.addf %scan3A_881, %get3A_1018 : vector<16xf32>
          %get3A_1020 = arith.index_cast %select_n3A_901 : i32 to index
          %get3A_1021 = arith.index_cast %sub3A_904 : i32 to index
          %get3A_1022 = arith.constant 368 : index
          %get3A_1023 = tpu.vector_load %arg8[%get3A_1020, %get3A_1021, %get3A_1022] {strides = array<i32>} : memref<2x32x384xf32, #tpu.memory_space<vmem>>, vector<16xf32>,
          %add3A_1024 = arith.addf %scan3A_882, %get3A_1023 : vector<16xf32>
          scf.yield %add3A_909, %add3A_914, %add3A_919, %add3A_924, %add3A_929, %add3A_934, %add3A_939, %add3A_944, %add3A_949, %add3A_954, %add3A_959, %add3A_964, %add3A_969, %add3A_974, %add3A_979, %add3A_984, %add3A_989, %add3A_994, %add3A_999, %add3A_1004, %add3A_1009, %add3A_1014, %add3A_1019, %add3A_1024 : vector<16xf32>, vector<16xf32>, vector<16xf32>, vector<16xf32>, vector<16xf32>, vector<16xf32>, vector<16xf32>, vector<16xf32>, vector<16xf32>, vector<16xf32>, vector<16xf32>, vector<16xf32>, vector<16xf32>, vector<16xf32>, vector<16xf32>, vector<16xf32>, vector<16xf32>, vector<16xf32>, vector<16xf32>, vector<16xf32>, vector<16xf32>, vector<16xf32>, vector<16xf32>, vector<16xf32>
        }
        %scan3A_832 = arith.constant 64 : i32
        %add3A_833 = arith.constant 2 : i32
        %add3A_834 = arith.addi %mul3A_810, %add3A_833 : i32
        %lt3A_835 = arith.constant 16 : i32
        %lt3A_836 = arith.cmpi slt, %add3A_834, %lt3A_835 : i32
        %convert_element_type3A_837 = arith.extui %lt3A_836 : i1 to i32
        %cond3A_838 = arith.constant 0 : i32
        %cond3A_839 = arith.cmpi ne, %convert_element_type3A_837, %cond3A_838 : i32
        scf.if %cond3A_839 {
          %add3A_858 = arith.constant 2 : i32
          %add3A_859 = arith.addi %mul3A_810, %add3A_858 : i32
          %mul3A_860 = arith.constant 2 : i32
          %mul3A_861 = arith.muli %add3A_859, %mul3A_860 : i32
          %dma_start3A_862 = arith.constant 0 : i32
          %dma_start3A_863 = arith.constant 0 : i32
          %dma_start3A_864 = tpu.memref_slice %arg2[%add3A_5, %mul3A_861, %dma_start3A_862, %dma_start3A_863] : memref<64x32x32x384xf32, #tpu.memory_space<hbm>> -> memref<1x2x32x384xf32, #tpu.memory_space<hbm>>
          %dma_start3A_865 = tpu.memref_squeeze %dma_start3A_864 : memref<1x2x32x384xf32, #tpu.memory_space<hbm>> -> memref<2x32x384xf32, #tpu.memory_space<hbm>>
          %dma_start3A_866 = arith.constant 0 : i32
          %dma_start3A_867 = arith.constant 0 : i32
          %dma_start3A_868 = tpu.memref_slice %arg2[%add3A_5, %mul3A_861, %dma_start3A_866, %dma_start3A_867] : memref<64x32x32x384xf32, #tpu.memory_space<hbm>> -> memref<1x2x32x384xf32, #tpu.memory_space<hbm>>
          %dma_start3A_869 = tpu.memref_squeeze %dma_start3A_868 : memref<1x2x32x384xf32, #tpu.memory_space<hbm>> -> memref<2x32x384xf32, #tpu.memory_space<hbm>>
          tpu.enqueue_dma source(%dma_start3A_869 : memref<2x32x384xf32, #tpu.memory_space<hbm>>) target(%arg8 : memref<2x32x384xf32, #tpu.memory_space<vmem>>) target_semaphore(%arg16 : memref<!tpu.dma_semaphore, #tpu.memory_space<semaphore_mem>>)
        } else {
        }
        %add3A_840 = arith.constant 1 : i32
        %add3A_841 = arith.addi %mul3A_810, %add3A_840 : i32
        %mul3A_842 = arith.constant 2 : i32
        %mul3A_843 = arith.muli %add3A_841, %mul3A_842 : i32
        %dma_wait3A_844 = arith.constant 0 : i32
        %dma_wait3A_845 = arith.constant 0 : i32
        %dma_wait3A_846 = tpu.memref_slice %arg2[%add3A_5, %mul3A_843, %dma_wait3A_844, %dma_wait3A_845] : memref<64x32x32x384xf32, #tpu.memory_space<hbm>> -> memref<1x2x32x384xf32, #tpu.memory_space<hbm>>
        %dma_wait3A_847 = tpu.memref_squeeze %dma_wait3A_846 : memref<1x2x32x384xf32, #tpu.memory_space<hbm>> -> memref<2x32x384xf32, #tpu.memory_space<hbm>>
        %dma_wait3A_848 = arith.constant 0 : i32
        %dma_wait3A_849 = arith.constant 0 : i32
        %dma_wait3A_850 = tpu.memref_slice %arg2[%add3A_5, %mul3A_843, %dma_wait3A_848, %dma_wait3A_849] : memref<64x32x32x384xf32, #tpu.memory_space<hbm>> -> memref<1x2x32x384xf32, #tpu.memory_space<hbm>>
        %dma_wait3A_851 = tpu.memref_squeeze %dma_wait3A_850 : memref<1x2x32x384xf32, #tpu.memory_space<hbm>> -> memref<2x32x384xf32, #tpu.memory_space<hbm>>
        tpu.wait_dma2 semaphore(%arg17 : memref<!tpu.dma_semaphore, #tpu.memory_space<semaphore_mem>>) src(%dma_wait3A_851 : memref<2x32x384xf32, #tpu.memory_space<hbm>>) dst(%arg9 : memref<2x32x384xf32, #tpu.memory_space<vmem>>)
        %scan3A_852 = arith.constant 0 : i32
        %scan3A_853 = arith.constant 64 : i32
        %scan3A_854 = arith.addi %scan3A_852, %scan3A_853 : i32
        %scan3A_855 = arith.constant 1 : i32
        %scan3A_856:24 = scf.for %scan3A_858 = %scan3A_852 to %scan3A_854 step %scan3A_855 iter_args(%scan3A_859 = %scan3A_831#0, %scan3A_860 = %scan3A_831#1, %scan3A_861 = %scan3A_831#2, %scan3A_862 = %scan3A_831#3, %scan3A_863 = %scan3A_831#4, %scan3A_864 = %scan3A_831#5, %scan3A_865 = %scan3A_831#6, %scan3A_866 = %scan3A_831#7, %scan3A_867 = %scan3A_831#8, %scan3A_868 = %scan3A_831#9, %scan3A_869 = %scan3A_831#10, %scan3A_870 = %scan3A_831#11, %scan3A_871 = %scan3A_831#12, %scan3A_872 = %scan3A_831#13, %scan3A_873 = %scan3A_831#14, %scan3A_874 = %scan3A_831#15, %scan3A_875 = %scan3A_831#16, %scan3A_876 = %scan3A_831#17, %scan3A_877 = %scan3A_831#18, %scan3A_878 = %scan3A_831#19, %scan3A_879 = %scan3A_831#20, %scan3A_880 = %scan3A_831#21, %scan3A_881 = %scan3A_831#22, %scan3A_882 = %scan3A_831#23) -> (vector<16xf32>, vector<16xf32>, vector<16xf32>, vector<16xf32>, vector<16xf32>, vector<16xf32>, vector<16xf32>, vector<16xf32>, vector<16xf32>, vector<16xf32>, vector<16xf32>, vector<16xf32>, vector<16xf32>, vector<16xf32>, vector<16xf32>, vector<16xf32>, vector<16xf32>, vector<16xf32>, vector<16xf32>, vector<16xf32>, vector<16xf32>, vector<16xf32>, vector<16xf32>, vector<16xf32>)  : i32 {
          %jit3A_883 = arith.constant 32 : i32
          %div3A_884 = arith.divsi %scan3A_858, %jit3A_883 : i32
          %sign3A = arith.constant 0 : i32
          %sign3A_885 = arith.cmpi sgt, %scan3A_858, %sign3A : i32
          %sign3A_886 = arith.extui %sign3A_885 : i1 to i32
          %sign3A_887 = arith.constant 0 : i32
          %sign3A_888 = arith.cmpi slt, %scan3A_858, %sign3A_887 : i32
          %sign3A_889 = arith.extui %sign3A_888 : i1 to i32
          %sign3A_890 = arith.subi %sign3A_886, %sign3A_889 : i32
          %sign3A_891 = arith.constant 0 : i32
          %sign3A_892 = arith.cmpi sgt, %jit3A_883, %sign3A_891 : i32
          %sign3A_893 = arith.extui %sign3A_892 : i1 to i32
          %sign3A_894 = arith.constant 0 : i32
          %sign3A_895 = arith.cmpi slt, %jit3A_883, %sign3A_894 : i32
          %sign3A_896 = arith.extui %sign3A_895 : i1 to i32
          %sign3A_897 = arith.subi %sign3A_893, %sign3A_896 : i32
          %ne3A = arith.cmpi ne, %sign3A_890, %sign3A_897 : i32
          %rem3A = arith.remsi %scan3A_858, %jit3A_883 : i32
          %ne3A_898 = arith.constant 0 : i32
          %ne3A_899 = arith.cmpi ne, %rem3A, %ne3A_898 : i32
          %and3A = arith.andi %ne3A, %ne3A_899 : i1
          %sub3A = arith.constant 1 : i32
          %sub3A_900 = arith.subi %div3A_884, %sub3A : i32
          %select_n3A_901 = arith.select %and3A, %sub3A_900, %div3A_884 : i32
          %mul3A_902 = arith.constant 32 : i32
          %mul3A_903 = arith.muli %select_n3A_901, %mul3A_902 : i32
          %sub3A_904 = arith.subi %scan3A_858, %mul3A_903 : i32
          %get3A_905 = arith.index_cast %select_n3A_901 : i32 to index
          %get3A_906 = arith.index_cast %sub3A_904 : i32 to index
          %get3A_907 = arith.constant 0 : index
          %get3A_908 = tpu.vector_load %arg9[%get3A_905, %get3A_906, %get3A_907] {strides = array<i32>} : memref<2x32x384xf32, #tpu.memory_space<vmem>>, vector<16xf32>,
          %add3A_909 = arith.addf %scan3A_859, %get3A_908 : vector<16xf32>
          %get3A_910 = arith.index_cast %select_n3A_901 : i32 to index
          %get3A_911 = arith.index_cast %sub3A_904 : i32 to index
          %get3A_912 = arith.constant 16 : index
          %get3A_913 = tpu.vector_load %arg9[%get3A_910, %get3A_911, %get3A_912] {strides = array<i32>} : memref<2x32x384xf32, #tpu.memory_space<vmem>>, vector<16xf32>,
          %add3A_914 = arith.addf %scan3A_860, %get3A_913 : vector<16xf32>
          %get3A_915 = arith.index_cast %select_n3A_901 : i32 to index
          %get3A_916 = arith.index_cast %sub3A_904 : i32 to index
          %get3A_917 = arith.constant 32 : index
          %get3A_918 = tpu.vector_load %arg9[%get3A_915, %get3A_916, %get3A_917] {strides = array<i32>} : memref<2x32x384xf32, #tpu.memory_space<vmem>>, vector<16xf32>,
          %add3A_919 = arith.addf %scan3A_861, %get3A_918 : vector<16xf32>
          %get3A_920 = arith.index_cast %select_n3A_901 : i32 to index
          %get3A_921 = arith.index_cast %sub3A_904 : i32 to index
          %get3A_922 = arith.constant 48 : index
          %get3A_923 = tpu.vector_load %arg9[%get3A_920, %get3A_921, %get3A_922] {strides = array<i32>} : memref<2x32x384xf32, #tpu.memory_space<vmem>>, vector<16xf32>,
          %add3A_924 = arith.addf %scan3A_862, %get3A_923 : vector<16xf32>
          %get3A_925 = arith.index_cast %select_n3A_901 : i32 to index
          %get3A_926 = arith.index_cast %sub3A_904 : i32 to index
          %get3A_927 = arith.constant 64 : index
          %get3A_928 = tpu.vector_load %arg9[%get3A_925, %get3A_926, %get3A_927] {strides = array<i32>} : memref<2x32x384xf32, #tpu.memory_space<vmem>>, vector<16xf32>,
          %add3A_929 = arith.addf %scan3A_863, %get3A_928 : vector<16xf32>
          %get3A_930 = arith.index_cast %select_n3A_901 : i32 to index
          %get3A_931 = arith.index_cast %sub3A_904 : i32 to index
          %get3A_932 = arith.constant 80 : index
          %get3A_933 = tpu.vector_load %arg9[%get3A_930, %get3A_931, %get3A_932] {strides = array<i32>} : memref<2x32x384xf32, #tpu.memory_space<vmem>>, vector<16xf32>,
          %add3A_934 = arith.addf %scan3A_864, %get3A_933 : vector<16xf32>
          %get3A_935 = arith.index_cast %select_n3A_901 : i32 to index
          %get3A_936 = arith.index_cast %sub3A_904 : i32 to index
          %get3A_937 = arith.constant 96 : index
          %get3A_938 = tpu.vector_load %arg9[%get3A_935, %get3A_936, %get3A_937] {strides = array<i32>} : memref<2x32x384xf32, #tpu.memory_space<vmem>>, vector<16xf32>,
          %add3A_939 = arith.addf %scan3A_865, %get3A_938 : vector<16xf32>
          %get3A_940 = arith.index_cast %select_n3A_901 : i32 to index
          %get3A_941 = arith.index_cast %sub3A_904 : i32 to index
          %get3A_942 = arith.constant 112 : index
          %get3A_943 = tpu.vector_load %arg9[%get3A_940, %get3A_941, %get3A_942] {strides = array<i32>} : memref<2x32x384xf32, #tpu.memory_space<vmem>>, vector<16xf32>,
          %add3A_944 = arith.addf %scan3A_866, %get3A_943 : vector<16xf32>
          %get3A_945 = arith.index_cast %select_n3A_901 : i32 to index
          %get3A_946 = arith.index_cast %sub3A_904 : i32 to index
          %get3A_947 = arith.constant 128 : index
          %get3A_948 = tpu.vector_load %arg9[%get3A_945, %get3A_946, %get3A_947] {strides = array<i32>} : memref<2x32x384xf32, #tpu.memory_space<vmem>>, vector<16xf32>,
          %add3A_949 = arith.addf %scan3A_867, %get3A_948 : vector<16xf32>
          %get3A_950 = arith.index_cast %select_n3A_901 : i32 to index
          %get3A_951 = arith.index_cast %sub3A_904 : i32 to index
          %get3A_952 = arith.constant 144 : index
          %get3A_953 = tpu.vector_load %arg9[%get3A_950, %get3A_951, %get3A_952] {strides = array<i32>} : memref<2x32x384xf32, #tpu.memory_space<vmem>>, vector<16xf32>,
          %add3A_954 = arith.addf %scan3A_868, %get3A_953 : vector<16xf32>
          %get3A_955 = arith.index_cast %select_n3A_901 : i32 to index
          %get3A_956 = arith.index_cast %sub3A_904 : i32 to index
          %get3A_957 = arith.constant 160 : index
          %get3A_958 = tpu.vector_load %arg9[%get3A_955, %get3A_956, %get3A_957] {strides = array<i32>} : memref<2x32x384xf32, #tpu.memory_space<vmem>>, vector<16xf32>,
          %add3A_959 = arith.addf %scan3A_869, %get3A_958 : vector<16xf32>
          %get3A_960 = arith.index_cast %select_n3A_901 : i32 to index
          %get3A_961 = arith.index_cast %sub3A_904 : i32 to index
          %get3A_962 = arith.constant 176 : index
          %get3A_963 = tpu.vector_load %arg9[%get3A_960, %get3A_961, %get3A_962] {strides = array<i32>} : memref<2x32x384xf32, #tpu.memory_space<vmem>>, vector<16xf32>,
          %add3A_964 = arith.addf %scan3A_870, %get3A_963 : vector<16xf32>
          %get3A_965 = arith.index_cast %select_n3A_901 : i32 to index
          %get3A_966 = arith.index_cast %sub3A_904 : i32 to index
          %get3A_967 = arith.constant 192 : index
          %get3A_968 = tpu.vector_load %arg9[%get3A_965, %get3A_966, %get3A_967] {strides = array<i32>} : memref<2x32x384xf32, #tpu.memory_space<vmem>>, vector<16xf32>,
          %add3A_969 = arith.addf %scan3A_871, %get3A_968 : vector<16xf32>
          %get3A_970 = arith.index_cast %select_n3A_901 : i32 to index
          %get3A_971 = arith.index_cast %sub3A_904 : i32 to index
          %get3A_972 = arith.constant 208 : index
          %get3A_973 = tpu.vector_load %arg9[%get3A_970, %get3A_971, %get3A_972] {strides = array<i32>} : memref<2x32x384xf32, #tpu.memory_space<vmem>>, vector<16xf32>,
          %add3A_974 = arith.addf %scan3A_872, %get3A_973 : vector<16xf32>
          %get3A_975 = arith.index_cast %select_n3A_901 : i32 to index
          %get3A_976 = arith.index_cast %sub3A_904 : i32 to index
          %get3A_977 = arith.constant 224 : index
          %get3A_978 = tpu.vector_load %arg9[%get3A_975, %get3A_976, %get3A_977] {strides = array<i32>} : memref<2x32x384xf32, #tpu.memory_space<vmem>>, vector<16xf32>,
          %add3A_979 = arith.addf %scan3A_873, %get3A_978 : vector<16xf32>
          %get3A_980 = arith.index_cast %select_n3A_901 : i32 to index
          %get3A_981 = arith.index_cast %sub3A_904 : i32 to index
          %get3A_982 = arith.constant 240 : index
          %get3A_983 = tpu.vector_load %arg9[%get3A_980, %get3A_981, %get3A_982] {strides = array<i32>} : memref<2x32x384xf32, #tpu.memory_space<vmem>>, vector<16xf32>,
          %add3A_984 = arith.addf %scan3A_874, %get3A_983 : vector<16xf32>
          %get3A_985 = arith.index_cast %select_n3A_901 : i32 to index
          %get3A_986 = arith.index_cast %sub3A_904 : i32 to index
          %get3A_987 = arith.constant 256 : index
          %get3A_988 = tpu.vector_load %arg9[%get3A_985, %get3A_986, %get3A_987] {strides = array<i32>} : memref<2x32x384xf32, #tpu.memory_space<vmem>>, vector<16xf32>,
          %add3A_989 = arith.addf %scan3A_875, %get3A_988 : vector<16xf32>
          %get3A_990 = arith.index_cast %select_n3A_901 : i32 to index
          %get3A_991 = arith.index_cast %sub3A_904 : i32 to index
          %get3A_992 = arith.constant 272 : index
          %get3A_993 = tpu.vector_load %arg9[%get3A_990, %get3A_991, %get3A_992] {strides = array<i32>} : memref<2x32x384xf32, #tpu.memory_space<vmem>>, vector<16xf32>,
          %add3A_994 = arith.addf %scan3A_876, %get3A_993 : vector<16xf32>
          %get3A_995 = arith.index_cast %select_n3A_901 : i32 to index
          %get3A_996 = arith.index_cast %sub3A_904 : i32 to index
          %get3A_997 = arith.constant 288 : index
          %get3A_998 = tpu.vector_load %arg9[%get3A_995, %get3A_996, %get3A_997] {strides = array<i32>} : memref<2x32x384xf32, #tpu.memory_space<vmem>>, vector<16xf32>,
          %add3A_999 = arith.addf %scan3A_877, %get3A_998 : vector<16xf32>
          %get3A_1000 = arith.index_cast %select_n3A_901 : i32 to index
          %get3A_1001 = arith.index_cast %sub3A_904 : i32 to index
          %get3A_1002 = arith.constant 304 : index
          %get3A_1003 = tpu.vector_load %arg9[%get3A_1000, %get3A_1001, %get3A_1002] {strides = array<i32>} : memref<2x32x384xf32, #tpu.memory_space<vmem>>, vector<16xf32>,
          %add3A_1004 = arith.addf %scan3A_878, %get3A_1003 : vector<16xf32>
          %get3A_1005 = arith.index_cast %select_n3A_901 : i32 to index
          %get3A_1006 = arith.index_cast %sub3A_904 : i32 to index
          %get3A_1007 = arith.constant 320 : index
          %get3A_1008 = tpu.vector_load %arg9[%get3A_1005, %get3A_1006, %get3A_1007] {strides = array<i32>} : memref<2x32x384xf32, #tpu.memory_space<vmem>>, vector<16xf32>,
          %add3A_1009 = arith.addf %scan3A_879, %get3A_1008 : vector<16xf32>
          %get3A_1010 = arith.index_cast %select_n3A_901 : i32 to index
          %get3A_1011 = arith.index_cast %sub3A_904 : i32 to index
          %get3A_1012 = arith.constant 336 : index
          %get3A_1013 = tpu.vector_load %arg9[%get3A_1010, %get3A_1011, %get3A_1012] {strides = array<i32>} : memref<2x32x384xf32, #tpu.memory_space<vmem>>, vector<16xf32>,
          %add3A_1014 = arith.addf %scan3A_880, %get3A_1013 : vector<16xf32>
          %get3A_1015 = arith.index_cast %select_n3A_901 : i32 to index
          %get3A_1016 = arith.index_cast %sub3A_904 : i32 to index
          %get3A_1017 = arith.constant 352 : index
          %get3A_1018 = tpu.vector_load %arg9[%get3A_1015, %get3A_1016, %get3A_1017] {strides = array<i32>} : memref<2x32x384xf32, #tpu.memory_space<vmem>>, vector<16xf32>,
          %add3A_1019 = arith.addf %scan3A_881, %get3A_1018 : vector<16xf32>
          %get3A_1020 = arith.index_cast %select_n3A_901 : i32 to index
          %get3A_1021 = arith.index_cast %sub3A_904 : i32 to index
          %get3A_1022 = arith.constant 368 : index
          %get3A_1023 = tpu.vector_load %arg9[%get3A_1020, %get3A_1021, %get3A_1022] {strides = array<i32>} : memref<2x32x384xf32, #tpu.memory_space<vmem>>, vector<16xf32>,
          %add3A_1024 = arith.addf %scan3A_882, %get3A_1023 : vector<16xf32>
          scf.yield %add3A_909, %add3A_914, %add3A_919, %add3A_924, %add3A_929, %add3A_934, %add3A_939, %add3A_944, %add3A_949, %add3A_954, %add3A_959, %add3A_964, %add3A_969, %add3A_974, %add3A_979, %add3A_984, %add3A_989, %add3A_994, %add3A_999, %add3A_1004, %add3A_1009, %add3A_1014, %add3A_1019, %add3A_1024 : vector<16xf32>, vector<16xf32>, vector<16xf32>, vector<16xf32>, vector<16xf32>, vector<16xf32>, vector<16xf32>, vector<16xf32>, vector<16xf32>, vector<16xf32>, vector<16xf32>, vector<16xf32>, vector<16xf32>, vector<16xf32>, vector<16xf32>, vector<16xf32>, vector<16xf32>, vector<16xf32>, vector<16xf32>, vector<16xf32>, vector<16xf32>, vector<16xf32>, vector<16xf32>, vector<16xf32>
        }
        %scan3A_857 = arith.constant 64 : i32
        scf.yield %scan3A_856#0, %scan3A_856#1, %scan3A_856#2, %scan3A_856#3, %scan3A_856#4, %scan3A_856#5, %scan3A_856#6, %scan3A_856#7, %scan3A_856#8, %scan3A_856#9, %scan3A_856#10, %scan3A_856#11, %scan3A_856#12, %scan3A_856#13, %scan3A_856#14, %scan3A_856#15, %scan3A_856#16, %scan3A_856#17, %scan3A_856#18, %scan3A_856#19, %scan3A_856#20, %scan3A_856#21, %scan3A_856#22, %scan3A_856#23 : vector<16xf32>, vector<16xf32>, vector<16xf32>, vector<16xf32>, vector<16xf32>, vector<16xf32>, vector<16xf32>, vector<16xf32>, vector<16xf32>, vector<16xf32>, vector<16xf32>, vector<16xf32>, vector<16xf32>, vector<16xf32>, vector<16xf32>, vector<16xf32>, vector<16xf32>, vector<16xf32>, vector<16xf32>, vector<16xf32>, vector<16xf32>, vector<16xf32>, vector<16xf32>, vector<16xf32>
      }
      %scan3A_19 = arith.constant 8 : i32
      %swap3A = arith.constant 0 : index
      %swap3A_20 = tpu.vector_load %arg10[%swap3A] {strides = array<i32>} : memref<384xf32, #tpu.memory_space<vmem>>, vector<16xf32>,
      tpu.vector_store %arg10[%swap3A], %scan3A_18#0 {strides = array<i32>} : memref<384xf32, #tpu.memory_space<vmem>>, vector<16xf32>,
      %swap3A_21 = arith.constant 16 : index
      %swap3A_22 = tpu.vector_load %arg10[%swap3A_21] {strides = array<i32>} : memref<384xf32, #tpu.memory_space<vmem>>, vector<16xf32>,
      tpu.vector_store %arg10[%swap3A_21], %scan3A_18#1 {strides = array<i32>} : memref<384xf32, #tpu.memory_space<vmem>>, vector<16xf32>,
      %swap3A_23 = arith.constant 32 : index
      %swap3A_24 = tpu.vector_load %arg10[%swap3A_23] {strides = array<i32>} : memref<384xf32, #tpu.memory_space<vmem>>, vector<16xf32>,
      tpu.vector_store %arg10[%swap3A_23], %scan3A_18#2 {strides = array<i32>} : memref<384xf32, #tpu.memory_space<vmem>>, vector<16xf32>,
      %swap3A_25 = arith.constant 48 : index
      %swap3A_26 = tpu.vector_load %arg10[%swap3A_25] {strides = array<i32>} : memref<384xf32, #tpu.memory_space<vmem>>, vector<16xf32>,
      tpu.vector_store %arg10[%swap3A_25], %scan3A_18#3 {strides = array<i32>} : memref<384xf32, #tpu.memory_space<vmem>>, vector<16xf32>,
      %swap3A_27 = arith.constant 64 : index
      %swap3A_28 = tpu.vector_load %arg10[%swap3A_27] {strides = array<i32>} : memref<384xf32, #tpu.memory_space<vmem>>, vector<16xf32>,
      tpu.vector_store %arg10[%swap3A_27], %scan3A_18#4 {strides = array<i32>} : memref<384xf32, #tpu.memory_space<vmem>>, vector<16xf32>,
      %swap3A_29 = arith.constant 80 : index
      %swap3A_30 = tpu.vector_load %arg10[%swap3A_29] {strides = array<i32>} : memref<384xf32, #tpu.memory_space<vmem>>, vector<16xf32>,
      tpu.vector_store %arg10[%swap3A_29], %scan3A_18#5 {strides = array<i32>} : memref<384xf32, #tpu.memory_space<vmem>>, vector<16xf32>,
      %swap3A_31 = arith.constant 96 : index
      %swap3A_32 = tpu.vector_load %arg10[%swap3A_31] {strides = array<i32>} : memref<384xf32, #tpu.memory_space<vmem>>, vector<16xf32>,
      tpu.vector_store %arg10[%swap3A_31], %scan3A_18#6 {strides = array<i32>} : memref<384xf32, #tpu.memory_space<vmem>>, vector<16xf32>,
      %swap3A_33 = arith.constant 112 : index
      %swap3A_34 = tpu.vector_load %arg10[%swap3A_33] {strides = array<i32>} : memref<384xf32, #tpu.memory_space<vmem>>, vector<16xf32>,
      tpu.vector_store %arg10[%swap3A_33], %scan3A_18#7 {strides = array<i32>} : memref<384xf32, #tpu.memory_space<vmem>>, vector<16xf32>,
      %swap3A_35 = arith.constant 128 : index
      %swap3A_36 = tpu.vector_load %arg10[%swap3A_35] {strides = array<i32>} : memref<384xf32, #tpu.memory_space<vmem>>, vector<16xf32>,
      tpu.vector_store %arg10[%swap3A_35], %scan3A_18#8 {strides = array<i32>} : memref<384xf32, #tpu.memory_space<vmem>>, vector<16xf32>,
      %swap3A_37 = arith.constant 144 : index
      %swap3A_38 = tpu.vector_load %arg10[%swap3A_37] {strides = array<i32>} : memref<384xf32, #tpu.memory_space<vmem>>, vector<16xf32>,
      tpu.vector_store %arg10[%swap3A_37], %scan3A_18#9 {strides = array<i32>} : memref<384xf32, #tpu.memory_space<vmem>>, vector<16xf32>,
      %swap3A_39 = arith.constant 160 : index
      %swap3A_40 = tpu.vector_load %arg10[%swap3A_39] {strides = array<i32>} : memref<384xf32, #tpu.memory_space<vmem>>, vector<16xf32>,
      tpu.vector_store %arg10[%swap3A_39], %scan3A_18#10 {strides = array<i32>} : memref<384xf32, #tpu.memory_space<vmem>>, vector<16xf32>,
      %swap3A_41 = arith.constant 176 : index
      %swap3A_42 = tpu.vector_load %arg10[%swap3A_41] {strides = array<i32>} : memref<384xf32, #tpu.memory_space<vmem>>, vector<16xf32>,
      tpu.vector_store %arg10[%swap3A_41], %scan3A_18#11 {strides = array<i32>} : memref<384xf32, #tpu.memory_space<vmem>>, vector<16xf32>,
      %swap3A_43 = arith.constant 192 : index
      %swap3A_44 = tpu.vector_load %arg10[%swap3A_43] {strides = array<i32>} : memref<384xf32, #tpu.memory_space<vmem>>, vector<16xf32>,
      tpu.vector_store %arg10[%swap3A_43], %scan3A_18#12 {strides = array<i32>} : memref<384xf32, #tpu.memory_space<vmem>>, vector<16xf32>,
      %swap3A_45 = arith.constant 208 : index
      %swap3A_46 = tpu.vector_load %arg10[%swap3A_45] {strides = array<i32>} : memref<384xf32, #tpu.memory_space<vmem>>, vector<16xf32>,
      tpu.vector_store %arg10[%swap3A_45], %scan3A_18#13 {strides = array<i32>} : memref<384xf32, #tpu.memory_space<vmem>>, vector<16xf32>,
      %swap3A_47 = arith.constant 224 : index
      %swap3A_48 = tpu.vector_load %arg10[%swap3A_47] {strides = array<i32>} : memref<384xf32, #tpu.memory_space<vmem>>, vector<16xf32>,
      tpu.vector_store %arg10[%swap3A_47], %scan3A_18#14 {strides = array<i32>} : memref<384xf32, #tpu.memory_space<vmem>>, vector<16xf32>,
      %swap3A_49 = arith.constant 240 : index
      %swap3A_50 = tpu.vector_load %arg10[%swap3A_49] {strides = array<i32>} : memref<384xf32, #tpu.memory_space<vmem>>, vector<16xf32>,
      tpu.vector_store %arg10[%swap3A_49], %scan3A_18#15 {strides = array<i32>} : memref<384xf32, #tpu.memory_space<vmem>>, vector<16xf32>,
      %swap3A_51 = arith.constant 256 : index
      %swap3A_52 = tpu.vector_load %arg10[%swap3A_51] {strides = array<i32>} : memref<384xf32, #tpu.memory_space<vmem>>, vector<16xf32>,
      tpu.vector_store %arg10[%swap3A_51], %scan3A_18#16 {strides = array<i32>} : memref<384xf32, #tpu.memory_space<vmem>>, vector<16xf32>,
      %swap3A_53 = arith.constant 272 : index
      %swap3A_54 = tpu.vector_load %arg10[%swap3A_53] {strides = array<i32>} : memref<384xf32, #tpu.memory_space<vmem>>, vector<16xf32>,
      tpu.vector_store %arg10[%swap3A_53], %scan3A_18#17 {strides = array<i32>} : memref<384xf32, #tpu.memory_space<vmem>>, vector<16xf32>,
      %swap3A_55 = arith.constant 288 : index
      %swap3A_56 = tpu.vector_load %arg10[%swap3A_55] {strides = array<i32>} : memref<384xf32, #tpu.memory_space<vmem>>, vector<16xf32>,
      tpu.vector_store %arg10[%swap3A_55], %scan3A_18#18 {strides = array<i32>} : memref<384xf32, #tpu.memory_space<vmem>>, vector<16xf32>,
      %swap3A_57 = arith.constant 304 : index
      %swap3A_58 = tpu.vector_load %arg10[%swap3A_57] {strides = array<i32>} : memref<384xf32, #tpu.memory_space<vmem>>, vector<16xf32>,
      tpu.vector_store %arg10[%swap3A_57], %scan3A_18#19 {strides = array<i32>} : memref<384xf32, #tpu.memory_space<vmem>>, vector<16xf32>,
      %swap3A_59 = arith.constant 320 : index
      %swap3A_60 = tpu.vector_load %arg10[%swap3A_59] {strides = array<i32>} : memref<384xf32, #tpu.memory_space<vmem>>, vector<16xf32>,
      tpu.vector_store %arg10[%swap3A_59], %scan3A_18#20 {strides = array<i32>} : memref<384xf32, #tpu.memory_space<vmem>>, vector<16xf32>,
      %swap3A_61 = arith.constant 336 : index
      %swap3A_62 = tpu.vector_load %arg10[%swap3A_61] {strides = array<i32>} : memref<384xf32, #tpu.memory_space<vmem>>, vector<16xf32>,
      tpu.vector_store %arg10[%swap3A_61], %scan3A_18#21 {strides = array<i32>} : memref<384xf32, #tpu.memory_space<vmem>>, vector<16xf32>,
      %swap3A_63 = arith.constant 352 : index
      %swap3A_64 = tpu.vector_load %arg10[%swap3A_63] {strides = array<i32>} : memref<384xf32, #tpu.memory_space<vmem>>, vector<16xf32>,
      tpu.vector_store %arg10[%swap3A_63], %scan3A_18#22 {strides = array<i32>} : memref<384xf32, #tpu.memory_space<vmem>>, vector<16xf32>,
      %swap3A_65 = arith.constant 368 : index
      %swap3A_66 = tpu.vector_load %arg10[%swap3A_65] {strides = array<i32>} : memref<384xf32, #tpu.memory_space<vmem>>, vector<16xf32>,
      tpu.vector_store %arg10[%swap3A_65], %scan3A_18#23 {strides = array<i32>} : memref<384xf32, #tpu.memory_space<vmem>>, vector<16xf32>,
      %scan3A_67 = arith.constant 0 : i32
      %scan3A_68 = arith.constant 24 : i32
      %scan3A_69 = arith.addi %scan3A_67, %scan3A_68 : i32
      %scan3A_70 = arith.constant 1 : i32
      %scan3A_71:3 = scf.for %scan3A_784 = %scan3A_67 to %scan3A_69 step %scan3A_70 iter_args(%scan3A_785 = %broadcast_in_dim3A_1, %scan3A_786 = %broadcast_in_dim3A_1, %scan3A_787 = %broadcast_in_dim3A_1) -> (vector<16xf32>, vector<16xf32>, vector<16xf32>)  : i32 {
        %mul3A_788 = arith.constant 16 : i32
        %mul3A_789 = arith.muli %scan3A_784, %mul3A_788 : i32
        %get3A_790 = arith.index_cast %mul3A_789 : i32 to index
        %get3A_791 = tpu.vector_load %arg10[%get3A_790] {strides = array<i32>} : memref<384xf32, #tpu.memory_space<vmem>>, vector<16xf32>,
        %slice3A_792 = vector.extract_strided_slice %get3A_791 {offsets = [0], sizes = [1], strides = [1]} : vector<16xf32> to vector<1xf32>
        %squeeze3A_793 = vector.extract %slice3A_792[0] : f32 from vector<1xf32>
        %mul3A_794 = arith.constant 9.765625E-4 : f32
        %mul3A_795 = arith.mulf %squeeze3A_793, %mul3A_794 : f32
        %mul3A_796 = arith.constant 16 : i32
        %mul3A_797 = arith.muli %scan3A_784, %mul3A_796 : i32
        %add3A_798 = arith.constant 0 : i32
        %add3A_799 = arith.addi %mul3A_797, %add3A_798 : i32
        %get3A_800 = arith.index_cast %add3A_799 : i32 to index
        %get3A_801 = arith.constant 0 : index
        %get3A_802 = tpu.vector_load %arg11[%get3A_800, %get3A_801] {strides = array<i32>} : memref<384x48xf32, #tpu.memory_space<vmem>>, vector<16xf32>,
        %mul3A_803 = vector.broadcast %mul3A_795 : f32 to vector<16xf32>
        %mul3A_804 = arith.mulf %mul3A_803, %get3A_802 : vector<16xf32>
        %add3A_805 = arith.addf %scan3A_785, %mul3A_804 : vector<16xf32>
        %mul3A_806 = arith.constant 16 : i32
        %mul3A_807 = arith.muli %scan3A_784, %mul3A_806 : i32
        %add3A_808 = arith.constant 0 : i32
        %add3A_809 = arith.addi %mul3A_807, %add3A_808 : i32
        %get3A_810 = arith.index_cast %add3A_809 : i32 to index
        %get3A_811 = arith.constant 16 : index
        %get3A_812 = tpu.vector_load %arg11[%get3A_810, %get3A_811] {strides = array<i32>} : memref<384x48xf32, #tpu.memory_space<vmem>>, vector<16xf32>,
        %mul3A_813 = vector.broadcast %mul3A_795 : f32 to vector<16xf32>
        %mul3A_814 = arith.mulf %mul3A_813, %get3A_812 : vector<16xf32>
        %add3A_815 = arith.addf %scan3A_786, %mul3A_814 : vector<16xf32>
        %mul3A_816 = arith.constant 16 : i32
        %mul3A_817 = arith.muli %scan3A_784, %mul3A_816 : i32
        %add3A_818 = arith.constant 0 : i32
        %add3A_819 = arith.addi %mul3A_817, %add3A_818 : i32
        %get3A_820 = arith.index_cast %add3A_819 : i32 to index
        %get3A_821 = arith.constant 32 : index
        %get3A_822 = tpu.vector_load %arg11[%get3A_820, %get3A_821] {strides = array<i32>} : memref<384x48xf32, #tpu.memory_space<vmem>>, vector<16xf32>,
        %mul3A_823 = vector.broadcast %mul3A_795 : f32 to vector<16xf32>
        %mul3A_824 = arith.mulf %mul3A_823, %get3A_822 : vector<16xf32>
        %add3A_825 = arith.addf %scan3A_787, %mul3A_824 : vector<16xf32>
        %slice3A_826 = vector.extract_strided_slice %get3A_791 {offsets = [1], sizes = [1], strides = [1]} : vector<16xf32> to vector<1xf32>
        %squeeze3A_827 = vector.extract %slice3A_826[0] : f32 from vector<1xf32>
        %mul3A_828 = arith.constant 9.765625E-4 : f32
        %mul3A_829 = arith.mulf %squeeze3A_827, %mul3A_828 : f32
        %mul3A_830 = arith.constant 16 : i32
        %mul3A_831 = arith.muli %scan3A_784, %mul3A_830 : i32
        %add3A_832 = arith.constant 1 : i32
        %add3A_833 = arith.addi %mul3A_831, %add3A_832 : i32
        %get3A_834 = arith.index_cast %add3A_833 : i32 to index
        %get3A_835 = arith.constant 0 : index
        %get3A_836 = tpu.vector_load %arg11[%get3A_834, %get3A_835] {strides = array<i32>} : memref<384x48xf32, #tpu.memory_space<vmem>>, vector<16xf32>,
        %mul3A_837 = vector.broadcast %mul3A_829 : f32 to vector<16xf32>
        %mul3A_838 = arith.mulf %mul3A_837, %get3A_836 : vector<16xf32>
        %add3A_839 = arith.addf %add3A_805, %mul3A_838 : vector<16xf32>
        %mul3A_840 = arith.constant 16 : i32
        %mul3A_841 = arith.muli %scan3A_784, %mul3A_840 : i32
        %add3A_842 = arith.constant 1 : i32
        %add3A_843 = arith.addi %mul3A_841, %add3A_842 : i32
        %get3A_844 = arith.index_cast %add3A_843 : i32 to index
        %get3A_845 = arith.constant 16 : index
        %get3A_846 = tpu.vector_load %arg11[%get3A_844, %get3A_845] {strides = array<i32>} : memref<384x48xf32, #tpu.memory_space<vmem>>, vector<16xf32>,
        %mul3A_847 = vector.broadcast %mul3A_829 : f32 to vector<16xf32>
        %mul3A_848 = arith.mulf %mul3A_847, %get3A_846 : vector<16xf32>
        %add3A_849 = arith.addf %add3A_815, %mul3A_848 : vector<16xf32>
        %mul3A_850 = arith.constant 16 : i32
        %mul3A_851 = arith.muli %scan3A_784, %mul3A_850 : i32
        %add3A_852 = arith.constant 1 : i32
        %add3A_853 = arith.addi %mul3A_851, %add3A_852 : i32
        %get3A_854 = arith.index_cast %add3A_853 : i32 to index
        %get3A_855 = arith.constant 32 : index
        %get3A_856 = tpu.vector_load %arg11[%get3A_854, %get3A_855] {strides = array<i32>} : memref<384x48xf32, #tpu.memory_space<vmem>>, vector<16xf32>,
        %mul3A_857 = vector.broadcast %mul3A_829 : f32 to vector<16xf32>
        %mul3A_858 = arith.mulf %mul3A_857, %get3A_856 : vector<16xf32>
        %add3A_859 = arith.addf %add3A_825, %mul3A_858 : vector<16xf32>
        %slice3A_860 = vector.extract_strided_slice %get3A_791 {offsets = [2], sizes = [1], strides = [1]} : vector<16xf32> to vector<1xf32>
        %squeeze3A_861 = vector.extract %slice3A_860[0] : f32 from vector<1xf32>
        %mul3A_862 = arith.constant 9.765625E-4 : f32
        %mul3A_863 = arith.mulf %squeeze3A_861, %mul3A_862 : f32
        %mul3A_864 = arith.constant 16 : i32
        %mul3A_865 = arith.muli %scan3A_784, %mul3A_864 : i32
        %add3A_866 = arith.constant 2 : i32
        %add3A_867 = arith.addi %mul3A_865, %add3A_866 : i32
        %get3A_868 = arith.index_cast %add3A_867 : i32 to index
        %get3A_869 = arith.constant 0 : index
        %get3A_870 = tpu.vector_load %arg11[%get3A_868, %get3A_869] {strides = array<i32>} : memref<384x48xf32, #tpu.memory_space<vmem>>, vector<16xf32>,
        %mul3A_871 = vector.broadcast %mul3A_863 : f32 to vector<16xf32>
        %mul3A_872 = arith.mulf %mul3A_871, %get3A_870 : vector<16xf32>
        %add3A_873 = arith.addf %add3A_839, %mul3A_872 : vector<16xf32>
        %mul3A_874 = arith.constant 16 : i32
        %mul3A_875 = arith.muli %scan3A_784, %mul3A_874 : i32
        %add3A_876 = arith.constant 2 : i32
        %add3A_877 = arith.addi %mul3A_875, %add3A_876 : i32
        %get3A_878 = arith.index_cast %add3A_877 : i32 to index
        %get3A_879 = arith.constant 16 : index
        %get3A_880 = tpu.vector_load %arg11[%get3A_878, %get3A_879] {strides = array<i32>} : memref<384x48xf32, #tpu.memory_space<vmem>>, vector<16xf32>,
        %mul3A_881 = vector.broadcast %mul3A_863 : f32 to vector<16xf32>
        %mul3A_882 = arith.mulf %mul3A_881, %get3A_880 : vector<16xf32>
        %add3A_883 = arith.addf %add3A_849, %mul3A_882 : vector<16xf32>
        %mul3A_884 = arith.constant 16 : i32
        %mul3A_885 = arith.muli %scan3A_784, %mul3A_884 : i32
        %add3A_886 = arith.constant 2 : i32
        %add3A_887 = arith.addi %mul3A_885, %add3A_886 : i32
        %get3A_888 = arith.index_cast %add3A_887 : i32 to index
        %get3A_889 = arith.constant 32 : index
        %get3A_890 = tpu.vector_load %arg11[%get3A_888, %get3A_889] {strides = array<i32>} : memref<384x48xf32, #tpu.memory_space<vmem>>, vector<16xf32>,
        %mul3A_891 = vector.broadcast %mul3A_863 : f32 to vector<16xf32>
        %mul3A_892 = arith.mulf %mul3A_891, %get3A_890 : vector<16xf32>
        %add3A_893 = arith.addf %add3A_859, %mul3A_892 : vector<16xf32>
        %slice3A_894 = vector.extract_strided_slice %get3A_791 {offsets = [3], sizes = [1], strides = [1]} : vector<16xf32> to vector<1xf32>
        %squeeze3A_895 = vector.extract %slice3A_894[0] : f32 from vector<1xf32>
        %mul3A_896 = arith.constant 9.765625E-4 : f32
        %mul3A_897 = arith.mulf %squeeze3A_895, %mul3A_896 : f32
        %mul3A_898 = arith.constant 16 : i32
        %mul3A_899 = arith.muli %scan3A_784, %mul3A_898 : i32
        %add3A_900 = arith.constant 3 : i32
        %add3A_901 = arith.addi %mul3A_899, %add3A_900 : i32
        %get3A_902 = arith.index_cast %add3A_901 : i32 to index
        %get3A_903 = arith.constant 0 : index
        %get3A_904 = tpu.vector_load %arg11[%get3A_902, %get3A_903] {strides = array<i32>} : memref<384x48xf32, #tpu.memory_space<vmem>>, vector<16xf32>,
        %mul3A_905 = vector.broadcast %mul3A_897 : f32 to vector<16xf32>
        %mul3A_906 = arith.mulf %mul3A_905, %get3A_904 : vector<16xf32>
        %add3A_907 = arith.addf %add3A_873, %mul3A_906 : vector<16xf32>
        %mul3A_908 = arith.constant 16 : i32
        %mul3A_909 = arith.muli %scan3A_784, %mul3A_908 : i32
        %add3A_910 = arith.constant 3 : i32
        %add3A_911 = arith.addi %mul3A_909, %add3A_910 : i32
        %get3A_912 = arith.index_cast %add3A_911 : i32 to index
        %get3A_913 = arith.constant 16 : index
        %get3A_914 = tpu.vector_load %arg11[%get3A_912, %get3A_913] {strides = array<i32>} : memref<384x48xf32, #tpu.memory_space<vmem>>, vector<16xf32>,
        %mul3A_915 = vector.broadcast %mul3A_897 : f32 to vector<16xf32>
        %mul3A_916 = arith.mulf %mul3A_915, %get3A_914 : vector<16xf32>
        %add3A_917 = arith.addf %add3A_883, %mul3A_916 : vector<16xf32>
        %mul3A_918 = arith.constant 16 : i32
        %mul3A_919 = arith.muli %scan3A_784, %mul3A_918 : i32
        %add3A_920 = arith.constant 3 : i32
        %add3A_921 = arith.addi %mul3A_919, %add3A_920 : i32
        %get3A_922 = arith.index_cast %add3A_921 : i32 to index
        %get3A_923 = arith.constant 32 : index
        %get3A_924 = tpu.vector_load %arg11[%get3A_922, %get3A_923] {strides = array<i32>} : memref<384x48xf32, #tpu.memory_space<vmem>>, vector<16xf32>,
        %mul3A_925 = vector.broadcast %mul3A_897 : f32 to vector<16xf32>
        %mul3A_926 = arith.mulf %mul3A_925, %get3A_924 : vector<16xf32>
        %add3A_927 = arith.addf %add3A_893, %mul3A_926 : vector<16xf32>
        %slice3A_928 = vector.extract_strided_slice %get3A_791 {offsets = [4], sizes = [1], strides = [1]} : vector<16xf32> to vector<1xf32>
        %squeeze3A_929 = vector.extract %slice3A_928[0] : f32 from vector<1xf32>
        %mul3A_930 = arith.constant 9.765625E-4 : f32
        %mul3A_931 = arith.mulf %squeeze3A_929, %mul3A_930 : f32
        %mul3A_932 = arith.constant 16 : i32
        %mul3A_933 = arith.muli %scan3A_784, %mul3A_932 : i32
        %add3A_934 = arith.constant 4 : i32
        %add3A_935 = arith.addi %mul3A_933, %add3A_934 : i32
        %get3A_936 = arith.index_cast %add3A_935 : i32 to index
        %get3A_937 = arith.constant 0 : index
        %get3A_938 = tpu.vector_load %arg11[%get3A_936, %get3A_937] {strides = array<i32>} : memref<384x48xf32, #tpu.memory_space<vmem>>, vector<16xf32>,
        %mul3A_939 = vector.broadcast %mul3A_931 : f32 to vector<16xf32>
        %mul3A_940 = arith.mulf %mul3A_939, %get3A_938 : vector<16xf32>
        %add3A_941 = arith.addf %add3A_907, %mul3A_940 : vector<16xf32>
        %mul3A_942 = arith.constant 16 : i32
        %mul3A_943 = arith.muli %scan3A_784, %mul3A_942 : i32
        %add3A_944 = arith.constant 4 : i32
        %add3A_945 = arith.addi %mul3A_943, %add3A_944 : i32
        %get3A_946 = arith.index_cast %add3A_945 : i32 to index
        %get3A_947 = arith.constant 16 : index
        %get3A_948 = tpu.vector_load %arg11[%get3A_946, %get3A_947] {strides = array<i32>} : memref<384x48xf32, #tpu.memory_space<vmem>>, vector<16xf32>,
        %mul3A_949 = vector.broadcast %mul3A_931 : f32 to vector<16xf32>
        %mul3A_950 = arith.mulf %mul3A_949, %get3A_948 : vector<16xf32>
        %add3A_951 = arith.addf %add3A_917, %mul3A_950 : vector<16xf32>
        %mul3A_952 = arith.constant 16 : i32
        %mul3A_953 = arith.muli %scan3A_784, %mul3A_952 : i32
        %add3A_954 = arith.constant 4 : i32
        %add3A_955 = arith.addi %mul3A_953, %add3A_954 : i32
        %get3A_956 = arith.index_cast %add3A_955 : i32 to index
        %get3A_957 = arith.constant 32 : index
        %get3A_958 = tpu.vector_load %arg11[%get3A_956, %get3A_957] {strides = array<i32>} : memref<384x48xf32, #tpu.memory_space<vmem>>, vector<16xf32>,
        %mul3A_959 = vector.broadcast %mul3A_931 : f32 to vector<16xf32>
        %mul3A_960 = arith.mulf %mul3A_959, %get3A_958 : vector<16xf32>
        %add3A_961 = arith.addf %add3A_927, %mul3A_960 : vector<16xf32>
        %slice3A_962 = vector.extract_strided_slice %get3A_791 {offsets = [5], sizes = [1], strides = [1]} : vector<16xf32> to vector<1xf32>
        %squeeze3A_963 = vector.extract %slice3A_962[0] : f32 from vector<1xf32>
        %mul3A_964 = arith.constant 9.765625E-4 : f32
        %mul3A_965 = arith.mulf %squeeze3A_963, %mul3A_964 : f32
        %mul3A_966 = arith.constant 16 : i32
        %mul3A_967 = arith.muli %scan3A_784, %mul3A_966 : i32
        %add3A_968 = arith.constant 5 : i32
        %add3A_969 = arith.addi %mul3A_967, %add3A_968 : i32
        %get3A_970 = arith.index_cast %add3A_969 : i32 to index
        %get3A_971 = arith.constant 0 : index
        %get3A_972 = tpu.vector_load %arg11[%get3A_970, %get3A_971] {strides = array<i32>} : memref<384x48xf32, #tpu.memory_space<vmem>>, vector<16xf32>,
        %mul3A_973 = vector.broadcast %mul3A_965 : f32 to vector<16xf32>
        %mul3A_974 = arith.mulf %mul3A_973, %get3A_972 : vector<16xf32>
        %add3A_975 = arith.addf %add3A_941, %mul3A_974 : vector<16xf32>
        %mul3A_976 = arith.constant 16 : i32
        %mul3A_977 = arith.muli %scan3A_784, %mul3A_976 : i32
        %add3A_978 = arith.constant 5 : i32
        %add3A_979 = arith.addi %mul3A_977, %add3A_978 : i32
        %get3A_980 = arith.index_cast %add3A_979 : i32 to index
        %get3A_981 = arith.constant 16 : index
        %get3A_982 = tpu.vector_load %arg11[%get3A_980, %get3A_981] {strides = array<i32>} : memref<384x48xf32, #tpu.memory_space<vmem>>, vector<16xf32>,
        %mul3A_983 = vector.broadcast %mul3A_965 : f32 to vector<16xf32>
        %mul3A_984 = arith.mulf %mul3A_983, %get3A_982 : vector<16xf32>
        %add3A_985 = arith.addf %add3A_951, %mul3A_984 : vector<16xf32>
        %mul3A_986 = arith.constant 16 : i32
        %mul3A_987 = arith.muli %scan3A_784, %mul3A_986 : i32
        %add3A_988 = arith.constant 5 : i32
        %add3A_989 = arith.addi %mul3A_987, %add3A_988 : i32
        %get3A_990 = arith.index_cast %add3A_989 : i32 to index
        %get3A_991 = arith.constant 32 : index
        %get3A_992 = tpu.vector_load %arg11[%get3A_990, %get3A_991] {strides = array<i32>} : memref<384x48xf32, #tpu.memory_space<vmem>>, vector<16xf32>,
        %mul3A_993 = vector.broadcast %mul3A_965 : f32 to vector<16xf32>
        %mul3A_994 = arith.mulf %mul3A_993, %get3A_992 : vector<16xf32>
        %add3A_995 = arith.addf %add3A_961, %mul3A_994 : vector<16xf32>
        %slice3A_996 = vector.extract_strided_slice %get3A_791 {offsets = [6], sizes = [1], strides = [1]} : vector<16xf32> to vector<1xf32>
        %squeeze3A_997 = vector.extract %slice3A_996[0] : f32 from vector<1xf32>
        %mul3A_998 = arith.constant 9.765625E-4 : f32
        %mul3A_999 = arith.mulf %squeeze3A_997, %mul3A_998 : f32
        %mul3A_1000 = arith.constant 16 : i32
        %mul3A_1001 = arith.muli %scan3A_784, %mul3A_1000 : i32
        %add3A_1002 = arith.constant 6 : i32
        %add3A_1003 = arith.addi %mul3A_1001, %add3A_1002 : i32
        %get3A_1004 = arith.index_cast %add3A_1003 : i32 to index
        %get3A_1005 = arith.constant 0 : index
        %get3A_1006 = tpu.vector_load %arg11[%get3A_1004, %get3A_1005] {strides = array<i32>} : memref<384x48xf32, #tpu.memory_space<vmem>>, vector<16xf32>,
        %mul3A_1007 = vector.broadcast %mul3A_999 : f32 to vector<16xf32>
        %mul3A_1008 = arith.mulf %mul3A_1007, %get3A_1006 : vector<16xf32>
        %add3A_1009 = arith.addf %add3A_975, %mul3A_1008 : vector<16xf32>
        %mul3A_1010 = arith.constant 16 : i32
        %mul3A_1011 = arith.muli %scan3A_784, %mul3A_1010 : i32
        %add3A_1012 = arith.constant 6 : i32
        %add3A_1013 = arith.addi %mul3A_1011, %add3A_1012 : i32
        %get3A_1014 = arith.index_cast %add3A_1013 : i32 to index
        %get3A_1015 = arith.constant 16 : index
        %get3A_1016 = tpu.vector_load %arg11[%get3A_1014, %get3A_1015] {strides = array<i32>} : memref<384x48xf32, #tpu.memory_space<vmem>>, vector<16xf32>,
        %mul3A_1017 = vector.broadcast %mul3A_999 : f32 to vector<16xf32>
        %mul3A_1018 = arith.mulf %mul3A_1017, %get3A_1016 : vector<16xf32>
        %add3A_1019 = arith.addf %add3A_985, %mul3A_1018 : vector<16xf32>
        %mul3A_1020 = arith.constant 16 : i32
        %mul3A_1021 = arith.muli %scan3A_784, %mul3A_1020 : i32
        %add3A_1022 = arith.constant 6 : i32
        %add3A_1023 = arith.addi %mul3A_1021, %add3A_1022 : i32
        %get3A_1024 = arith.index_cast %add3A_1023 : i32 to index
        %get3A_1025 = arith.constant 32 : index
        %get3A_1026 = tpu.vector_load %arg11[%get3A_1024, %get3A_1025] {strides = array<i32>} : memref<384x48xf32, #tpu.memory_space<vmem>>, vector<16xf32>,
        %mul3A_1027 = vector.broadcast %mul3A_999 : f32 to vector<16xf32>
        %mul3A_1028 = arith.mulf %mul3A_1027, %get3A_1026 : vector<16xf32>
        %add3A_1029 = arith.addf %add3A_995, %mul3A_1028 : vector<16xf32>
        %slice3A_1030 = vector.extract_strided_slice %get3A_791 {offsets = [7], sizes = [1], strides = [1]} : vector<16xf32> to vector<1xf32>
        %squeeze3A_1031 = vector.extract %slice3A_1030[0] : f32 from vector<1xf32>
        %mul3A_1032 = arith.constant 9.765625E-4 : f32
        %mul3A_1033 = arith.mulf %squeeze3A_1031, %mul3A_1032 : f32
        %mul3A_1034 = arith.constant 16 : i32
        %mul3A_1035 = arith.muli %scan3A_784, %mul3A_1034 : i32
        %add3A_1036 = arith.constant 7 : i32
        %add3A_1037 = arith.addi %mul3A_1035, %add3A_1036 : i32
        %get3A_1038 = arith.index_cast %add3A_1037 : i32 to index
        %get3A_1039 = arith.constant 0 : index
        %get3A_1040 = tpu.vector_load %arg11[%get3A_1038, %get3A_1039] {strides = array<i32>} : memref<384x48xf32, #tpu.memory_space<vmem>>, vector<16xf32>,
        %mul3A_1041 = vector.broadcast %mul3A_1033 : f32 to vector<16xf32>
        %mul3A_1042 = arith.mulf %mul3A_1041, %get3A_1040 : vector<16xf32>
        %add3A_1043 = arith.addf %add3A_1009, %mul3A_1042 : vector<16xf32>
        %mul3A_1044 = arith.constant 16 : i32
        %mul3A_1045 = arith.muli %scan3A_784, %mul3A_1044 : i32
        %add3A_1046 = arith.constant 7 : i32
        %add3A_1047 = arith.addi %mul3A_1045, %add3A_1046 : i32
        %get3A_1048 = arith.index_cast %add3A_1047 : i32 to index
        %get3A_1049 = arith.constant 16 : index
        %get3A_1050 = tpu.vector_load %arg11[%get3A_1048, %get3A_1049] {strides = array<i32>} : memref<384x48xf32, #tpu.memory_space<vmem>>, vector<16xf32>,
        %mul3A_1051 = vector.broadcast %mul3A_1033 : f32 to vector<16xf32>
        %mul3A_1052 = arith.mulf %mul3A_1051, %get3A_1050 : vector<16xf32>
        %add3A_1053 = arith.addf %add3A_1019, %mul3A_1052 : vector<16xf32>
        %mul3A_1054 = arith.constant 16 : i32
        %mul3A_1055 = arith.muli %scan3A_784, %mul3A_1054 : i32
        %add3A_1056 = arith.constant 7 : i32
        %add3A_1057 = arith.addi %mul3A_1055, %add3A_1056 : i32
        %get3A_1058 = arith.index_cast %add3A_1057 : i32 to index
        %get3A_1059 = arith.constant 32 : index
        %get3A_1060 = tpu.vector_load %arg11[%get3A_1058, %get3A_1059] {strides = array<i32>} : memref<384x48xf32, #tpu.memory_space<vmem>>, vector<16xf32>,
        %mul3A_1061 = vector.broadcast %mul3A_1033 : f32 to vector<16xf32>
        %mul3A_1062 = arith.mulf %mul3A_1061, %get3A_1060 : vector<16xf32>
        %add3A_1063 = arith.addf %add3A_1029, %mul3A_1062 : vector<16xf32>
        %slice3A_1064 = vector.extract_strided_slice %get3A_791 {offsets = [8], sizes = [1], strides = [1]} : vector<16xf32> to vector<1xf32>
        %squeeze3A_1065 = vector.extract %slice3A_1064[0] : f32 from vector<1xf32>
        %mul3A_1066 = arith.constant 9.765625E-4 : f32
        %mul3A_1067 = arith.mulf %squeeze3A_1065, %mul3A_1066 : f32
        %mul3A_1068 = arith.constant 16 : i32
        %mul3A_1069 = arith.muli %scan3A_784, %mul3A_1068 : i32
        %add3A_1070 = arith.constant 8 : i32
        %add3A_1071 = arith.addi %mul3A_1069, %add3A_1070 : i32
        %get3A_1072 = arith.index_cast %add3A_1071 : i32 to index
        %get3A_1073 = arith.constant 0 : index
        %get3A_1074 = tpu.vector_load %arg11[%get3A_1072, %get3A_1073] {strides = array<i32>} : memref<384x48xf32, #tpu.memory_space<vmem>>, vector<16xf32>,
        %mul3A_1075 = vector.broadcast %mul3A_1067 : f32 to vector<16xf32>
        %mul3A_1076 = arith.mulf %mul3A_1075, %get3A_1074 : vector<16xf32>
        %add3A_1077 = arith.addf %add3A_1043, %mul3A_1076 : vector<16xf32>
        %mul3A_1078 = arith.constant 16 : i32
        %mul3A_1079 = arith.muli %scan3A_784, %mul3A_1078 : i32
        %add3A_1080 = arith.constant 8 : i32
        %add3A_1081 = arith.addi %mul3A_1079, %add3A_1080 : i32
        %get3A_1082 = arith.index_cast %add3A_1081 : i32 to index
        %get3A_1083 = arith.constant 16 : index
        %get3A_1084 = tpu.vector_load %arg11[%get3A_1082, %get3A_1083] {strides = array<i32>} : memref<384x48xf32, #tpu.memory_space<vmem>>, vector<16xf32>,
        %mul3A_1085 = vector.broadcast %mul3A_1067 : f32 to vector<16xf32>
        %mul3A_1086 = arith.mulf %mul3A_1085, %get3A_1084 : vector<16xf32>
        %add3A_1087 = arith.addf %add3A_1053, %mul3A_1086 : vector<16xf32>
        %mul3A_1088 = arith.constant 16 : i32
        %mul3A_1089 = arith.muli %scan3A_784, %mul3A_1088 : i32
        %add3A_1090 = arith.constant 8 : i32
        %add3A_1091 = arith.addi %mul3A_1089, %add3A_1090 : i32
        %get3A_1092 = arith.index_cast %add3A_1091 : i32 to index
        %get3A_1093 = arith.constant 32 : index
        %get3A_1094 = tpu.vector_load %arg11[%get3A_1092, %get3A_1093] {strides = array<i32>} : memref<384x48xf32, #tpu.memory_space<vmem>>, vector<16xf32>,
        %mul3A_1095 = vector.broadcast %mul3A_1067 : f32 to vector<16xf32>
        %mul3A_1096 = arith.mulf %mul3A_1095, %get3A_1094 : vector<16xf32>
        %add3A_1097 = arith.addf %add3A_1063, %mul3A_1096 : vector<16xf32>
        %slice3A_1098 = vector.extract_strided_slice %get3A_791 {offsets = [9], sizes = [1], strides = [1]} : vector<16xf32> to vector<1xf32>
        %squeeze3A_1099 = vector.extract %slice3A_1098[0] : f32 from vector<1xf32>
        %mul3A_1100 = arith.constant 9.765625E-4 : f32
        %mul3A_1101 = arith.mulf %squeeze3A_1099, %mul3A_1100 : f32
        %mul3A_1102 = arith.constant 16 : i32
        %mul3A_1103 = arith.muli %scan3A_784, %mul3A_1102 : i32
        %add3A_1104 = arith.constant 9 : i32
        %add3A_1105 = arith.addi %mul3A_1103, %add3A_1104 : i32
        %get3A_1106 = arith.index_cast %add3A_1105 : i32 to index
        %get3A_1107 = arith.constant 0 : index
        %get3A_1108 = tpu.vector_load %arg11[%get3A_1106, %get3A_1107] {strides = array<i32>} : memref<384x48xf32, #tpu.memory_space<vmem>>, vector<16xf32>,
        %mul3A_1109 = vector.broadcast %mul3A_1101 : f32 to vector<16xf32>
        %mul3A_1110 = arith.mulf %mul3A_1109, %get3A_1108 : vector<16xf32>
        %add3A_1111 = arith.addf %add3A_1077, %mul3A_1110 : vector<16xf32>
        %mul3A_1112 = arith.constant 16 : i32
        %mul3A_1113 = arith.muli %scan3A_784, %mul3A_1112 : i32
        %add3A_1114 = arith.constant 9 : i32
        %add3A_1115 = arith.addi %mul3A_1113, %add3A_1114 : i32
        %get3A_1116 = arith.index_cast %add3A_1115 : i32 to index
        %get3A_1117 = arith.constant 16 : index
        %get3A_1118 = tpu.vector_load %arg11[%get3A_1116, %get3A_1117] {strides = array<i32>} : memref<384x48xf32, #tpu.memory_space<vmem>>, vector<16xf32>,
        %mul3A_1119 = vector.broadcast %mul3A_1101 : f32 to vector<16xf32>
        %mul3A_1120 = arith.mulf %mul3A_1119, %get3A_1118 : vector<16xf32>
        %add3A_1121 = arith.addf %add3A_1087, %mul3A_1120 : vector<16xf32>
        %mul3A_1122 = arith.constant 16 : i32
        %mul3A_1123 = arith.muli %scan3A_784, %mul3A_1122 : i32
        %add3A_1124 = arith.constant 9 : i32
        %add3A_1125 = arith.addi %mul3A_1123, %add3A_1124 : i32
        %get3A_1126 = arith.index_cast %add3A_1125 : i32 to index
        %get3A_1127 = arith.constant 32 : index
        %get3A_1128 = tpu.vector_load %arg11[%get3A_1126, %get3A_1127] {strides = array<i32>} : memref<384x48xf32, #tpu.memory_space<vmem>>, vector<16xf32>,
        %mul3A_1129 = vector.broadcast %mul3A_1101 : f32 to vector<16xf32>
        %mul3A_1130 = arith.mulf %mul3A_1129, %get3A_1128 : vector<16xf32>
        %add3A_1131 = arith.addf %add3A_1097, %mul3A_1130 : vector<16xf32>
        %slice3A_1132 = vector.extract_strided_slice %get3A_791 {offsets = [10], sizes = [1], strides = [1]} : vector<16xf32> to vector<1xf32>
        %squeeze3A_1133 = vector.extract %slice3A_1132[0] : f32 from vector<1xf32>
        %mul3A_1134 = arith.constant 9.765625E-4 : f32
        %mul3A_1135 = arith.mulf %squeeze3A_1133, %mul3A_1134 : f32
        %mul3A_1136 = arith.constant 16 : i32
        %mul3A_1137 = arith.muli %scan3A_784, %mul3A_1136 : i32
        %add3A_1138 = arith.constant 10 : i32
        %add3A_1139 = arith.addi %mul3A_1137, %add3A_1138 : i32
        %get3A_1140 = arith.index_cast %add3A_1139 : i32 to index
        %get3A_1141 = arith.constant 0 : index
        %get3A_1142 = tpu.vector_load %arg11[%get3A_1140, %get3A_1141] {strides = array<i32>} : memref<384x48xf32, #tpu.memory_space<vmem>>, vector<16xf32>,
        %mul3A_1143 = vector.broadcast %mul3A_1135 : f32 to vector<16xf32>
        %mul3A_1144 = arith.mulf %mul3A_1143, %get3A_1142 : vector<16xf32>
        %add3A_1145 = arith.addf %add3A_1111, %mul3A_1144 : vector<16xf32>
        %mul3A_1146 = arith.constant 16 : i32
        %mul3A_1147 = arith.muli %scan3A_784, %mul3A_1146 : i32
        %add3A_1148 = arith.constant 10 : i32
        %add3A_1149 = arith.addi %mul3A_1147, %add3A_1148 : i32
        %get3A_1150 = arith.index_cast %add3A_1149 : i32 to index
        %get3A_1151 = arith.constant 16 : index
        %get3A_1152 = tpu.vector_load %arg11[%get3A_1150, %get3A_1151] {strides = array<i32>} : memref<384x48xf32, #tpu.memory_space<vmem>>, vector<16xf32>,
        %mul3A_1153 = vector.broadcast %mul3A_1135 : f32 to vector<16xf32>
        %mul3A_1154 = arith.mulf %mul3A_1153, %get3A_1152 : vector<16xf32>
        %add3A_1155 = arith.addf %add3A_1121, %mul3A_1154 : vector<16xf32>
        %mul3A_1156 = arith.constant 16 : i32
        %mul3A_1157 = arith.muli %scan3A_784, %mul3A_1156 : i32
        %add3A_1158 = arith.constant 10 : i32
        %add3A_1159 = arith.addi %mul3A_1157, %add3A_1158 : i32
        %get3A_1160 = arith.index_cast %add3A_1159 : i32 to index
        %get3A_1161 = arith.constant 32 : index
        %get3A_1162 = tpu.vector_load %arg11[%get3A_1160, %get3A_1161] {strides = array<i32>} : memref<384x48xf32, #tpu.memory_space<vmem>>, vector<16xf32>,
        %mul3A_1163 = vector.broadcast %mul3A_1135 : f32 to vector<16xf32>
        %mul3A_1164 = arith.mulf %mul3A_1163, %get3A_1162 : vector<16xf32>
        %add3A_1165 = arith.addf %add3A_1131, %mul3A_1164 : vector<16xf32>
        %slice3A_1166 = vector.extract_strided_slice %get3A_791 {offsets = [11], sizes = [1], strides = [1]} : vector<16xf32> to vector<1xf32>
        %squeeze3A_1167 = vector.extract %slice3A_1166[0] : f32 from vector<1xf32>
        %mul3A_1168 = arith.constant 9.765625E-4 : f32
        %mul3A_1169 = arith.mulf %squeeze3A_1167, %mul3A_1168 : f32
        %mul3A_1170 = arith.constant 16 : i32
        %mul3A_1171 = arith.muli %scan3A_784, %mul3A_1170 : i32
        %add3A_1172 = arith.constant 11 : i32
        %add3A_1173 = arith.addi %mul3A_1171, %add3A_1172 : i32
        %get3A_1174 = arith.index_cast %add3A_1173 : i32 to index
        %get3A_1175 = arith.constant 0 : index
        %get3A_1176 = tpu.vector_load %arg11[%get3A_1174, %get3A_1175] {strides = array<i32>} : memref<384x48xf32, #tpu.memory_space<vmem>>, vector<16xf32>,
        %mul3A_1177 = vector.broadcast %mul3A_1169 : f32 to vector<16xf32>
        %mul3A_1178 = arith.mulf %mul3A_1177, %get3A_1176 : vector<16xf32>
        %add3A_1179 = arith.addf %add3A_1145, %mul3A_1178 : vector<16xf32>
        %mul3A_1180 = arith.constant 16 : i32
        %mul3A_1181 = arith.muli %scan3A_784, %mul3A_1180 : i32
        %add3A_1182 = arith.constant 11 : i32
        %add3A_1183 = arith.addi %mul3A_1181, %add3A_1182 : i32
        %get3A_1184 = arith.index_cast %add3A_1183 : i32 to index
        %get3A_1185 = arith.constant 16 : index
        %get3A_1186 = tpu.vector_load %arg11[%get3A_1184, %get3A_1185] {strides = array<i32>} : memref<384x48xf32, #tpu.memory_space<vmem>>, vector<16xf32>,
        %mul3A_1187 = vector.broadcast %mul3A_1169 : f32 to vector<16xf32>
        %mul3A_1188 = arith.mulf %mul3A_1187, %get3A_1186 : vector<16xf32>
        %add3A_1189 = arith.addf %add3A_1155, %mul3A_1188 : vector<16xf32>
        %mul3A_1190 = arith.constant 16 : i32
        %mul3A_1191 = arith.muli %scan3A_784, %mul3A_1190 : i32
        %add3A_1192 = arith.constant 11 : i32
        %add3A_1193 = arith.addi %mul3A_1191, %add3A_1192 : i32
        %get3A_1194 = arith.index_cast %add3A_1193 : i32 to index
        %get3A_1195 = arith.constant 32 : index
        %get3A_1196 = tpu.vector_load %arg11[%get3A_1194, %get3A_1195] {strides = array<i32>} : memref<384x48xf32, #tpu.memory_space<vmem>>, vector<16xf32>,
        %mul3A_1197 = vector.broadcast %mul3A_1169 : f32 to vector<16xf32>
        %mul3A_1198 = arith.mulf %mul3A_1197, %get3A_1196 : vector<16xf32>
        %add3A_1199 = arith.addf %add3A_1165, %mul3A_1198 : vector<16xf32>
        %slice3A_1200 = vector.extract_strided_slice %get3A_791 {offsets = [12], sizes = [1], strides = [1]} : vector<16xf32> to vector<1xf32>
        %squeeze3A_1201 = vector.extract %slice3A_1200[0] : f32 from vector<1xf32>
        %mul3A_1202 = arith.constant 9.765625E-4 : f32
        %mul3A_1203 = arith.mulf %squeeze3A_1201, %mul3A_1202 : f32
        %mul3A_1204 = arith.constant 16 : i32
        %mul3A_1205 = arith.muli %scan3A_784, %mul3A_1204 : i32
        %add3A_1206 = arith.constant 12 : i32
        %add3A_1207 = arith.addi %mul3A_1205, %add3A_1206 : i32
        %get3A_1208 = arith.index_cast %add3A_1207 : i32 to index
        %get3A_1209 = arith.constant 0 : index
        %get3A_1210 = tpu.vector_load %arg11[%get3A_1208, %get3A_1209] {strides = array<i32>} : memref<384x48xf32, #tpu.memory_space<vmem>>, vector<16xf32>,
        %mul3A_1211 = vector.broadcast %mul3A_1203 : f32 to vector<16xf32>
        %mul3A_1212 = arith.mulf %mul3A_1211, %get3A_1210 : vector<16xf32>
        %add3A_1213 = arith.addf %add3A_1179, %mul3A_1212 : vector<16xf32>
        %mul3A_1214 = arith.constant 16 : i32
        %mul3A_1215 = arith.muli %scan3A_784, %mul3A_1214 : i32
        %add3A_1216 = arith.constant 12 : i32
        %add3A_1217 = arith.addi %mul3A_1215, %add3A_1216 : i32
        %get3A_1218 = arith.index_cast %add3A_1217 : i32 to index
        %get3A_1219 = arith.constant 16 : index
        %get3A_1220 = tpu.vector_load %arg11[%get3A_1218, %get3A_1219] {strides = array<i32>} : memref<384x48xf32, #tpu.memory_space<vmem>>, vector<16xf32>,
        %mul3A_1221 = vector.broadcast %mul3A_1203 : f32 to vector<16xf32>
        %mul3A_1222 = arith.mulf %mul3A_1221, %get3A_1220 : vector<16xf32>
        %add3A_1223 = arith.addf %add3A_1189, %mul3A_1222 : vector<16xf32>
        %mul3A_1224 = arith.constant 16 : i32
        %mul3A_1225 = arith.muli %scan3A_784, %mul3A_1224 : i32
        %add3A_1226 = arith.constant 12 : i32
        %add3A_1227 = arith.addi %mul3A_1225, %add3A_1226 : i32
        %get3A_1228 = arith.index_cast %add3A_1227 : i32 to index
        %get3A_1229 = arith.constant 32 : index
        %get3A_1230 = tpu.vector_load %arg11[%get3A_1228, %get3A_1229] {strides = array<i32>} : memref<384x48xf32, #tpu.memory_space<vmem>>, vector<16xf32>,
        %mul3A_1231 = vector.broadcast %mul3A_1203 : f32 to vector<16xf32>
        %mul3A_1232 = arith.mulf %mul3A_1231, %get3A_1230 : vector<16xf32>
        %add3A_1233 = arith.addf %add3A_1199, %mul3A_1232 : vector<16xf32>
        %slice3A_1234 = vector.extract_strided_slice %get3A_791 {offsets = [13], sizes = [1], strides = [1]} : vector<16xf32> to vector<1xf32>
        %squeeze3A_1235 = vector.extract %slice3A_1234[0] : f32 from vector<1xf32>
        %mul3A_1236 = arith.constant 9.765625E-4 : f32
        %mul3A_1237 = arith.mulf %squeeze3A_1235, %mul3A_1236 : f32
        %mul3A_1238 = arith.constant 16 : i32
        %mul3A_1239 = arith.muli %scan3A_784, %mul3A_1238 : i32
        %add3A_1240 = arith.constant 13 : i32
        %add3A_1241 = arith.addi %mul3A_1239, %add3A_1240 : i32
        %get3A_1242 = arith.index_cast %add3A_1241 : i32 to index
        %get3A_1243 = arith.constant 0 : index
        %get3A_1244 = tpu.vector_load %arg11[%get3A_1242, %get3A_1243] {strides = array<i32>} : memref<384x48xf32, #tpu.memory_space<vmem>>, vector<16xf32>,
        %mul3A_1245 = vector.broadcast %mul3A_1237 : f32 to vector<16xf32>
        %mul3A_1246 = arith.mulf %mul3A_1245, %get3A_1244 : vector<16xf32>
        %add3A_1247 = arith.addf %add3A_1213, %mul3A_1246 : vector<16xf32>
        %mul3A_1248 = arith.constant 16 : i32
        %mul3A_1249 = arith.muli %scan3A_784, %mul3A_1248 : i32
        %add3A_1250 = arith.constant 13 : i32
        %add3A_1251 = arith.addi %mul3A_1249, %add3A_1250 : i32
        %get3A_1252 = arith.index_cast %add3A_1251 : i32 to index
        %get3A_1253 = arith.constant 16 : index
        %get3A_1254 = tpu.vector_load %arg11[%get3A_1252, %get3A_1253] {strides = array<i32>} : memref<384x48xf32, #tpu.memory_space<vmem>>, vector<16xf32>,
        %mul3A_1255 = vector.broadcast %mul3A_1237 : f32 to vector<16xf32>
        %mul3A_1256 = arith.mulf %mul3A_1255, %get3A_1254 : vector<16xf32>
        %add3A_1257 = arith.addf %add3A_1223, %mul3A_1256 : vector<16xf32>
        %mul3A_1258 = arith.constant 16 : i32
        %mul3A_1259 = arith.muli %scan3A_784, %mul3A_1258 : i32
        %add3A_1260 = arith.constant 13 : i32
        %add3A_1261 = arith.addi %mul3A_1259, %add3A_1260 : i32
        %get3A_1262 = arith.index_cast %add3A_1261 : i32 to index
        %get3A_1263 = arith.constant 32 : index
        %get3A_1264 = tpu.vector_load %arg11[%get3A_1262, %get3A_1263] {strides = array<i32>} : memref<384x48xf32, #tpu.memory_space<vmem>>, vector<16xf32>,
        %mul3A_1265 = vector.broadcast %mul3A_1237 : f32 to vector<16xf32>
        %mul3A_1266 = arith.mulf %mul3A_1265, %get3A_1264 : vector<16xf32>
        %add3A_1267 = arith.addf %add3A_1233, %mul3A_1266 : vector<16xf32>
        %slice3A_1268 = vector.extract_strided_slice %get3A_791 {offsets = [14], sizes = [1], strides = [1]} : vector<16xf32> to vector<1xf32>
        %squeeze3A_1269 = vector.extract %slice3A_1268[0] : f32 from vector<1xf32>
        %mul3A_1270 = arith.constant 9.765625E-4 : f32
        %mul3A_1271 = arith.mulf %squeeze3A_1269, %mul3A_1270 : f32
        %mul3A_1272 = arith.constant 16 : i32
        %mul3A_1273 = arith.muli %scan3A_784, %mul3A_1272 : i32
        %add3A_1274 = arith.constant 14 : i32
        %add3A_1275 = arith.addi %mul3A_1273, %add3A_1274 : i32
        %get3A_1276 = arith.index_cast %add3A_1275 : i32 to index
        %get3A_1277 = arith.constant 0 : index
        %get3A_1278 = tpu.vector_load %arg11[%get3A_1276, %get3A_1277] {strides = array<i32>} : memref<384x48xf32, #tpu.memory_space<vmem>>, vector<16xf32>,
        %mul3A_1279 = vector.broadcast %mul3A_1271 : f32 to vector<16xf32>
        %mul3A_1280 = arith.mulf %mul3A_1279, %get3A_1278 : vector<16xf32>
        %add3A_1281 = arith.addf %add3A_1247, %mul3A_1280 : vector<16xf32>
        %mul3A_1282 = arith.constant 16 : i32
        %mul3A_1283 = arith.muli %scan3A_784, %mul3A_1282 : i32
        %add3A_1284 = arith.constant 14 : i32
        %add3A_1285 = arith.addi %mul3A_1283, %add3A_1284 : i32
        %get3A_1286 = arith.index_cast %add3A_1285 : i32 to index
        %get3A_1287 = arith.constant 16 : index
        %get3A_1288 = tpu.vector_load %arg11[%get3A_1286, %get3A_1287] {strides = array<i32>} : memref<384x48xf32, #tpu.memory_space<vmem>>, vector<16xf32>,
        %mul3A_1289 = vector.broadcast %mul3A_1271 : f32 to vector<16xf32>
        %mul3A_1290 = arith.mulf %mul3A_1289, %get3A_1288 : vector<16xf32>
        %add3A_1291 = arith.addf %add3A_1257, %mul3A_1290 : vector<16xf32>
        %mul3A_1292 = arith.constant 16 : i32
        %mul3A_1293 = arith.muli %scan3A_784, %mul3A_1292 : i32
        %add3A_1294 = arith.constant 14 : i32
        %add3A_1295 = arith.addi %mul3A_1293, %add3A_1294 : i32
        %get3A_1296 = arith.index_cast %add3A_1295 : i32 to index
        %get3A_1297 = arith.constant 32 : index
        %get3A_1298 = tpu.vector_load %arg11[%get3A_1296, %get3A_1297] {strides = array<i32>} : memref<384x48xf32, #tpu.memory_space<vmem>>, vector<16xf32>,
        %mul3A_1299 = vector.broadcast %mul3A_1271 : f32 to vector<16xf32>
        %mul3A_1300 = arith.mulf %mul3A_1299, %get3A_1298 : vector<16xf32>
        %add3A_1301 = arith.addf %add3A_1267, %mul3A_1300 : vector<16xf32>
        %slice3A_1302 = vector.extract_strided_slice %get3A_791 {offsets = [15], sizes = [1], strides = [1]} : vector<16xf32> to vector<1xf32>
        %squeeze3A_1303 = vector.extract %slice3A_1302[0] : f32 from vector<1xf32>
        %mul3A_1304 = arith.constant 9.765625E-4 : f32
        %mul3A_1305 = arith.mulf %squeeze3A_1303, %mul3A_1304 : f32
        %mul3A_1306 = arith.constant 16 : i32
        %mul3A_1307 = arith.muli %scan3A_784, %mul3A_1306 : i32
        %add3A_1308 = arith.constant 15 : i32
        %add3A_1309 = arith.addi %mul3A_1307, %add3A_1308 : i32
        %get3A_1310 = arith.index_cast %add3A_1309 : i32 to index
        %get3A_1311 = arith.constant 0 : index
        %get3A_1312 = tpu.vector_load %arg11[%get3A_1310, %get3A_1311] {strides = array<i32>} : memref<384x48xf32, #tpu.memory_space<vmem>>, vector<16xf32>,
        %mul3A_1313 = vector.broadcast %mul3A_1305 : f32 to vector<16xf32>
        %mul3A_1314 = arith.mulf %mul3A_1313, %get3A_1312 : vector<16xf32>
        %add3A_1315 = arith.addf %add3A_1281, %mul3A_1314 : vector<16xf32>
        %mul3A_1316 = arith.constant 16 : i32
        %mul3A_1317 = arith.muli %scan3A_784, %mul3A_1316 : i32
        %add3A_1318 = arith.constant 15 : i32
        %add3A_1319 = arith.addi %mul3A_1317, %add3A_1318 : i32
        %get3A_1320 = arith.index_cast %add3A_1319 : i32 to index
        %get3A_1321 = arith.constant 16 : index
        %get3A_1322 = tpu.vector_load %arg11[%get3A_1320, %get3A_1321] {strides = array<i32>} : memref<384x48xf32, #tpu.memory_space<vmem>>, vector<16xf32>,
        %mul3A_1323 = vector.broadcast %mul3A_1305 : f32 to vector<16xf32>
        %mul3A_1324 = arith.mulf %mul3A_1323, %get3A_1322 : vector<16xf32>
        %add3A_1325 = arith.addf %add3A_1291, %mul3A_1324 : vector<16xf32>
        %mul3A_1326 = arith.constant 16 : i32
        %mul3A_1327 = arith.muli %scan3A_784, %mul3A_1326 : i32
        %add3A_1328 = arith.constant 15 : i32
        %add3A_1329 = arith.addi %mul3A_1327, %add3A_1328 : i32
        %get3A_1330 = arith.index_cast %add3A_1329 : i32 to index
        %get3A_1331 = arith.constant 32 : index
        %get3A_1332 = tpu.vector_load %arg11[%get3A_1330, %get3A_1331] {strides = array<i32>} : memref<384x48xf32, #tpu.memory_space<vmem>>, vector<16xf32>,
        %mul3A_1333 = vector.broadcast %mul3A_1305 : f32 to vector<16xf32>
        %mul3A_1334 = arith.mulf %mul3A_1333, %get3A_1332 : vector<16xf32>
        %add3A_1335 = arith.addf %add3A_1301, %mul3A_1334 : vector<16xf32>
        scf.yield %add3A_1315, %add3A_1325, %add3A_1335 : vector<16xf32>, vector<16xf32>, vector<16xf32>
      }
      %scan3A_72 = arith.constant 24 : i32
      %get3A = arith.constant 0 : index
      %get3A_73 = tpu.vector_load %arg12[%get3A] {strides = array<i32>} : memref<48xf32, #tpu.memory_space<vmem>>, vector<16xf32>,
      %add3A_74 = arith.addf %scan3A_71#0, %get3A_73 : vector<16xf32>
      %neg3A = arith.constant 0.000000e+00 : f32
      %neg3A_75 = vector.broadcast %neg3A : f32 to vector<16xf32>
      %neg3A_76 = arith.subf %neg3A_75, %add3A_74 : vector<16xf32>
      %exp3A = math.exp %neg3A_76 : vector<16xf32>
      %add3A_77 = arith.constant 1.000000e+00 : f32
      %add3A_78 = vector.broadcast %add3A_77 : f32 to vector<16xf32>
      %add3A_79 = arith.addf %add3A_78, %exp3A : vector<16xf32>
      %div3A = arith.divf %add3A_74, %add3A_79 : vector<16xf32>
      %get3A_80 = arith.constant 16 : index
      %get3A_81 = tpu.vector_load %arg12[%get3A_80] {strides = array<i32>} : memref<48xf32, #tpu.memory_space<vmem>>, vector<16xf32>,
      %add3A_82 = arith.addf %scan3A_71#1, %get3A_81 : vector<16xf32>
      %neg3A_83 = arith.constant 0.000000e+00 : f32
      %neg3A_84 = vector.broadcast %neg3A_83 : f32 to vector<16xf32>
      %neg3A_85 = arith.subf %neg3A_84, %add3A_82 : vector<16xf32>
      %exp3A_86 = math.exp %neg3A_85 : vector<16xf32>
      %add3A_87 = arith.constant 1.000000e+00 : f32
      %add3A_88 = vector.broadcast %add3A_87 : f32 to vector<16xf32>
      %add3A_89 = arith.addf %add3A_88, %exp3A_86 : vector<16xf32>
      %div3A_90 = arith.divf %add3A_82, %add3A_89 : vector<16xf32>
      %get3A_91 = arith.constant 32 : index
      %get3A_92 = tpu.vector_load %arg12[%get3A_91] {strides = array<i32>} : memref<48xf32, #tpu.memory_space<vmem>>, vector<16xf32>,
      %add3A_93 = arith.addf %scan3A_71#2, %get3A_92 : vector<16xf32>
      %neg3A_94 = arith.constant 0.000000e+00 : f32
      %neg3A_95 = vector.broadcast %neg3A_94 : f32 to vector<16xf32>
      %neg3A_96 = arith.subf %neg3A_95, %add3A_93 : vector<16xf32>
      %exp3A_97 = math.exp %neg3A_96 : vector<16xf32>
      %add3A_98 = arith.constant 1.000000e+00 : f32
      %add3A_99 = vector.broadcast %add3A_98 : f32 to vector<16xf32>
      %add3A_100 = arith.addf %add3A_99, %exp3A_97 : vector<16xf32>
      %div3A_101 = arith.divf %add3A_93, %add3A_100 : vector<16xf32>
      %get3A_102 = arith.constant 0 : index
      %get3A_103 = tpu.vector_load %arg14[%get3A_102] {strides = array<i32>} : memref<16xf32, #tpu.memory_space<vmem>>, vector<16xf32>,
      %slice3A = vector.extract_strided_slice %div3A {offsets = [0], sizes = [1], strides = [1]} : vector<16xf32> to vector<1xf32>
      %squeeze3A = vector.extract %slice3A[0] : f32 from vector<1xf32>
      %get3A_104 = arith.constant 0 : i32
      %get3A_105 = arith.index_cast %get3A_104 : i32 to index
      %get3A_106 = arith.constant 0 : index
      %get3A_107 = tpu.vector_load %arg13[%get3A_105, %get3A_106] {strides = array<i32>} : memref<48x16xf32, #tpu.memory_space<vmem>>, vector<16xf32>,
      %mul3A_108 = vector.broadcast %squeeze3A : f32 to vector<16xf32>
      %mul3A_109 = arith.mulf %mul3A_108, %get3A_107 : vector<16xf32>
      %add3A_110 = arith.addf %get3A_103, %mul3A_109 : vector<16xf32>
      %slice3A_111 = vector.extract_strided_slice %div3A {offsets = [1], sizes = [1], strides = [1]} : vector<16xf32> to vector<1xf32>
      %squeeze3A_112 = vector.extract %slice3A_111[0] : f32 from vector<1xf32>
      %get3A_113 = arith.constant 1 : i32
      %get3A_114 = arith.index_cast %get3A_113 : i32 to index
      %get3A_115 = arith.constant 0 : index
      %get3A_116 = tpu.vector_load %arg13[%get3A_114, %get3A_115] {strides = array<i32>} : memref<48x16xf32, #tpu.memory_space<vmem>>, vector<16xf32>,
      %mul3A_117 = vector.broadcast %squeeze3A_112 : f32 to vector<16xf32>
      %mul3A_118 = arith.mulf %mul3A_117, %get3A_116 : vector<16xf32>
      %add3A_119 = arith.addf %add3A_110, %mul3A_118 : vector<16xf32>
      %slice3A_120 = vector.extract_strided_slice %div3A {offsets = [2], sizes = [1], strides = [1]} : vector<16xf32> to vector<1xf32>
      %squeeze3A_121 = vector.extract %slice3A_120[0] : f32 from vector<1xf32>
      %get3A_122 = arith.constant 2 : i32
      %get3A_123 = arith.index_cast %get3A_122 : i32 to index
      %get3A_124 = arith.constant 0 : index
      %get3A_125 = tpu.vector_load %arg13[%get3A_123, %get3A_124] {strides = array<i32>} : memref<48x16xf32, #tpu.memory_space<vmem>>, vector<16xf32>,
      %mul3A_126 = vector.broadcast %squeeze3A_121 : f32 to vector<16xf32>
      %mul3A_127 = arith.mulf %mul3A_126, %get3A_125 : vector<16xf32>
      %add3A_128 = arith.addf %add3A_119, %mul3A_127 : vector<16xf32>
      %slice3A_129 = vector.extract_strided_slice %div3A {offsets = [3], sizes = [1], strides = [1]} : vector<16xf32> to vector<1xf32>
      %squeeze3A_130 = vector.extract %slice3A_129[0] : f32 from vector<1xf32>
      %get3A_131 = arith.constant 3 : i32
      %get3A_132 = arith.index_cast %get3A_131 : i32 to index
      %get3A_133 = arith.constant 0 : index
      %get3A_134 = tpu.vector_load %arg13[%get3A_132, %get3A_133] {strides = array<i32>} : memref<48x16xf32, #tpu.memory_space<vmem>>, vector<16xf32>,
      %mul3A_135 = vector.broadcast %squeeze3A_130 : f32 to vector<16xf32>
      %mul3A_136 = arith.mulf %mul3A_135, %get3A_134 : vector<16xf32>
      %add3A_137 = arith.addf %add3A_128, %mul3A_136 : vector<16xf32>
      %slice3A_138 = vector.extract_strided_slice %div3A {offsets = [4], sizes = [1], strides = [1]} : vector<16xf32> to vector<1xf32>
      %squeeze3A_139 = vector.extract %slice3A_138[0] : f32 from vector<1xf32>
      %get3A_140 = arith.constant 4 : i32
      %get3A_141 = arith.index_cast %get3A_140 : i32 to index
      %get3A_142 = arith.constant 0 : index
      %get3A_143 = tpu.vector_load %arg13[%get3A_141, %get3A_142] {strides = array<i32>} : memref<48x16xf32, #tpu.memory_space<vmem>>, vector<16xf32>,
      %mul3A_144 = vector.broadcast %squeeze3A_139 : f32 to vector<16xf32>
      %mul3A_145 = arith.mulf %mul3A_144, %get3A_143 : vector<16xf32>
      %add3A_146 = arith.addf %add3A_137, %mul3A_145 : vector<16xf32>
      %slice3A_147 = vector.extract_strided_slice %div3A {offsets = [5], sizes = [1], strides = [1]} : vector<16xf32> to vector<1xf32>
      %squeeze3A_148 = vector.extract %slice3A_147[0] : f32 from vector<1xf32>
      %get3A_149 = arith.constant 5 : i32
      %get3A_150 = arith.index_cast %get3A_149 : i32 to index
      %get3A_151 = arith.constant 0 : index
      %get3A_152 = tpu.vector_load %arg13[%get3A_150, %get3A_151] {strides = array<i32>} : memref<48x16xf32, #tpu.memory_space<vmem>>, vector<16xf32>,
      %mul3A_153 = vector.broadcast %squeeze3A_148 : f32 to vector<16xf32>
      %mul3A_154 = arith.mulf %mul3A_153, %get3A_152 : vector<16xf32>
      %add3A_155 = arith.addf %add3A_146, %mul3A_154 : vector<16xf32>
      %slice3A_156 = vector.extract_strided_slice %div3A {offsets = [6], sizes = [1], strides = [1]} : vector<16xf32> to vector<1xf32>
      %squeeze3A_157 = vector.extract %slice3A_156[0] : f32 from vector<1xf32>
      %get3A_158 = arith.constant 6 : i32
      %get3A_159 = arith.index_cast %get3A_158 : i32 to index
      %get3A_160 = arith.constant 0 : index
      %get3A_161 = tpu.vector_load %arg13[%get3A_159, %get3A_160] {strides = array<i32>} : memref<48x16xf32, #tpu.memory_space<vmem>>, vector<16xf32>,
      %mul3A_162 = vector.broadcast %squeeze3A_157 : f32 to vector<16xf32>
      %mul3A_163 = arith.mulf %mul3A_162, %get3A_161 : vector<16xf32>
      %add3A_164 = arith.addf %add3A_155, %mul3A_163 : vector<16xf32>
      %slice3A_165 = vector.extract_strided_slice %div3A {offsets = [7], sizes = [1], strides = [1]} : vector<16xf32> to vector<1xf32>
      %squeeze3A_166 = vector.extract %slice3A_165[0] : f32 from vector<1xf32>
      %get3A_167 = arith.constant 7 : i32
      %get3A_168 = arith.index_cast %get3A_167 : i32 to index
      %get3A_169 = arith.constant 0 : index
      %get3A_170 = tpu.vector_load %arg13[%get3A_168, %get3A_169] {strides = array<i32>} : memref<48x16xf32, #tpu.memory_space<vmem>>, vector<16xf32>,
      %mul3A_171 = vector.broadcast %squeeze3A_166 : f32 to vector<16xf32>
      %mul3A_172 = arith.mulf %mul3A_171, %get3A_170 : vector<16xf32>
      %add3A_173 = arith.addf %add3A_164, %mul3A_172 : vector<16xf32>
      %slice3A_174 = vector.extract_strided_slice %div3A {offsets = [8], sizes = [1], strides = [1]} : vector<16xf32> to vector<1xf32>
      %squeeze3A_175 = vector.extract %slice3A_174[0] : f32 from vector<1xf32>
      %get3A_176 = arith.constant 8 : i32
      %get3A_177 = arith.index_cast %get3A_176 : i32 to index
      %get3A_178 = arith.constant 0 : index
      %get3A_179 = tpu.vector_load %arg13[%get3A_177, %get3A_178] {strides = array<i32>} : memref<48x16xf32, #tpu.memory_space<vmem>>, vector<16xf32>,
      %mul3A_180 = vector.broadcast %squeeze3A_175 : f32 to vector<16xf32>
      %mul3A_181 = arith.mulf %mul3A_180, %get3A_179 : vector<16xf32>
      %add3A_182 = arith.addf %add3A_173, %mul3A_181 : vector<16xf32>
      %slice3A_183 = vector.extract_strided_slice %div3A {offsets = [9], sizes = [1], strides = [1]} : vector<16xf32> to vector<1xf32>
      %squeeze3A_184 = vector.extract %slice3A_183[0] : f32 from vector<1xf32>
      %get3A_185 = arith.constant 9 : i32
      %get3A_186 = arith.index_cast %get3A_185 : i32 to index
      %get3A_187 = arith.constant 0 : index
      %get3A_188 = tpu.vector_load %arg13[%get3A_186, %get3A_187] {strides = array<i32>} : memref<48x16xf32, #tpu.memory_space<vmem>>, vector<16xf32>,
      %mul3A_189 = vector.broadcast %squeeze3A_184 : f32 to vector<16xf32>
      %mul3A_190 = arith.mulf %mul3A_189, %get3A_188 : vector<16xf32>
      %add3A_191 = arith.addf %add3A_182, %mul3A_190 : vector<16xf32>
      %slice3A_192 = vector.extract_strided_slice %div3A {offsets = [10], sizes = [1], strides = [1]} : vector<16xf32> to vector<1xf32>
      %squeeze3A_193 = vector.extract %slice3A_192[0] : f32 from vector<1xf32>
      %get3A_194 = arith.constant 10 : i32
      %get3A_195 = arith.index_cast %get3A_194 : i32 to index
      %get3A_196 = arith.constant 0 : index
      %get3A_197 = tpu.vector_load %arg13[%get3A_195, %get3A_196] {strides = array<i32>} : memref<48x16xf32, #tpu.memory_space<vmem>>, vector<16xf32>,
      %mul3A_198 = vector.broadcast %squeeze3A_193 : f32 to vector<16xf32>
      %mul3A_199 = arith.mulf %mul3A_198, %get3A_197 : vector<16xf32>
      %add3A_200 = arith.addf %add3A_191, %mul3A_199 : vector<16xf32>
      %slice3A_201 = vector.extract_strided_slice %div3A {offsets = [11], sizes = [1], strides = [1]} : vector<16xf32> to vector<1xf32>
      %squeeze3A_202 = vector.extract %slice3A_201[0] : f32 from vector<1xf32>
      %get3A_203 = arith.constant 11 : i32
      %get3A_204 = arith.index_cast %get3A_203 : i32 to index
      %get3A_205 = arith.constant 0 : index
      %get3A_206 = tpu.vector_load %arg13[%get3A_204, %get3A_205] {strides = array<i32>} : memref<48x16xf32, #tpu.memory_space<vmem>>, vector<16xf32>,
      %mul3A_207 = vector.broadcast %squeeze3A_202 : f32 to vector<16xf32>
      %mul3A_208 = arith.mulf %mul3A_207, %get3A_206 : vector<16xf32>
      %add3A_209 = arith.addf %add3A_200, %mul3A_208 : vector<16xf32>
      %slice3A_210 = vector.extract_strided_slice %div3A {offsets = [12], sizes = [1], strides = [1]} : vector<16xf32> to vector<1xf32>
      %squeeze3A_211 = vector.extract %slice3A_210[0] : f32 from vector<1xf32>
      %get3A_212 = arith.constant 12 : i32
      %get3A_213 = arith.index_cast %get3A_212 : i32 to index
      %get3A_214 = arith.constant 0 : index
      %get3A_215 = tpu.vector_load %arg13[%get3A_213, %get3A_214] {strides = array<i32>} : memref<48x16xf32, #tpu.memory_space<vmem>>, vector<16xf32>,
      %mul3A_216 = vector.broadcast %squeeze3A_211 : f32 to vector<16xf32>
      %mul3A_217 = arith.mulf %mul3A_216, %get3A_215 : vector<16xf32>
      %add3A_218 = arith.addf %add3A_209, %mul3A_217 : vector<16xf32>
      %slice3A_219 = vector.extract_strided_slice %div3A {offsets = [13], sizes = [1], strides = [1]} : vector<16xf32> to vector<1xf32>
      %squeeze3A_220 = vector.extract %slice3A_219[0] : f32 from vector<1xf32>
      %get3A_221 = arith.constant 13 : i32
      %get3A_222 = arith.index_cast %get3A_221 : i32 to index
      %get3A_223 = arith.constant 0 : index
      %get3A_224 = tpu.vector_load %arg13[%get3A_222, %get3A_223] {strides = array<i32>} : memref<48x16xf32, #tpu.memory_space<vmem>>, vector<16xf32>,
      %mul3A_225 = vector.broadcast %squeeze3A_220 : f32 to vector<16xf32>
      %mul3A_226 = arith.mulf %mul3A_225, %get3A_224 : vector<16xf32>
      %add3A_227 = arith.addf %add3A_218, %mul3A_226 : vector<16xf32>
      %slice3A_228 = vector.extract_strided_slice %div3A {offsets = [14], sizes = [1], strides = [1]} : vector<16xf32> to vector<1xf32>
      %squeeze3A_229 = vector.extract %slice3A_228[0] : f32 from vector<1xf32>
      %get3A_230 = arith.constant 14 : i32
      %get3A_231 = arith.index_cast %get3A_230 : i32 to index
      %get3A_232 = arith.constant 0 : index
      %get3A_233 = tpu.vector_load %arg13[%get3A_231, %get3A_232] {strides = array<i32>} : memref<48x16xf32, #tpu.memory_space<vmem>>, vector<16xf32>,
      %mul3A_234 = vector.broadcast %squeeze3A_229 : f32 to vector<16xf32>
      %mul3A_235 = arith.mulf %mul3A_234, %get3A_233 : vector<16xf32>
      %add3A_236 = arith.addf %add3A_227, %mul3A_235 : vector<16xf32>
      %slice3A_237 = vector.extract_strided_slice %div3A {offsets = [15], sizes = [1], strides = [1]} : vector<16xf32> to vector<1xf32>
      %squeeze3A_238 = vector.extract %slice3A_237[0] : f32 from vector<1xf32>
      %get3A_239 = arith.constant 15 : i32
      %get3A_240 = arith.index_cast %get3A_239 : i32 to index
      %get3A_241 = arith.constant 0 : index
      %get3A_242 = tpu.vector_load %arg13[%get3A_240, %get3A_241] {strides = array<i32>} : memref<48x16xf32, #tpu.memory_space<vmem>>, vector<16xf32>,
      %mul3A_243 = vector.broadcast %squeeze3A_238 : f32 to vector<16xf32>
      %mul3A_244 = arith.mulf %mul3A_243, %get3A_242 : vector<16xf32>
      %add3A_245 = arith.addf %add3A_236, %mul3A_244 : vector<16xf32>
      %slice3A_246 = vector.extract_strided_slice %div3A_90 {offsets = [0], sizes = [1], strides = [1]} : vector<16xf32> to vector<1xf32>
      %squeeze3A_247 = vector.extract %slice3A_246[0] : f32 from vector<1xf32>
      %get3A_248 = arith.constant 16 : i32
      %get3A_249 = arith.index_cast %get3A_248 : i32 to index
      %get3A_250 = arith.constant 0 : index
      %get3A_251 = tpu.vector_load %arg13[%get3A_249, %get3A_250] {strides = array<i32>} : memref<48x16xf32, #tpu.memory_space<vmem>>, vector<16xf32>,
      %mul3A_252 = vector.broadcast %squeeze3A_247 : f32 to vector<16xf32>
      %mul3A_253 = arith.mulf %mul3A_252, %get3A_251 : vector<16xf32>
      %add3A_254 = arith.addf %add3A_245, %mul3A_253 : vector<16xf32>
      %slice3A_255 = vector.extract_strided_slice %div3A_90 {offsets = [1], sizes = [1], strides = [1]} : vector<16xf32> to vector<1xf32>
      %squeeze3A_256 = vector.extract %slice3A_255[0] : f32 from vector<1xf32>
      %get3A_257 = arith.constant 17 : i32
      %get3A_258 = arith.index_cast %get3A_257 : i32 to index
      %get3A_259 = arith.constant 0 : index
      %get3A_260 = tpu.vector_load %arg13[%get3A_258, %get3A_259] {strides = array<i32>} : memref<48x16xf32, #tpu.memory_space<vmem>>, vector<16xf32>,
      %mul3A_261 = vector.broadcast %squeeze3A_256 : f32 to vector<16xf32>
      %mul3A_262 = arith.mulf %mul3A_261, %get3A_260 : vector<16xf32>
      %add3A_263 = arith.addf %add3A_254, %mul3A_262 : vector<16xf32>
      %slice3A_264 = vector.extract_strided_slice %div3A_90 {offsets = [2], sizes = [1], strides = [1]} : vector<16xf32> to vector<1xf32>
      %squeeze3A_265 = vector.extract %slice3A_264[0] : f32 from vector<1xf32>
      %get3A_266 = arith.constant 18 : i32
      %get3A_267 = arith.index_cast %get3A_266 : i32 to index
      %get3A_268 = arith.constant 0 : index
      %get3A_269 = tpu.vector_load %arg13[%get3A_267, %get3A_268] {strides = array<i32>} : memref<48x16xf32, #tpu.memory_space<vmem>>, vector<16xf32>,
      %mul3A_270 = vector.broadcast %squeeze3A_265 : f32 to vector<16xf32>
      %mul3A_271 = arith.mulf %mul3A_270, %get3A_269 : vector<16xf32>
      %add3A_272 = arith.addf %add3A_263, %mul3A_271 : vector<16xf32>
      %slice3A_273 = vector.extract_strided_slice %div3A_90 {offsets = [3], sizes = [1], strides = [1]} : vector<16xf32> to vector<1xf32>
      %squeeze3A_274 = vector.extract %slice3A_273[0] : f32 from vector<1xf32>
      %get3A_275 = arith.constant 19 : i32
      %get3A_276 = arith.index_cast %get3A_275 : i32 to index
      %get3A_277 = arith.constant 0 : index
      %get3A_278 = tpu.vector_load %arg13[%get3A_276, %get3A_277] {strides = array<i32>} : memref<48x16xf32, #tpu.memory_space<vmem>>, vector<16xf32>,
      %mul3A_279 = vector.broadcast %squeeze3A_274 : f32 to vector<16xf32>
      %mul3A_280 = arith.mulf %mul3A_279, %get3A_278 : vector<16xf32>
      %add3A_281 = arith.addf %add3A_272, %mul3A_280 : vector<16xf32>
      %slice3A_282 = vector.extract_strided_slice %div3A_90 {offsets = [4], sizes = [1], strides = [1]} : vector<16xf32> to vector<1xf32>
      %squeeze3A_283 = vector.extract %slice3A_282[0] : f32 from vector<1xf32>
      %get3A_284 = arith.constant 20 : i32
      %get3A_285 = arith.index_cast %get3A_284 : i32 to index
      %get3A_286 = arith.constant 0 : index
      %get3A_287 = tpu.vector_load %arg13[%get3A_285, %get3A_286] {strides = array<i32>} : memref<48x16xf32, #tpu.memory_space<vmem>>, vector<16xf32>,
      %mul3A_288 = vector.broadcast %squeeze3A_283 : f32 to vector<16xf32>
      %mul3A_289 = arith.mulf %mul3A_288, %get3A_287 : vector<16xf32>
      %add3A_290 = arith.addf %add3A_281, %mul3A_289 : vector<16xf32>
      %slice3A_291 = vector.extract_strided_slice %div3A_90 {offsets = [5], sizes = [1], strides = [1]} : vector<16xf32> to vector<1xf32>
      %squeeze3A_292 = vector.extract %slice3A_291[0] : f32 from vector<1xf32>
      %get3A_293 = arith.constant 21 : i32
      %get3A_294 = arith.index_cast %get3A_293 : i32 to index
      %get3A_295 = arith.constant 0 : index
      %get3A_296 = tpu.vector_load %arg13[%get3A_294, %get3A_295] {strides = array<i32>} : memref<48x16xf32, #tpu.memory_space<vmem>>, vector<16xf32>,
      %mul3A_297 = vector.broadcast %squeeze3A_292 : f32 to vector<16xf32>
      %mul3A_298 = arith.mulf %mul3A_297, %get3A_296 : vector<16xf32>
      %add3A_299 = arith.addf %add3A_290, %mul3A_298 : vector<16xf32>
      %slice3A_300 = vector.extract_strided_slice %div3A_90 {offsets = [6], sizes = [1], strides = [1]} : vector<16xf32> to vector<1xf32>
      %squeeze3A_301 = vector.extract %slice3A_300[0] : f32 from vector<1xf32>
      %get3A_302 = arith.constant 22 : i32
      %get3A_303 = arith.index_cast %get3A_302 : i32 to index
      %get3A_304 = arith.constant 0 : index
      %get3A_305 = tpu.vector_load %arg13[%get3A_303, %get3A_304] {strides = array<i32>} : memref<48x16xf32, #tpu.memory_space<vmem>>, vector<16xf32>,
      %mul3A_306 = vector.broadcast %squeeze3A_301 : f32 to vector<16xf32>
      %mul3A_307 = arith.mulf %mul3A_306, %get3A_305 : vector<16xf32>
      %add3A_308 = arith.addf %add3A_299, %mul3A_307 : vector<16xf32>
      %slice3A_309 = vector.extract_strided_slice %div3A_90 {offsets = [7], sizes = [1], strides = [1]} : vector<16xf32> to vector<1xf32>
      %squeeze3A_310 = vector.extract %slice3A_309[0] : f32 from vector<1xf32>
      %get3A_311 = arith.constant 23 : i32
      %get3A_312 = arith.index_cast %get3A_311 : i32 to index
      %get3A_313 = arith.constant 0 : index
      %get3A_314 = tpu.vector_load %arg13[%get3A_312, %get3A_313] {strides = array<i32>} : memref<48x16xf32, #tpu.memory_space<vmem>>, vector<16xf32>,
      %mul3A_315 = vector.broadcast %squeeze3A_310 : f32 to vector<16xf32>
      %mul3A_316 = arith.mulf %mul3A_315, %get3A_314 : vector<16xf32>
      %add3A_317 = arith.addf %add3A_308, %mul3A_316 : vector<16xf32>
      %slice3A_318 = vector.extract_strided_slice %div3A_90 {offsets = [8], sizes = [1], strides = [1]} : vector<16xf32> to vector<1xf32>
      %squeeze3A_319 = vector.extract %slice3A_318[0] : f32 from vector<1xf32>
      %get3A_320 = arith.constant 24 : i32
      %get3A_321 = arith.index_cast %get3A_320 : i32 to index
      %get3A_322 = arith.constant 0 : index
      %get3A_323 = tpu.vector_load %arg13[%get3A_321, %get3A_322] {strides = array<i32>} : memref<48x16xf32, #tpu.memory_space<vmem>>, vector<16xf32>,
      %mul3A_324 = vector.broadcast %squeeze3A_319 : f32 to vector<16xf32>
      %mul3A_325 = arith.mulf %mul3A_324, %get3A_323 : vector<16xf32>
      %add3A_326 = arith.addf %add3A_317, %mul3A_325 : vector<16xf32>
      %slice3A_327 = vector.extract_strided_slice %div3A_90 {offsets = [9], sizes = [1], strides = [1]} : vector<16xf32> to vector<1xf32>
      %squeeze3A_328 = vector.extract %slice3A_327[0] : f32 from vector<1xf32>
      %get3A_329 = arith.constant 25 : i32
      %get3A_330 = arith.index_cast %get3A_329 : i32 to index
      %get3A_331 = arith.constant 0 : index
      %get3A_332 = tpu.vector_load %arg13[%get3A_330, %get3A_331] {strides = array<i32>} : memref<48x16xf32, #tpu.memory_space<vmem>>, vector<16xf32>,
      %mul3A_333 = vector.broadcast %squeeze3A_328 : f32 to vector<16xf32>
      %mul3A_334 = arith.mulf %mul3A_333, %get3A_332 : vector<16xf32>
      %add3A_335 = arith.addf %add3A_326, %mul3A_334 : vector<16xf32>
      %slice3A_336 = vector.extract_strided_slice %div3A_90 {offsets = [10], sizes = [1], strides = [1]} : vector<16xf32> to vector<1xf32>
      %squeeze3A_337 = vector.extract %slice3A_336[0] : f32 from vector<1xf32>
      %get3A_338 = arith.constant 26 : i32
      %get3A_339 = arith.index_cast %get3A_338 : i32 to index
      %get3A_340 = arith.constant 0 : index
      %get3A_341 = tpu.vector_load %arg13[%get3A_339, %get3A_340] {strides = array<i32>} : memref<48x16xf32, #tpu.memory_space<vmem>>, vector<16xf32>,
      %mul3A_342 = vector.broadcast %squeeze3A_337 : f32 to vector<16xf32>
      %mul3A_343 = arith.mulf %mul3A_342, %get3A_341 : vector<16xf32>
      %add3A_344 = arith.addf %add3A_335, %mul3A_343 : vector<16xf32>
      %slice3A_345 = vector.extract_strided_slice %div3A_90 {offsets = [11], sizes = [1], strides = [1]} : vector<16xf32> to vector<1xf32>
      %squeeze3A_346 = vector.extract %slice3A_345[0] : f32 from vector<1xf32>
      %get3A_347 = arith.constant 27 : i32
      %get3A_348 = arith.index_cast %get3A_347 : i32 to index
      %get3A_349 = arith.constant 0 : index
      %get3A_350 = tpu.vector_load %arg13[%get3A_348, %get3A_349] {strides = array<i32>} : memref<48x16xf32, #tpu.memory_space<vmem>>, vector<16xf32>,
      %mul3A_351 = vector.broadcast %squeeze3A_346 : f32 to vector<16xf32>
      %mul3A_352 = arith.mulf %mul3A_351, %get3A_350 : vector<16xf32>
      %add3A_353 = arith.addf %add3A_344, %mul3A_352 : vector<16xf32>
      %slice3A_354 = vector.extract_strided_slice %div3A_90 {offsets = [12], sizes = [1], strides = [1]} : vector<16xf32> to vector<1xf32>
      %squeeze3A_355 = vector.extract %slice3A_354[0] : f32 from vector<1xf32>
      %get3A_356 = arith.constant 28 : i32
      %get3A_357 = arith.index_cast %get3A_356 : i32 to index
      %get3A_358 = arith.constant 0 : index
      %get3A_359 = tpu.vector_load %arg13[%get3A_357, %get3A_358] {strides = array<i32>} : memref<48x16xf32, #tpu.memory_space<vmem>>, vector<16xf32>,
      %mul3A_360 = vector.broadcast %squeeze3A_355 : f32 to vector<16xf32>
      %mul3A_361 = arith.mulf %mul3A_360, %get3A_359 : vector<16xf32>
      %add3A_362 = arith.addf %add3A_353, %mul3A_361 : vector<16xf32>
      %slice3A_363 = vector.extract_strided_slice %div3A_90 {offsets = [13], sizes = [1], strides = [1]} : vector<16xf32> to vector<1xf32>
      %squeeze3A_364 = vector.extract %slice3A_363[0] : f32 from vector<1xf32>
      %get3A_365 = arith.constant 29 : i32
      %get3A_366 = arith.index_cast %get3A_365 : i32 to index
      %get3A_367 = arith.constant 0 : index
      %get3A_368 = tpu.vector_load %arg13[%get3A_366, %get3A_367] {strides = array<i32>} : memref<48x16xf32, #tpu.memory_space<vmem>>, vector<16xf32>,
      %mul3A_369 = vector.broadcast %squeeze3A_364 : f32 to vector<16xf32>
      %mul3A_370 = arith.mulf %mul3A_369, %get3A_368 : vector<16xf32>
      %add3A_371 = arith.addf %add3A_362, %mul3A_370 : vector<16xf32>
      %slice3A_372 = vector.extract_strided_slice %div3A_90 {offsets = [14], sizes = [1], strides = [1]} : vector<16xf32> to vector<1xf32>
      %squeeze3A_373 = vector.extract %slice3A_372[0] : f32 from vector<1xf32>
      %get3A_374 = arith.constant 30 : i32
      %get3A_375 = arith.index_cast %get3A_374 : i32 to index
      %get3A_376 = arith.constant 0 : index
      %get3A_377 = tpu.vector_load %arg13[%get3A_375, %get3A_376] {strides = array<i32>} : memref<48x16xf32, #tpu.memory_space<vmem>>, vector<16xf32>,
      %mul3A_378 = vector.broadcast %squeeze3A_373 : f32 to vector<16xf32>
      %mul3A_379 = arith.mulf %mul3A_378, %get3A_377 : vector<16xf32>
      %add3A_380 = arith.addf %add3A_371, %mul3A_379 : vector<16xf32>
      %slice3A_381 = vector.extract_strided_slice %div3A_90 {offsets = [15], sizes = [1], strides = [1]} : vector<16xf32> to vector<1xf32>
      %squeeze3A_382 = vector.extract %slice3A_381[0] : f32 from vector<1xf32>
      %get3A_383 = arith.constant 31 : i32
      %get3A_384 = arith.index_cast %get3A_383 : i32 to index
      %get3A_385 = arith.constant 0 : index
      %get3A_386 = tpu.vector_load %arg13[%get3A_384, %get3A_385] {strides = array<i32>} : memref<48x16xf32, #tpu.memory_space<vmem>>, vector<16xf32>,
      %mul3A_387 = vector.broadcast %squeeze3A_382 : f32 to vector<16xf32>
      %mul3A_388 = arith.mulf %mul3A_387, %get3A_386 : vector<16xf32>
      %add3A_389 = arith.addf %add3A_380, %mul3A_388 : vector<16xf32>
      %slice3A_390 = vector.extract_strided_slice %div3A_101 {offsets = [0], sizes = [1], strides = [1]} : vector<16xf32> to vector<1xf32>
      %squeeze3A_391 = vector.extract %slice3A_390[0] : f32 from vector<1xf32>
      %get3A_392 = arith.constant 32 : i32
      %get3A_393 = arith.index_cast %get3A_392 : i32 to index
      %get3A_394 = arith.constant 0 : index
      %get3A_395 = tpu.vector_load %arg13[%get3A_393, %get3A_394] {strides = array<i32>} : memref<48x16xf32, #tpu.memory_space<vmem>>, vector<16xf32>,
      %mul3A_396 = vector.broadcast %squeeze3A_391 : f32 to vector<16xf32>
      %mul3A_397 = arith.mulf %mul3A_396, %get3A_395 : vector<16xf32>
      %add3A_398 = arith.addf %add3A_389, %mul3A_397 : vector<16xf32>
      %slice3A_399 = vector.extract_strided_slice %div3A_101 {offsets = [1], sizes = [1], strides = [1]} : vector<16xf32> to vector<1xf32>
      %squeeze3A_400 = vector.extract %slice3A_399[0] : f32 from vector<1xf32>
      %get3A_401 = arith.constant 33 : i32
      %get3A_402 = arith.index_cast %get3A_401 : i32 to index
      %get3A_403 = arith.constant 0 : index
      %get3A_404 = tpu.vector_load %arg13[%get3A_402, %get3A_403] {strides = array<i32>} : memref<48x16xf32, #tpu.memory_space<vmem>>, vector<16xf32>,
      %mul3A_405 = vector.broadcast %squeeze3A_400 : f32 to vector<16xf32>
      %mul3A_406 = arith.mulf %mul3A_405, %get3A_404 : vector<16xf32>
      %add3A_407 = arith.addf %add3A_398, %mul3A_406 : vector<16xf32>
      %slice3A_408 = vector.extract_strided_slice %div3A_101 {offsets = [2], sizes = [1], strides = [1]} : vector<16xf32> to vector<1xf32>
      %squeeze3A_409 = vector.extract %slice3A_408[0] : f32 from vector<1xf32>
      %get3A_410 = arith.constant 34 : i32
      %get3A_411 = arith.index_cast %get3A_410 : i32 to index
      %get3A_412 = arith.constant 0 : index
      %get3A_413 = tpu.vector_load %arg13[%get3A_411, %get3A_412] {strides = array<i32>} : memref<48x16xf32, #tpu.memory_space<vmem>>, vector<16xf32>,
      %mul3A_414 = vector.broadcast %squeeze3A_409 : f32 to vector<16xf32>
      %mul3A_415 = arith.mulf %mul3A_414, %get3A_413 : vector<16xf32>
      %add3A_416 = arith.addf %add3A_407, %mul3A_415 : vector<16xf32>
      %slice3A_417 = vector.extract_strided_slice %div3A_101 {offsets = [3], sizes = [1], strides = [1]} : vector<16xf32> to vector<1xf32>
      %squeeze3A_418 = vector.extract %slice3A_417[0] : f32 from vector<1xf32>
      %get3A_419 = arith.constant 35 : i32
      %get3A_420 = arith.index_cast %get3A_419 : i32 to index
      %get3A_421 = arith.constant 0 : index
      %get3A_422 = tpu.vector_load %arg13[%get3A_420, %get3A_421] {strides = array<i32>} : memref<48x16xf32, #tpu.memory_space<vmem>>, vector<16xf32>,
      %mul3A_423 = vector.broadcast %squeeze3A_418 : f32 to vector<16xf32>
      %mul3A_424 = arith.mulf %mul3A_423, %get3A_422 : vector<16xf32>
      %add3A_425 = arith.addf %add3A_416, %mul3A_424 : vector<16xf32>
      %slice3A_426 = vector.extract_strided_slice %div3A_101 {offsets = [4], sizes = [1], strides = [1]} : vector<16xf32> to vector<1xf32>
      %squeeze3A_427 = vector.extract %slice3A_426[0] : f32 from vector<1xf32>
      %get3A_428 = arith.constant 36 : i32
      %get3A_429 = arith.index_cast %get3A_428 : i32 to index
      %get3A_430 = arith.constant 0 : index
      %get3A_431 = tpu.vector_load %arg13[%get3A_429, %get3A_430] {strides = array<i32>} : memref<48x16xf32, #tpu.memory_space<vmem>>, vector<16xf32>,
      %mul3A_432 = vector.broadcast %squeeze3A_427 : f32 to vector<16xf32>
      %mul3A_433 = arith.mulf %mul3A_432, %get3A_431 : vector<16xf32>
      %add3A_434 = arith.addf %add3A_425, %mul3A_433 : vector<16xf32>
      %slice3A_435 = vector.extract_strided_slice %div3A_101 {offsets = [5], sizes = [1], strides = [1]} : vector<16xf32> to vector<1xf32>
      %squeeze3A_436 = vector.extract %slice3A_435[0] : f32 from vector<1xf32>
      %get3A_437 = arith.constant 37 : i32
      %get3A_438 = arith.index_cast %get3A_437 : i32 to index
      %get3A_439 = arith.constant 0 : index
      %get3A_440 = tpu.vector_load %arg13[%get3A_438, %get3A_439] {strides = array<i32>} : memref<48x16xf32, #tpu.memory_space<vmem>>, vector<16xf32>,
      %mul3A_441 = vector.broadcast %squeeze3A_436 : f32 to vector<16xf32>
      %mul3A_442 = arith.mulf %mul3A_441, %get3A_440 : vector<16xf32>
      %add3A_443 = arith.addf %add3A_434, %mul3A_442 : vector<16xf32>
      %slice3A_444 = vector.extract_strided_slice %div3A_101 {offsets = [6], sizes = [1], strides = [1]} : vector<16xf32> to vector<1xf32>
      %squeeze3A_445 = vector.extract %slice3A_444[0] : f32 from vector<1xf32>
      %get3A_446 = arith.constant 38 : i32
      %get3A_447 = arith.index_cast %get3A_446 : i32 to index
      %get3A_448 = arith.constant 0 : index
      %get3A_449 = tpu.vector_load %arg13[%get3A_447, %get3A_448] {strides = array<i32>} : memref<48x16xf32, #tpu.memory_space<vmem>>, vector<16xf32>,
      %mul3A_450 = vector.broadcast %squeeze3A_445 : f32 to vector<16xf32>
      %mul3A_451 = arith.mulf %mul3A_450, %get3A_449 : vector<16xf32>
      %add3A_452 = arith.addf %add3A_443, %mul3A_451 : vector<16xf32>
      %slice3A_453 = vector.extract_strided_slice %div3A_101 {offsets = [7], sizes = [1], strides = [1]} : vector<16xf32> to vector<1xf32>
      %squeeze3A_454 = vector.extract %slice3A_453[0] : f32 from vector<1xf32>
      %get3A_455 = arith.constant 39 : i32
      %get3A_456 = arith.index_cast %get3A_455 : i32 to index
      %get3A_457 = arith.constant 0 : index
      %get3A_458 = tpu.vector_load %arg13[%get3A_456, %get3A_457] {strides = array<i32>} : memref<48x16xf32, #tpu.memory_space<vmem>>, vector<16xf32>,
      %mul3A_459 = vector.broadcast %squeeze3A_454 : f32 to vector<16xf32>
      %mul3A_460 = arith.mulf %mul3A_459, %get3A_458 : vector<16xf32>
      %add3A_461 = arith.addf %add3A_452, %mul3A_460 : vector<16xf32>
      %slice3A_462 = vector.extract_strided_slice %div3A_101 {offsets = [8], sizes = [1], strides = [1]} : vector<16xf32> to vector<1xf32>
      %squeeze3A_463 = vector.extract %slice3A_462[0] : f32 from vector<1xf32>
      %get3A_464 = arith.constant 40 : i32
      %get3A_465 = arith.index_cast %get3A_464 : i32 to index
      %get3A_466 = arith.constant 0 : index
      %get3A_467 = tpu.vector_load %arg13[%get3A_465, %get3A_466] {strides = array<i32>} : memref<48x16xf32, #tpu.memory_space<vmem>>, vector<16xf32>,
      %mul3A_468 = vector.broadcast %squeeze3A_463 : f32 to vector<16xf32>
      %mul3A_469 = arith.mulf %mul3A_468, %get3A_467 : vector<16xf32>
      %add3A_470 = arith.addf %add3A_461, %mul3A_469 : vector<16xf32>
      %slice3A_471 = vector.extract_strided_slice %div3A_101 {offsets = [9], sizes = [1], strides = [1]} : vector<16xf32> to vector<1xf32>
      %squeeze3A_472 = vector.extract %slice3A_471[0] : f32 from vector<1xf32>
      %get3A_473 = arith.constant 41 : i32
      %get3A_474 = arith.index_cast %get3A_473 : i32 to index
      %get3A_475 = arith.constant 0 : index
      %get3A_476 = tpu.vector_load %arg13[%get3A_474, %get3A_475] {strides = array<i32>} : memref<48x16xf32, #tpu.memory_space<vmem>>, vector<16xf32>,
      %mul3A_477 = vector.broadcast %squeeze3A_472 : f32 to vector<16xf32>
      %mul3A_478 = arith.mulf %mul3A_477, %get3A_476 : vector<16xf32>
      %add3A_479 = arith.addf %add3A_470, %mul3A_478 : vector<16xf32>
      %slice3A_480 = vector.extract_strided_slice %div3A_101 {offsets = [10], sizes = [1], strides = [1]} : vector<16xf32> to vector<1xf32>
      %squeeze3A_481 = vector.extract %slice3A_480[0] : f32 from vector<1xf32>
      %get3A_482 = arith.constant 42 : i32
      %get3A_483 = arith.index_cast %get3A_482 : i32 to index
      %get3A_484 = arith.constant 0 : index
      %get3A_485 = tpu.vector_load %arg13[%get3A_483, %get3A_484] {strides = array<i32>} : memref<48x16xf32, #tpu.memory_space<vmem>>, vector<16xf32>,
      %mul3A_486 = vector.broadcast %squeeze3A_481 : f32 to vector<16xf32>
      %mul3A_487 = arith.mulf %mul3A_486, %get3A_485 : vector<16xf32>
      %add3A_488 = arith.addf %add3A_479, %mul3A_487 : vector<16xf32>
      %slice3A_489 = vector.extract_strided_slice %div3A_101 {offsets = [11], sizes = [1], strides = [1]} : vector<16xf32> to vector<1xf32>
      %squeeze3A_490 = vector.extract %slice3A_489[0] : f32 from vector<1xf32>
      %get3A_491 = arith.constant 43 : i32
      %get3A_492 = arith.index_cast %get3A_491 : i32 to index
      %get3A_493 = arith.constant 0 : index
      %get3A_494 = tpu.vector_load %arg13[%get3A_492, %get3A_493] {strides = array<i32>} : memref<48x16xf32, #tpu.memory_space<vmem>>, vector<16xf32>,
      %mul3A_495 = vector.broadcast %squeeze3A_490 : f32 to vector<16xf32>
      %mul3A_496 = arith.mulf %mul3A_495, %get3A_494 : vector<16xf32>
      %add3A_497 = arith.addf %add3A_488, %mul3A_496 : vector<16xf32>
      %slice3A_498 = vector.extract_strided_slice %div3A_101 {offsets = [12], sizes = [1], strides = [1]} : vector<16xf32> to vector<1xf32>
      %squeeze3A_499 = vector.extract %slice3A_498[0] : f32 from vector<1xf32>
      %get3A_500 = arith.constant 44 : i32
      %get3A_501 = arith.index_cast %get3A_500 : i32 to index
      %get3A_502 = arith.constant 0 : index
      %get3A_503 = tpu.vector_load %arg13[%get3A_501, %get3A_502] {strides = array<i32>} : memref<48x16xf32, #tpu.memory_space<vmem>>, vector<16xf32>,
      %mul3A_504 = vector.broadcast %squeeze3A_499 : f32 to vector<16xf32>
      %mul3A_505 = arith.mulf %mul3A_504, %get3A_503 : vector<16xf32>
      %add3A_506 = arith.addf %add3A_497, %mul3A_505 : vector<16xf32>
      %slice3A_507 = vector.extract_strided_slice %div3A_101 {offsets = [13], sizes = [1], strides = [1]} : vector<16xf32> to vector<1xf32>
      %squeeze3A_508 = vector.extract %slice3A_507[0] : f32 from vector<1xf32>
      %get3A_509 = arith.constant 45 : i32
      %get3A_510 = arith.index_cast %get3A_509 : i32 to index
      %get3A_511 = arith.constant 0 : index
      %get3A_512 = tpu.vector_load %arg13[%get3A_510, %get3A_511] {strides = array<i32>} : memref<48x16xf32, #tpu.memory_space<vmem>>, vector<16xf32>,
      %mul3A_513 = vector.broadcast %squeeze3A_508 : f32 to vector<16xf32>
      %mul3A_514 = arith.mulf %mul3A_513, %get3A_512 : vector<16xf32>
      %add3A_515 = arith.addf %add3A_506, %mul3A_514 : vector<16xf32>
      %slice3A_516 = vector.extract_strided_slice %div3A_101 {offsets = [14], sizes = [1], strides = [1]} : vector<16xf32> to vector<1xf32>
      %squeeze3A_517 = vector.extract %slice3A_516[0] : f32 from vector<1xf32>
      %get3A_518 = arith.constant 46 : i32
      %get3A_519 = arith.index_cast %get3A_518 : i32 to index
      %get3A_520 = arith.constant 0 : index
      %get3A_521 = tpu.vector_load %arg13[%get3A_519, %get3A_520] {strides = array<i32>} : memref<48x16xf32, #tpu.memory_space<vmem>>, vector<16xf32>,
      %mul3A_522 = vector.broadcast %squeeze3A_517 : f32 to vector<16xf32>
      %mul3A_523 = arith.mulf %mul3A_522, %get3A_521 : vector<16xf32>
      %add3A_524 = arith.addf %add3A_515, %mul3A_523 : vector<16xf32>
      %slice3A_525 = vector.extract_strided_slice %div3A_101 {offsets = [15], sizes = [1], strides = [1]} : vector<16xf32> to vector<1xf32>
      %squeeze3A_526 = vector.extract %slice3A_525[0] : f32 from vector<1xf32>
      %get3A_527 = arith.constant 47 : i32
      %get3A_528 = arith.index_cast %get3A_527 : i32 to index
      %get3A_529 = arith.constant 0 : index
      %get3A_530 = tpu.vector_load %arg13[%get3A_528, %get3A_529] {strides = array<i32>} : memref<48x16xf32, #tpu.memory_space<vmem>>, vector<16xf32>,
      %mul3A_531 = vector.broadcast %squeeze3A_526 : f32 to vector<16xf32>
      %mul3A_532 = arith.mulf %mul3A_531, %get3A_530 : vector<16xf32>
      %add3A_533 = arith.addf %add3A_524, %mul3A_532 : vector<16xf32>
      %exp3A_534 = math.exp %add3A_533 : vector<16xf32>
      %slice3A_535 = vector.extract_strided_slice %exp3A_534 {offsets = [0], sizes = [1], strides = [1]} : vector<16xf32> to vector<1xf32>
      %squeeze3A_536 = vector.extract %slice3A_535[0] : f32 from vector<1xf32>
      %slice3A_537 = vector.extract_strided_slice %exp3A_534 {offsets = [1], sizes = [1], strides = [1]} : vector<16xf32> to vector<1xf32>
      %squeeze3A_538 = vector.extract %slice3A_537[0] : f32 from vector<1xf32>
      %slice3A_539 = vector.extract_strided_slice %exp3A_534 {offsets = [2], sizes = [1], strides = [1]} : vector<16xf32> to vector<1xf32>
      %squeeze3A_540 = vector.extract %slice3A_539[0] : f32 from vector<1xf32>
      %slice3A_541 = vector.extract_strided_slice %exp3A_534 {offsets = [3], sizes = [1], strides = [1]} : vector<16xf32> to vector<1xf32>
      %squeeze3A_542 = vector.extract %slice3A_541[0] : f32 from vector<1xf32>
      %slice3A_543 = vector.extract_strided_slice %exp3A_534 {offsets = [4], sizes = [1], strides = [1]} : vector<16xf32> to vector<1xf32>
      %squeeze3A_544 = vector.extract %slice3A_543[0] : f32 from vector<1xf32>
      %slice3A_545 = vector.extract_strided_slice %exp3A_534 {offsets = [5], sizes = [1], strides = [1]} : vector<16xf32> to vector<1xf32>
      %squeeze3A_546 = vector.extract %slice3A_545[0] : f32 from vector<1xf32>
      %slice3A_547 = vector.extract_strided_slice %exp3A_534 {offsets = [6], sizes = [1], strides = [1]} : vector<16xf32> to vector<1xf32>
      %squeeze3A_548 = vector.extract %slice3A_547[0] : f32 from vector<1xf32>
      %slice3A_549 = vector.extract_strided_slice %exp3A_534 {offsets = [7], sizes = [1], strides = [1]} : vector<16xf32> to vector<1xf32>
      %squeeze3A_550 = vector.extract %slice3A_549[0] : f32 from vector<1xf32>
      %add3A_551 = arith.addf %squeeze3A_536, %squeeze3A_538 : f32
      %add3A_552 = arith.addf %add3A_551, %squeeze3A_540 : f32
      %add3A_553 = arith.addf %add3A_552, %squeeze3A_542 : f32
      %add3A_554 = arith.addf %add3A_553, %squeeze3A_544 : f32
      %add3A_555 = arith.addf %add3A_554, %squeeze3A_546 : f32
      %add3A_556 = arith.addf %add3A_555, %squeeze3A_548 : f32
      %add3A_557 = arith.addf %add3A_556, %squeeze3A_550 : f32
      %broadcast_in_dim3A_558 = arith.constant 1.000000e+00 : f32
      %broadcast_in_dim3A_559 = vector.broadcast %broadcast_in_dim3A_558 : f32 to vector<16xf32>
      %broadcast_in_dim3A_560 = vector.broadcast %add3A_557 : f32 to vector<16xf32>
      %div3A_561 = arith.divf %broadcast_in_dim3A_559, %broadcast_in_dim3A_560 : vector<16xf32>
      %slice3A_562 = vector.extract_strided_slice %div3A_561 {offsets = [0], sizes = [1], strides = [1]} : vector<16xf32> to vector<1xf32>
      %squeeze3A_563 = vector.extract %slice3A_562[0] : f32 from vector<1xf32>
      %mul3A_564 = arith.mulf %squeeze3A_536, %squeeze3A_563 : f32
      %mul3A_565 = arith.mulf %squeeze3A_538, %squeeze3A_563 : f32
      %mul3A_566 = arith.mulf %squeeze3A_540, %squeeze3A_563 : f32
      %mul3A_567 = arith.mulf %squeeze3A_542, %squeeze3A_563 : f32
      %mul3A_568 = arith.mulf %squeeze3A_544, %squeeze3A_563 : f32
      %mul3A_569 = arith.mulf %squeeze3A_546, %squeeze3A_563 : f32
      %mul3A_570 = arith.mulf %squeeze3A_548, %squeeze3A_563 : f32
      %mul3A_571 = arith.mulf %squeeze3A_550, %squeeze3A_563 : f32
      %max3A = arith.maximumf %mul3A_564, %mul3A_565 : f32
      %max3A_572 = arith.maximumf %max3A, %mul3A_566 : f32
      %max3A_573 = arith.maximumf %max3A_572, %mul3A_567 : f32
      %max3A_574 = arith.maximumf %max3A_573, %mul3A_568 : f32
      %max3A_575 = arith.maximumf %max3A_574, %mul3A_569 : f32
      %max3A_576 = arith.maximumf %max3A_575, %mul3A_570 : f32
      %max3A_577 = arith.maximumf %max3A_576, %mul3A_571 : f32
      %eq3A = arith.cmpf oeq, %mul3A_571, %max3A_577 : f32
      %jit3A = arith.constant 7 : i32
      %jit3A_578 = arith.constant 7 : i32
      %select_n3A = arith.select %eq3A, %jit3A, %jit3A_578 : i32
      %eq3A_579 = arith.cmpf oeq, %mul3A_570, %max3A_577 : f32
      %jit3A_580 = arith.constant 6 : i32
      %select_n3A_581 = arith.select %eq3A_579, %jit3A_580, %select_n3A : i32
      %eq3A_582 = arith.cmpf oeq, %mul3A_569, %max3A_577 : f32
      %jit3A_583 = arith.constant 5 : i32
      %select_n3A_584 = arith.select %eq3A_582, %jit3A_583, %select_n3A_581 : i32
      %eq3A_585 = arith.cmpf oeq, %mul3A_568, %max3A_577 : f32
      %jit3A_586 = arith.constant 4 : i32
      %select_n3A_587 = arith.select %eq3A_585, %jit3A_586, %select_n3A_584 : i32
      %eq3A_588 = arith.cmpf oeq, %mul3A_567, %max3A_577 : f32
      %jit3A_589 = arith.constant 3 : i32
      %select_n3A_590 = arith.select %eq3A_588, %jit3A_589, %select_n3A_587 : i32
      %eq3A_591 = arith.cmpf oeq, %mul3A_566, %max3A_577 : f32
      %jit3A_592 = arith.constant 2 : i32
      %select_n3A_593 = arith.select %eq3A_591, %jit3A_592, %select_n3A_590 : i32
      %eq3A_594 = arith.cmpf oeq, %mul3A_565, %max3A_577 : f32
      %jit3A_595 = arith.constant 1 : i32
      %select_n3A_596 = arith.select %eq3A_594, %jit3A_595, %select_n3A_593 : i32
      %eq3A_597 = arith.cmpf oeq, %mul3A_564, %max3A_577 : f32
      %jit3A_598 = arith.constant 0 : i32
      %select_n3A_599 = arith.select %eq3A_597, %jit3A_598, %select_n3A_596 : i32
      %eq3A_600 = arith.constant 0 : i32
      %eq3A_601 = arith.cmpi eq, %select_n3A_599, %eq3A_600 : i32
      %jit3A_602 = arith.constant -1.000000e+00 : f32
      %select_n3A_603 = arith.select %eq3A_601, %jit3A_602, %mul3A_564 : f32
      %eq3A_604 = arith.constant 1 : i32
      %eq3A_605 = arith.cmpi eq, %select_n3A_599, %eq3A_604 : i32
      %jit3A_606 = arith.constant -1.000000e+00 : f32
      %select_n3A_607 = arith.select %eq3A_605, %jit3A_606, %mul3A_565 : f32
      %eq3A_608 = arith.constant 2 : i32
      %eq3A_609 = arith.cmpi eq, %select_n3A_599, %eq3A_608 : i32
      %jit3A_610 = arith.constant -1.000000e+00 : f32
      %select_n3A_611 = arith.select %eq3A_609, %jit3A_610, %mul3A_566 : f32
      %eq3A_612 = arith.constant 3 : i32
      %eq3A_613 = arith.cmpi eq, %select_n3A_599, %eq3A_612 : i32
      %jit3A_614 = arith.constant -1.000000e+00 : f32
      %select_n3A_615 = arith.select %eq3A_613, %jit3A_614, %mul3A_567 : f32
      %eq3A_616 = arith.constant 4 : i32
      %eq3A_617 = arith.cmpi eq, %select_n3A_599, %eq3A_616 : i32
      %jit3A_618 = arith.constant -1.000000e+00 : f32
      %select_n3A_619 = arith.select %eq3A_617, %jit3A_618, %mul3A_568 : f32
      %eq3A_620 = arith.constant 5 : i32
      %eq3A_621 = arith.cmpi eq, %select_n3A_599, %eq3A_620 : i32
      %jit3A_622 = arith.constant -1.000000e+00 : f32
      %select_n3A_623 = arith.select %eq3A_621, %jit3A_622, %mul3A_569 : f32
      %eq3A_624 = arith.constant 6 : i32
      %eq3A_625 = arith.cmpi eq, %select_n3A_599, %eq3A_624 : i32
      %jit3A_626 = arith.constant -1.000000e+00 : f32
      %select_n3A_627 = arith.select %eq3A_625, %jit3A_626, %mul3A_570 : f32
      %eq3A_628 = arith.constant 7 : i32
      %eq3A_629 = arith.cmpi eq, %select_n3A_599, %eq3A_628 : i32
      %jit3A_630 = arith.constant -1.000000e+00 : f32
      %select_n3A_631 = arith.select %eq3A_629, %jit3A_630, %mul3A_571 : f32
      %max3A_632 = arith.maximumf %select_n3A_603, %select_n3A_607 : f32
      %max3A_633 = arith.maximumf %max3A_632, %select_n3A_611 : f32
      %max3A_634 = arith.maximumf %max3A_633, %select_n3A_615 : f32
      %max3A_635 = arith.maximumf %max3A_634, %select_n3A_619 : f32
      %max3A_636 = arith.maximumf %max3A_635, %select_n3A_623 : f32
      %max3A_637 = arith.maximumf %max3A_636, %select_n3A_627 : f32
      %max3A_638 = arith.maximumf %max3A_637, %select_n3A_631 : f32
      %eq3A_639 = arith.cmpf oeq, %select_n3A_631, %max3A_638 : f32
      %jit3A_640 = arith.constant 7 : i32
      %jit3A_641 = arith.constant 7 : i32
      %select_n3A_642 = arith.select %eq3A_639, %jit3A_640, %jit3A_641 : i32
      %eq3A_643 = arith.cmpf oeq, %select_n3A_627, %max3A_638 : f32
      %jit3A_644 = arith.constant 6 : i32
      %select_n3A_645 = arith.select %eq3A_643, %jit3A_644, %select_n3A_642 : i32
      %eq3A_646 = arith.cmpf oeq, %select_n3A_623, %max3A_638 : f32
      %jit3A_647 = arith.constant 5 : i32
      %select_n3A_648 = arith.select %eq3A_646, %jit3A_647, %select_n3A_645 : i32
      %eq3A_649 = arith.cmpf oeq, %select_n3A_619, %max3A_638 : f32
      %jit3A_650 = arith.constant 4 : i32
      %select_n3A_651 = arith.select %eq3A_649, %jit3A_650, %select_n3A_648 : i32
      %eq3A_652 = arith.cmpf oeq, %select_n3A_615, %max3A_638 : f32
      %jit3A_653 = arith.constant 3 : i32
      %select_n3A_654 = arith.select %eq3A_652, %jit3A_653, %select_n3A_651 : i32
      %eq3A_655 = arith.cmpf oeq, %select_n3A_611, %max3A_638 : f32
      %jit3A_656 = arith.constant 2 : i32
      %select_n3A_657 = arith.select %eq3A_655, %jit3A_656, %select_n3A_654 : i32
      %eq3A_658 = arith.cmpf oeq, %select_n3A_607, %max3A_638 : f32
      %jit3A_659 = arith.constant 1 : i32
      %select_n3A_660 = arith.select %eq3A_658, %jit3A_659, %select_n3A_657 : i32
      %eq3A_661 = arith.cmpf oeq, %select_n3A_603, %max3A_638 : f32
      %jit3A_662 = arith.constant 0 : i32
      %select_n3A_663 = arith.select %eq3A_661, %jit3A_662, %select_n3A_660 : i32
      %eq3A_664 = arith.constant 0 : i32
      %eq3A_665 = arith.cmpi eq, %select_n3A_599, %eq3A_664 : i32
      %eq3A_666 = arith.constant 0 : i32
      %eq3A_667 = arith.cmpi eq, %select_n3A_663, %eq3A_666 : i32
      %or3A = arith.ori %eq3A_665, %eq3A_667 : i1
      %eq3A_668 = arith.constant 1 : i32
      %eq3A_669 = arith.cmpi eq, %select_n3A_599, %eq3A_668 : i32
      %eq3A_670 = arith.constant 1 : i32
      %eq3A_671 = arith.cmpi eq, %select_n3A_663, %eq3A_670 : i32
      %or3A_672 = arith.ori %eq3A_669, %eq3A_671 : i1
      %eq3A_673 = arith.constant 2 : i32
      %eq3A_674 = arith.cmpi eq, %select_n3A_599, %eq3A_673 : i32
      %eq3A_675 = arith.constant 2 : i32
      %eq3A_676 = arith.cmpi eq, %select_n3A_663, %eq3A_675 : i32
      %or3A_677 = arith.ori %eq3A_674, %eq3A_676 : i1
      %eq3A_678 = arith.constant 3 : i32
      %eq3A_679 = arith.cmpi eq, %select_n3A_599, %eq3A_678 : i32
      %eq3A_680 = arith.constant 3 : i32
      %eq3A_681 = arith.cmpi eq, %select_n3A_663, %eq3A_680 : i32
      %or3A_682 = arith.ori %eq3A_679, %eq3A_681 : i1
      %eq3A_683 = arith.constant 4 : i32
      %eq3A_684 = arith.cmpi eq, %select_n3A_599, %eq3A_683 : i32
      %eq3A_685 = arith.constant 4 : i32
      %eq3A_686 = arith.cmpi eq, %select_n3A_663, %eq3A_685 : i32
      %or3A_687 = arith.ori %eq3A_684, %eq3A_686 : i1
      %eq3A_688 = arith.constant 5 : i32
      %eq3A_689 = arith.cmpi eq, %select_n3A_599, %eq3A_688 : i32
      %eq3A_690 = arith.constant 5 : i32
      %eq3A_691 = arith.cmpi eq, %select_n3A_663, %eq3A_690 : i32
      %or3A_692 = arith.ori %eq3A_689, %eq3A_691 : i1
      %eq3A_693 = arith.constant 6 : i32
      %eq3A_694 = arith.cmpi eq, %select_n3A_599, %eq3A_693 : i32
      %eq3A_695 = arith.constant 6 : i32
      %eq3A_696 = arith.cmpi eq, %select_n3A_663, %eq3A_695 : i32
      %or3A_697 = arith.ori %eq3A_694, %eq3A_696 : i1
      %eq3A_698 = arith.constant 7 : i32
      %eq3A_699 = arith.cmpi eq, %select_n3A_599, %eq3A_698 : i32
      %eq3A_700 = arith.constant 7 : i32
      %eq3A_701 = arith.cmpi eq, %select_n3A_663, %eq3A_700 : i32
      %or3A_702 = arith.ori %eq3A_699, %eq3A_701 : i1
      %jit3A_703 = arith.constant 0.000000e+00 : f32
      %select_n3A_704 = arith.select %or3A, %mul3A_564, %jit3A_703 : f32
      %jit3A_705 = arith.constant 0.000000e+00 : f32
      %select_n3A_706 = arith.select %or3A_672, %mul3A_565, %jit3A_705 : f32
      %jit3A_707 = arith.constant 0.000000e+00 : f32
      %select_n3A_708 = arith.select %or3A_677, %mul3A_566, %jit3A_707 : f32
      %jit3A_709 = arith.constant 0.000000e+00 : f32
      %select_n3A_710 = arith.select %or3A_682, %mul3A_567, %jit3A_709 : f32
      %jit3A_711 = arith.constant 0.000000e+00 : f32
      %select_n3A_712 = arith.select %or3A_687, %mul3A_568, %jit3A_711 : f32
      %jit3A_713 = arith.constant 0.000000e+00 : f32
      %select_n3A_714 = arith.select %or3A_692, %mul3A_569, %jit3A_713 : f32
      %jit3A_715 = arith.constant 0.000000e+00 : f32
      %select_n3A_716 = arith.select %or3A_697, %mul3A_570, %jit3A_715 : f32
      %jit3A_717 = arith.constant 0.000000e+00 : f32
      %select_n3A_718 = arith.select %or3A_702, %mul3A_571, %jit3A_717 : f32
      %add3A_719 = arith.addf %select_n3A_704, %select_n3A_706 : f32
      %add3A_720 = arith.addf %add3A_719, %select_n3A_708 : f32
      %add3A_721 = arith.addf %add3A_720, %select_n3A_710 : f32
      %add3A_722 = arith.addf %add3A_721, %select_n3A_712 : f32
      %add3A_723 = arith.addf %add3A_722, %select_n3A_714 : f32
      %add3A_724 = arith.addf %add3A_723, %select_n3A_716 : f32
      %add3A_725 = arith.addf %add3A_724, %select_n3A_718 : f32
      %broadcast_in_dim3A_726 = arith.constant 1.000000e+00 : f32
      %broadcast_in_dim3A_727 = vector.broadcast %broadcast_in_dim3A_726 : f32 to vector<16xf32>
      %add3A_728 = arith.constant 9.99999993E-9 : f32
      %add3A_729 = arith.addf %add3A_725, %add3A_728 : f32
      %broadcast_in_dim3A_730 = vector.broadcast %add3A_729 : f32 to vector<16xf32>
      %div3A_731 = arith.divf %broadcast_in_dim3A_727, %broadcast_in_dim3A_730 : vector<16xf32>
      %slice3A_732 = vector.extract_strided_slice %div3A_731 {offsets = [0], sizes = [1], strides = [1]} : vector<16xf32> to vector<1xf32>
      %squeeze3A_733 = vector.extract %slice3A_732[0] : f32 from vector<1xf32>
      %iota3A = tpu.iota {dimensions = array<i32: 0>} : vector<16xi32>
      %eq3A_734 = arith.constant 0 : i32
      %eq3A_735 = vector.broadcast %eq3A_734 : i32 to vector<16xi32>
      %eq3A_736 = arith.cmpi eq, %iota3A, %eq3A_735 : vector<16xi32>
      %mul3A_737 = arith.mulf %select_n3A_704, %squeeze3A_733 : f32
      %broadcast_in_dim3A_738 = vector.broadcast %mul3A_737 : f32 to vector<16xf32>
      %select_n3A_739 = arith.select %eq3A_736, %broadcast_in_dim3A_738, %broadcast_in_dim3A_1 : vector<16xi1>, vector<16xf32>
      %eq3A_740 = arith.constant 1 : i32
      %eq3A_741 = vector.broadcast %eq3A_740 : i32 to vector<16xi32>
      %eq3A_742 = arith.cmpi eq, %iota3A, %eq3A_741 : vector<16xi32>
      %mul3A_743 = arith.mulf %select_n3A_706, %squeeze3A_733 : f32
      %broadcast_in_dim3A_744 = vector.broadcast %mul3A_743 : f32 to vector<16xf32>
      %select_n3A_745 = arith.select %eq3A_742, %broadcast_in_dim3A_744, %select_n3A_739 : vector<16xi1>, vector<16xf32>
      %eq3A_746 = arith.constant 2 : i32
      %eq3A_747 = vector.broadcast %eq3A_746 : i32 to vector<16xi32>
      %eq3A_748 = arith.cmpi eq, %iota3A, %eq3A_747 : vector<16xi32>
      %mul3A_749 = arith.mulf %select_n3A_708, %squeeze3A_733 : f32
      %broadcast_in_dim3A_750 = vector.broadcast %mul3A_749 : f32 to vector<16xf32>
      %select_n3A_751 = arith.select %eq3A_748, %broadcast_in_dim3A_750, %select_n3A_745 : vector<16xi1>, vector<16xf32>
      %eq3A_752 = arith.constant 3 : i32
      %eq3A_753 = vector.broadcast %eq3A_752 : i32 to vector<16xi32>
      %eq3A_754 = arith.cmpi eq, %iota3A, %eq3A_753 : vector<16xi32>
      %mul3A_755 = arith.mulf %select_n3A_710, %squeeze3A_733 : f32
      %broadcast_in_dim3A_756 = vector.broadcast %mul3A_755 : f32 to vector<16xf32>
      %select_n3A_757 = arith.select %eq3A_754, %broadcast_in_dim3A_756, %select_n3A_751 : vector<16xi1>, vector<16xf32>
      %eq3A_758 = arith.constant 4 : i32
      %eq3A_759 = vector.broadcast %eq3A_758 : i32 to vector<16xi32>
      %eq3A_760 = arith.cmpi eq, %iota3A, %eq3A_759 : vector<16xi32>
      %mul3A_761 = arith.mulf %select_n3A_712, %squeeze3A_733 : f32
      %broadcast_in_dim3A_762 = vector.broadcast %mul3A_761 : f32 to vector<16xf32>
      %select_n3A_763 = arith.select %eq3A_760, %broadcast_in_dim3A_762, %select_n3A_757 : vector<16xi1>, vector<16xf32>
      %eq3A_764 = arith.constant 5 : i32
      %eq3A_765 = vector.broadcast %eq3A_764 : i32 to vector<16xi32>
      %eq3A_766 = arith.cmpi eq, %iota3A, %eq3A_765 : vector<16xi32>
      %mul3A_767 = arith.mulf %select_n3A_714, %squeeze3A_733 : f32
      %broadcast_in_dim3A_768 = vector.broadcast %mul3A_767 : f32 to vector<16xf32>
      %select_n3A_769 = arith.select %eq3A_766, %broadcast_in_dim3A_768, %select_n3A_763 : vector<16xi1>, vector<16xf32>
      %eq3A_770 = arith.constant 6 : i32
      %eq3A_771 = vector.broadcast %eq3A_770 : i32 to vector<16xi32>
      %eq3A_772 = arith.cmpi eq, %iota3A, %eq3A_771 : vector<16xi32>
      %mul3A_773 = arith.mulf %select_n3A_716, %squeeze3A_733 : f32
      %broadcast_in_dim3A_774 = vector.broadcast %mul3A_773 : f32 to vector<16xf32>
      %select_n3A_775 = arith.select %eq3A_772, %broadcast_in_dim3A_774, %select_n3A_769 : vector<16xi1>, vector<16xf32>
      %eq3A_776 = arith.constant 7 : i32
      %eq3A_777 = vector.broadcast %eq3A_776 : i32 to vector<16xi32>
      %eq3A_778 = arith.cmpi eq, %iota3A, %eq3A_777 : vector<16xi32>
      %mul3A_779 = arith.mulf %select_n3A_718, %squeeze3A_733 : f32
      %broadcast_in_dim3A_780 = vector.broadcast %mul3A_779 : f32 to vector<16xf32>
      %select_n3A_781 = arith.select %eq3A_778, %broadcast_in_dim3A_780, %select_n3A_775 : vector<16xi1>, vector<16xf32>
      %swap3A_782 = arith.constant 0 : index
      %swap3A_783 = tpu.vector_load %arg15[%swap3A_782] {strides = array<i32>} : memref<16xf32, #tpu.memory_space<vmem>>, vector<16xf32>,
      tpu.vector_store %arg15[%swap3A_782], %select_n3A_781 {strides = array<i32>} : memref<16xf32, #tpu.memory_space<vmem>>, vector<16xf32>,
      "tpu.region"() ({
        %run_scoped3A = tpu.sem_alloc : memref<!tpu.dma_semaphore, #tpu.memory_space<semaphore_mem>>
        %dma_start3A_784 = arith.constant 0 : i32
        %dma_start3A_785 = tpu.memref_slice %arg7[%add3A, %dma_start3A_784] : memref<8x16xf32, #tpu.memory_space<hbm>> -> memref<1x16xf32, #tpu.memory_space<hbm>>
        %dma_start3A_786 = tpu.memref_squeeze %dma_start3A_785 : memref<1x16xf32, #tpu.memory_space<hbm>> -> memref<16xf32, #tpu.memory_space<hbm>>
        %dma_start3A_787 = arith.constant 0 : i32
        %dma_start3A_788 = tpu.memref_slice %arg7[%add3A, %dma_start3A_787] : memref<8x16xf32, #tpu.memory_space<hbm>> -> memref<1x16xf32, #tpu.memory_space<hbm>>
        %dma_start3A_789 = tpu.memref_squeeze %dma_start3A_788 : memref<1x16xf32, #tpu.memory_space<hbm>> -> memref<16xf32, #tpu.memory_space<hbm>>
        tpu.enqueue_dma source(%arg15 : memref<16xf32, #tpu.memory_space<vmem>>) target(%dma_start3A_789 : memref<16xf32, #tpu.memory_space<hbm>>) target_semaphore(%run_scoped3A : memref<!tpu.dma_semaphore, #tpu.memory_space<semaphore_mem>>)
        %dma_wait3A = arith.constant 0 : i32
        %dma_wait3A_790 = tpu.memref_slice %arg7[%add3A, %dma_wait3A] : memref<8x16xf32, #tpu.memory_space<hbm>> -> memref<1x16xf32, #tpu.memory_space<hbm>>
        %dma_wait3A_791 = tpu.memref_squeeze %dma_wait3A_790 : memref<1x16xf32, #tpu.memory_space<hbm>> -> memref<16xf32, #tpu.memory_space<hbm>>
        %dma_wait3A_792 = arith.constant 0 : i32
        %dma_wait3A_793 = tpu.memref_slice %arg7[%add3A, %dma_wait3A_792] : memref<8x16xf32, #tpu.memory_space<hbm>> -> memref<1x16xf32, #tpu.memory_space<hbm>>
        %dma_wait3A_794 = tpu.memref_squeeze %dma_wait3A_793 : memref<1x16xf32, #tpu.memory_space<hbm>> -> memref<16xf32, #tpu.memory_space<hbm>>
        tpu.wait_dma2 semaphore(%run_scoped3A : memref<!tpu.dma_semaphore, #tpu.memory_space<semaphore_mem>>) src(%arg15 : memref<16xf32, #tpu.memory_space<vmem>>) dst(%dma_wait3A_794 : memref<16xf32, #tpu.memory_space<hbm>>)
        tpu.yield
      }) : () -> ()
    } else {
    }
    return
  }
}

module attributes {stable_mosaic.version = 14 : i64} {
  func.func @_tc_body(%arg0: i32, %arg1: memref<8x32x32x384xf32, #tpu.memory_space<vmem>>, %arg2: memref<384x48xf32, #tpu.memory_space<vmem>>, %arg3: memref<1x48xf32, #tpu.memory_space<vmem>>, %arg4: memref<48x8xf32, #tpu.memory_space<vmem>>, %arg5: memref<1x8xf32, #tpu.memory_space<vmem>>, %arg6: memref<8x8xf32, #tpu.memory_space<vmem>>) attributes {dimension_semantics = [#tpu.dimension_semantics<arbitrary>], iteration_bounds = array<i64: 7>, scalar_prefetch = 0 : i64, scratch_operands = 0 : i64, tpu.core_type = #tpu.core_type<tc>, window_params = [{transform_indices = @transform_0, window_bounds = array<i64: 8, 32, 32, 384>}, {pipeline_mode = #tpu.pipeline_mode<synchronous>, transform_indices = @transform_1, window_bounds = array<i64: 384, 48>}, {pipeline_mode = #tpu.pipeline_mode<synchronous>, transform_indices = @transform_2, window_bounds = array<i64: 1, 48>}, {pipeline_mode = #tpu.pipeline_mode<synchronous>, transform_indices = @transform_3, window_bounds = array<i64: 48, 8>}, {pipeline_mode = #tpu.pipeline_mode<synchronous>, transform_indices = @transform_4, window_bounds = array<i64: 1, 8>}, {transform_indices = @transform_5, window_bounds = array<i64: 8, 8>}]} {
    %get3A = arith.constant 0 : index
    %get3A_0 = arith.constant 0 : index
    %get3A_1 = arith.constant 0 : index
    %get3A_2 = arith.constant 0 : index
    %get3A_3 = vector.load %arg1[%get3A, %get3A_0, %get3A_1, %get3A_2] : memref<8x32x32x384xf32, #tpu.memory_space<vmem>>, vector<8x32x32x384xf32>
    %slice3A = vector.extract_strided_slice %get3A_3 {offsets = [0, 0, 0, 0], sizes = [8, 16, 32, 384], strides = [1, 1, 1, 1]} : vector<8x32x32x384xf32> to vector<8x16x32x384xf32>
    %slice3A_4 = vector.extract_strided_slice %get3A_3 {offsets = [0, 16, 0, 0], sizes = [8, 16, 32, 384], strides = [1, 1, 1, 1]} : vector<8x32x32x384xf32> to vector<8x16x32x384xf32>
    %add3A = arith.addf %slice3A, %slice3A_4 : vector<8x16x32x384xf32>
    %slice3A_5 = vector.extract_strided_slice %add3A {offsets = [0, 0, 0, 0], sizes = [8, 8, 32, 384], strides = [1, 1, 1, 1]} : vector<8x16x32x384xf32> to vector<8x8x32x384xf32>
    %slice3A_6 = vector.extract_strided_slice %add3A {offsets = [0, 8, 0, 0], sizes = [8, 8, 32, 384], strides = [1, 1, 1, 1]} : vector<8x16x32x384xf32> to vector<8x8x32x384xf32>
    %add3A_7 = arith.addf %slice3A_5, %slice3A_6 : vector<8x8x32x384xf32>
    %slice3A_8 = vector.extract_strided_slice %add3A_7 {offsets = [0, 0, 0, 0], sizes = [8, 4, 32, 384], strides = [1, 1, 1, 1]} : vector<8x8x32x384xf32> to vector<8x4x32x384xf32>
    %slice3A_9 = vector.extract_strided_slice %add3A_7 {offsets = [0, 4, 0, 0], sizes = [8, 4, 32, 384], strides = [1, 1, 1, 1]} : vector<8x8x32x384xf32> to vector<8x4x32x384xf32>
    %add3A_10 = arith.addf %slice3A_8, %slice3A_9 : vector<8x4x32x384xf32>
    %slice3A_11 = vector.extract_strided_slice %add3A_10 {offsets = [0, 0, 0, 0], sizes = [8, 2, 32, 384], strides = [1, 1, 1, 1]} : vector<8x4x32x384xf32> to vector<8x2x32x384xf32>
    %slice3A_12 = vector.extract_strided_slice %add3A_10 {offsets = [0, 2, 0, 0], sizes = [8, 2, 32, 384], strides = [1, 1, 1, 1]} : vector<8x4x32x384xf32> to vector<8x2x32x384xf32>
    %add3A_13 = arith.addf %slice3A_11, %slice3A_12 : vector<8x2x32x384xf32>
    %slice3A_14 = vector.extract_strided_slice %add3A_13 {offsets = [0, 0, 0, 0], sizes = [8, 1, 32, 384], strides = [1, 1, 1, 1]} : vector<8x2x32x384xf32> to vector<8x1x32x384xf32>
    %slice3A_15 = vector.extract_strided_slice %add3A_13 {offsets = [0, 1, 0, 0], sizes = [8, 1, 32, 384], strides = [1, 1, 1, 1]} : vector<8x2x32x384xf32> to vector<8x1x32x384xf32>
    %add3A_16 = arith.addf %slice3A_14, %slice3A_15 : vector<8x1x32x384xf32>
    %squeeze3A = vector.shape_cast %add3A_16 : vector<8x1x32x384xf32> to vector<8x32x384xf32>
    %slice3A_17 = vector.extract_strided_slice %squeeze3A {offsets = [0, 0, 0], sizes = [8, 16, 384], strides = [1, 1, 1]} : vector<8x32x384xf32> to vector<8x16x384xf32>
    %slice3A_18 = vector.extract_strided_slice %squeeze3A {offsets = [0, 16, 0], sizes = [8, 16, 384], strides = [1, 1, 1]} : vector<8x32x384xf32> to vector<8x16x384xf32>
    %add3A_19 = arith.addf %slice3A_17, %slice3A_18 : vector<8x16x384xf32>
    %slice3A_20 = vector.extract_strided_slice %add3A_19 {offsets = [0, 0, 0], sizes = [8, 8, 384], strides = [1, 1, 1]} : vector<8x16x384xf32> to vector<8x8x384xf32>
    %slice3A_21 = vector.extract_strided_slice %add3A_19 {offsets = [0, 8, 0], sizes = [8, 8, 384], strides = [1, 1, 1]} : vector<8x16x384xf32> to vector<8x8x384xf32>
    %add3A_22 = arith.addf %slice3A_20, %slice3A_21 : vector<8x8x384xf32>
    %slice3A_23 = vector.extract_strided_slice %add3A_22 {offsets = [0, 0, 0], sizes = [8, 4, 384], strides = [1, 1, 1]} : vector<8x8x384xf32> to vector<8x4x384xf32>
    %slice3A_24 = vector.extract_strided_slice %add3A_22 {offsets = [0, 4, 0], sizes = [8, 4, 384], strides = [1, 1, 1]} : vector<8x8x384xf32> to vector<8x4x384xf32>
    %add3A_25 = arith.addf %slice3A_23, %slice3A_24 : vector<8x4x384xf32>
    %slice3A_26 = vector.extract_strided_slice %add3A_25 {offsets = [0, 0, 0], sizes = [8, 2, 384], strides = [1, 1, 1]} : vector<8x4x384xf32> to vector<8x2x384xf32>
    %slice3A_27 = vector.extract_strided_slice %add3A_25 {offsets = [0, 2, 0], sizes = [8, 2, 384], strides = [1, 1, 1]} : vector<8x4x384xf32> to vector<8x2x384xf32>
    %add3A_28 = arith.addf %slice3A_26, %slice3A_27 : vector<8x2x384xf32>
    %slice3A_29 = vector.extract_strided_slice %add3A_28 {offsets = [0, 0, 0], sizes = [8, 1, 384], strides = [1, 1, 1]} : vector<8x2x384xf32> to vector<8x1x384xf32>
    %slice3A_30 = vector.extract_strided_slice %add3A_28 {offsets = [0, 1, 0], sizes = [8, 1, 384], strides = [1, 1, 1]} : vector<8x2x384xf32> to vector<8x1x384xf32>
    %add3A_31 = arith.addf %slice3A_29, %slice3A_30 : vector<8x1x384xf32>
    %squeeze3A_32 = vector.shape_cast %add3A_31 : vector<8x1x384xf32> to vector<8x384xf32>
    %mul3A = arith.constant 9.765625E-4 : f32
    %mul3A_33 = vector.broadcast %mul3A : f32 to vector<8x384xf32>
    %mul3A_34 = arith.mulf %squeeze3A_32, %mul3A_33 : vector<8x384xf32>
    %get3A_35 = arith.constant 0 : index
    %get3A_36 = arith.constant 0 : index
    %get3A_37 = vector.load %arg2[%get3A_35, %get3A_36] : memref<384x48xf32, #tpu.memory_space<vmem>>, vector<384x48xf32>
    %dot_general3A = arith.constant dense<0.000000e+00> : vector<8x48xf32>
    %dot_general3A_38 = tpu.matmul %mul3A_34, %get3A_37, %dot_general3A {dimension_numbers = #tpu.dot_dimension_numbers<[1], [0], [0], [1], [0, 0, 1, 1], [], []>, transpose_lhs_hint = false} : vector<8x384xf32>, vector<384x48xf32>, vector<8x48xf32> -> vector<8x48xf32>
    %get3A_39 = arith.constant 0 : index
    %get3A_40 = arith.constant 0 : index
    %get3A_41 = vector.load %arg3[%get3A_39, %get3A_40] : memref<1x48xf32, #tpu.memory_space<vmem>>, vector<1x48xf32>
    %add3A_42 = vector.broadcast %get3A_41 : vector<1x48xf32> to vector<8x48xf32>
    %add3A_43 = arith.addf %dot_general3A_38, %add3A_42 : vector<8x48xf32>
    %logistic3A = arith.negf %add3A_43 : vector<8x48xf32>
    %logistic3A_44 = math.exp %logistic3A : vector<8x48xf32>
    %logistic3A_45 = arith.constant 1.000000e+00 : f32
    %logistic3A_46 = vector.broadcast %logistic3A_45 : f32 to vector<8x48xf32>
    %logistic3A_47 = arith.addf %logistic3A_46, %logistic3A_44 : vector<8x48xf32>
    %logistic3A_48 = arith.divf %logistic3A_46, %logistic3A_47 : vector<8x48xf32>
    %mul3A_49 = arith.mulf %add3A_43, %logistic3A_48 : vector<8x48xf32>
    %get3A_50 = arith.constant 0 : index
    %get3A_51 = arith.constant 0 : index
    %get3A_52 = vector.load %arg4[%get3A_50, %get3A_51] : memref<48x8xf32, #tpu.memory_space<vmem>>, vector<48x8xf32>
    %dot_general3A_53 = arith.constant dense<0.000000e+00> : vector<8x8xf32>
    %dot_general3A_54 = tpu.matmul %mul3A_49, %get3A_52, %dot_general3A_53 {dimension_numbers = #tpu.dot_dimension_numbers<[1], [0], [0], [1], [0, 0, 1, 1], [], []>, transpose_lhs_hint = false} : vector<8x48xf32>, vector<48x8xf32>, vector<8x8xf32> -> vector<8x8xf32>
    %get3A_55 = arith.constant 0 : index
    %get3A_56 = arith.constant 0 : index
    %get3A_57 = vector.load %arg5[%get3A_55, %get3A_56] : memref<1x8xf32, #tpu.memory_space<vmem>>, vector<1x8xf32>
    %add3A_58 = vector.broadcast %get3A_57 : vector<1x8xf32> to vector<8x8xf32>
    %add3A_59 = arith.addf %dot_general3A_54, %add3A_58 : vector<8x8xf32>
    %reduce_max3A = arith.constant dense<0xFF800000> : vector<8xf32>
    %reduce_max3A_60 = vector.multi_reduction <maximumf>, %add3A_59, %reduce_max3A [1] : vector<8x8xf32> to vector<8xf32>
    %max3A = arith.constant 0xFF800000 : f32
    %max3A_61 = vector.broadcast %max3A : f32 to vector<8xf32>
    %max3A_62 = arith.maximumf %max3A_61, %reduce_max3A_60 : vector<8xf32>
    %broadcast_in_dim3A = vector.shape_cast %max3A_62 : vector<8xf32> to vector<8x1xf32>
    %sub3A = vector.broadcast %broadcast_in_dim3A : vector<8x1xf32> to vector<8x8xf32>
    %sub3A_63 = arith.subf %add3A_59, %sub3A : vector<8x8xf32>
    %exp3A = math.exp %sub3A_63 : vector<8x8xf32>
    %reduce_sum3A = arith.constant dense<0.000000e+00> : vector<8xf32>
    %reduce_sum3A_64 = vector.multi_reduction <add>, %exp3A, %reduce_sum3A [1] : vector<8x8xf32> to vector<8xf32>
    %broadcast_in_dim3A_65 = vector.shape_cast %reduce_sum3A_64 : vector<8xf32> to vector<8x1xf32>
    %div3A = vector.broadcast %broadcast_in_dim3A_65 : vector<8x1xf32> to vector<8x8xf32>
    %div3A_66 = arith.divf %exp3A, %div3A : vector<8x8xf32>
    %iota3A = tpu.iota {dimensions = array<i32: 1>} : vector<8x8xi32>
    %reduce_max3A_67 = arith.constant dense<0xFF800000> : vector<8xf32>
    %reduce_max3A_68 = vector.multi_reduction <maximumf>, %div3A_66, %reduce_max3A_67 [1] : vector<8x8xf32> to vector<8xf32>
    %broadcast_in_dim3A_69 = vector.shape_cast %reduce_max3A_68 : vector<8xf32> to vector<8x1xf32>
    %eq3A = vector.broadcast %broadcast_in_dim3A_69 : vector<8x1xf32> to vector<8x8xf32>
    %eq3A_70 = arith.cmpf oeq, %div3A_66, %eq3A : vector<8x8xf32>
    %jit3A = arith.constant 8 : i32
    %broadcast_in_dim3A_71 = vector.broadcast %jit3A : i32 to vector<8x8xi32>
    %select_n3A = arith.select %eq3A_70, %iota3A, %broadcast_in_dim3A_71 : vector<8x8xi1>, vector<8x8xi32>
    %reduce_min3A = arith.constant dense<2147483647> : vector<8xi32>
    %reduce_min3A_72 = vector.multi_reduction <minsi>, %select_n3A, %reduce_min3A [1] : vector<8x8xi32> to vector<8xi32>
    %broadcast_in_dim3A_73 = vector.shape_cast %reduce_min3A_72 : vector<8xi32> to vector<8x1xi32>
    %eq3A_74 = vector.broadcast %broadcast_in_dim3A_73 : vector<8x1xi32> to vector<8x8xi32>
    %eq3A_75 = arith.cmpi eq, %iota3A, %eq3A_74 : vector<8x8xi32>
    %jit3A_76 = arith.constant 0xFF800000 : f32
    %broadcast_in_dim3A_77 = vector.broadcast %jit3A_76 : f32 to vector<8x8xf32>
    %select_n3A_78 = arith.select %eq3A_75, %broadcast_in_dim3A_77, %div3A_66 : vector<8x8xi1>, vector<8x8xf32>
    %reduce_max3A_79 = arith.constant dense<0xFF800000> : vector<8xf32>
    %reduce_max3A_80 = vector.multi_reduction <maximumf>, %select_n3A_78, %reduce_max3A_79 [1] : vector<8x8xf32> to vector<8xf32>
    %broadcast_in_dim3A_81 = vector.shape_cast %reduce_max3A_80 : vector<8xf32> to vector<8x1xf32>
    %eq3A_82 = vector.broadcast %broadcast_in_dim3A_81 : vector<8x1xf32> to vector<8x8xf32>
    %eq3A_83 = arith.cmpf oeq, %select_n3A_78, %eq3A_82 : vector<8x8xf32>
    %jit3A_84 = arith.constant 8 : i32
    %broadcast_in_dim3A_85 = vector.broadcast %jit3A_84 : i32 to vector<8x8xi32>
    %select_n3A_86 = arith.select %eq3A_83, %iota3A, %broadcast_in_dim3A_85 : vector<8x8xi1>, vector<8x8xi32>
    %reduce_min3A_87 = arith.constant dense<2147483647> : vector<8xi32>
    %reduce_min3A_88 = vector.multi_reduction <minsi>, %select_n3A_86, %reduce_min3A_87 [1] : vector<8x8xi32> to vector<8xi32>
    %broadcast_in_dim3A_89 = vector.shape_cast %reduce_min3A_88 : vector<8xi32> to vector<8x1xi32>
    %eq3A_90 = vector.broadcast %broadcast_in_dim3A_73 : vector<8x1xi32> to vector<8x8xi32>
    %eq3A_91 = arith.cmpi eq, %iota3A, %eq3A_90 : vector<8x8xi32>
    %eq3A_92 = vector.broadcast %broadcast_in_dim3A_89 : vector<8x1xi32> to vector<8x8xi32>
    %eq3A_93 = arith.cmpi eq, %iota3A, %eq3A_92 : vector<8x8xi32>
    %or3A = arith.ori %eq3A_91, %eq3A_93 : vector<8x8xi1>
    %jit3A_94 = arith.constant 0.000000e+00 : f32
    %broadcast_in_dim3A_95 = vector.broadcast %jit3A_94 : f32 to vector<8x8xf32>
    %select_n3A_96 = arith.select %or3A, %div3A_66, %broadcast_in_dim3A_95 : vector<8x8xi1>, vector<8x8xf32>
    %reduce_sum3A_97 = arith.constant dense<0.000000e+00> : vector<8xf32>
    %reduce_sum3A_98 = vector.multi_reduction <add>, %select_n3A_96, %reduce_sum3A_97 [1] : vector<8x8xf32> to vector<8xf32>
    %broadcast_in_dim3A_99 = vector.shape_cast %reduce_sum3A_98 : vector<8xf32> to vector<8x1xf32>
    %add3A_100 = arith.constant 9.99999993E-9 : f32
    %add3A_101 = vector.broadcast %add3A_100 : f32 to vector<8x1xf32>
    %add3A_102 = arith.addf %broadcast_in_dim3A_99, %add3A_101 : vector<8x1xf32>
    %div3A_103 = vector.broadcast %add3A_102 : vector<8x1xf32> to vector<8x8xf32>
    %div3A_104 = arith.divf %select_n3A_96, %div3A_103 : vector<8x8xf32>
    %swap3A = arith.constant 0 : index
    %swap3A_105 = arith.constant 0 : index
    %swap3A_106 = vector.load %arg6[%swap3A, %swap3A_105] : memref<8x8xf32, #tpu.memory_space<vmem>>, vector<8x8xf32>
    tpu.vector_store %arg6[%swap3A, %swap3A_105], %div3A_104 {strides = array<i32>} : memref<8x8xf32, #tpu.memory_space<vmem>>, vector<8x8xf32>,
    return
  }
  func.func @transform_0(%arg0: i32) -> (i32, i32, i32, i32) {
    %c0_i32 = arith.constant 0 : i32
    %c0_i32_0 = arith.constant 0 : i32
    %c0_i32_1 = arith.constant 0 : i32
    %c0_i32_2 = arith.constant 0 : i32
    return %arg0, %c0_i32, %c0_i32_0, %c0_i32_1 : i32, i32, i32, i32
  }
  func.func @transform_1(%arg0: i32) -> (i32, i32) {
    %c0_i32 = arith.constant 0 : i32
    %c0_i32_0 = arith.constant 0 : i32
    %c0_i32_1 = arith.constant 0 : i32
    return %c0_i32, %c0_i32_0 : i32, i32
  }
  func.func @transform_2(%arg0: i32) -> (i32, i32) {
    %c0_i32 = arith.constant 0 : i32
    %c0_i32_0 = arith.constant 0 : i32
    %c0_i32_1 = arith.constant 0 : i32
    return %c0_i32, %c0_i32_0 : i32, i32
  }
  func.func @transform_3(%arg0: i32) -> (i32, i32) {
    %c0_i32 = arith.constant 0 : i32
    %c0_i32_0 = arith.constant 0 : i32
    %c0_i32_1 = arith.constant 0 : i32
    return %c0_i32, %c0_i32_0 : i32, i32
  }
  func.func @transform_4(%arg0: i32) -> (i32, i32) {
    %c0_i32 = arith.constant 0 : i32
    %c0_i32_0 = arith.constant 0 : i32
    %c0_i32_1 = arith.constant 0 : i32
    return %c0_i32, %c0_i32_0 : i32, i32
  }
  func.func @transform_5(%arg0: i32) -> (i32, i32) {
    %c0_i32 = arith.constant 0 : i32
    %c0_i32_0 = arith.constant 0 : i32
    return %arg0, %c0_i32 : i32, i32
  }
}

module attributes {stable_mosaic.version = 14 : i64} {
  func.func @_bc_body(%arg0: memref<56x8xf32, #tpu.memory_space<vmem>>, %arg1: memref<8x16xf32, #tpu.memory_space<vmem>>, %arg2: memref<8x32x32x64xf32, #tpu.memory_space<vmem>>) attributes {dimension_semantics = [], scalar_prefetch = 0 : i64, scratch_operands = 0 : i64, tpu.core_type = #tpu.core_type<tc>} {
    %get3A = arith.constant 0 : index
    %get3A_0 = arith.constant 0 : index
    %get3A_1 = vector.load %arg0[%get3A, %get3A_0] : memref<56x8xf32, #tpu.memory_space<vmem>>, vector<56x8xf32>
    %get3A_2 = arith.constant 0 : index
    %get3A_3 = arith.constant 0 : index
    %get3A_4 = vector.load %arg1[%get3A_2, %get3A_3] : memref<8x16xf32, #tpu.memory_space<vmem>>, vector<8x16xf32>
    %slice3A = vector.extract_strided_slice %get3A_4 {offsets = [0, 0], sizes = [8, 8], strides = [1, 1]} : vector<8x16xf32> to vector<8x8xf32>
    %concatenate3A = tpu.concatenate %get3A_1, %slice3A in 0 : vector<56x8xf32>, vector<8x8xf32> -> vector<64x8xf32>
    %transpose3A = tpu.transpose %concatenate3A, [1, 0] : vector<64x8xf32> -> vector<8x64xf32>
    %broadcast_in_dim3A = vector.shape_cast %transpose3A : vector<8x64xf32> to vector<8x1x1x64xf32>
    %broadcast_in_dim3A_5 = vector.shape_cast %broadcast_in_dim3A : vector<8x1x1x64xf32> to vector<8x1x1x64xf32>
    %broadcast_in_dim3A_6 = vector.broadcast %broadcast_in_dim3A_5 : vector<8x1x1x64xf32> to vector<8x32x32x64xf32>
    %swap3A = arith.constant 0 : index
    %swap3A_7 = arith.constant 0 : index
    %swap3A_8 = arith.constant 0 : index
    %swap3A_9 = arith.constant 0 : index
    %swap3A_10 = vector.load %arg2[%swap3A, %swap3A_7, %swap3A_8, %swap3A_9] : memref<8x32x32x64xf32, #tpu.memory_space<vmem>>, vector<8x32x32x64xf32>
    tpu.vector_store %arg2[%swap3A, %swap3A_7, %swap3A_8, %swap3A_9], %broadcast_in_dim3A_6 {strides = array<i32>} : memref<8x32x32x64xf32, #tpu.memory_space<vmem>>, vector<8x32x32x64xf32>,
    return
  }
}

</mosaic_0001>

<sc_bundles>
// kernel: kernel.5.cloned.1.call-start
scs
__scs_entry_jumppad:
0x0: {  	(pc) =	sbr.rel $0x88, $3  }
0x1: {  	(tag) =	ssettag $0x0;
	lr =	simm.s32 $0x1  }
0x2: {  	[smem:$0x3F9C] =	sst lr;
	_ =	strace $0xD0000000  }
0x3: {  	_ = 	snop  }
0x4: {  	_ = 	snop  }
0x5: {  	_ = 	snop  }
0x6: {  	_ = 	snop  }
0x7: {  	_ = 	snop  }
__scs_overlays_trampoline_lowered:
0x8: {  	[smem:$0x3FAB] =	sst s0  }
0x9: {  	[smem:$0x3FAC] =	sst s1  }
0xa: {  	[smem:$0x3FAD] =	sst s2  }
0xb: {  	[smem:$0x3FAE] =	sst s3  }
0xc: {  	[smem:$0x3FAF] =	sst s4  }
0xd: {  	[smem:$0x3FB0] =	sst s5  }
0xe: {  	[smem:$0x3FB1] =	sst s6  }
0xf: {  	[smem:$0x3FB2] =	sst s7  }
0x10: {  	[smem:$0x3FB3] =	sst s8  }
0x11: {  	[smem:$0x3FB4] =	sst s9;
	s0 =	simm.s32 @!p0 $0x0  }
0x12: {  	s1 =	sld [smem:$0x3F9A];
	s0 =	simm.s32 @p0 $0x1  }
0x13: {  	[smem:$0x3FB5] =	sst s0;
	s0 =	simm.s32 @!p1 $0x0  }
0x14: {  	s2 =	sld [smem:$0x3F99];
	s0 =	simm.s32 @p1 $0x1  }
0x15: {  	[smem:$0x3FB6] =	sst s0;
	s0 =	simm.s32 @!p2 $0x0  }
0x16: {  	s3 =	sld [smem:$0x3FDB];
	s0 =	simm.s32 @p2 $0x1  }
0x17: {  	s4 =	simm.s32 $0x1BF5;
	[smem:$0x3FB8] =	sst s0  }
0x18: {  	s0 =	sld [smem:$0x3F9B];
	_ =	swait.ge [sflag:s4], $0x0  }
0x19: {  	s7 =	sld [smem:$0x3F9C]  }
0x1a: {  	s8 =	sadd.s32 $0xFFFFE003, lr  }
0x1b: {  	s9 =	sadd.s32 $0xFFFFFEF7, lr;
	s5 =	simm.s32 $0xFFFFFFFF;
	p2 =	slt.u32 s8, $0xFFFFF086  }
0x1c: {  	p1 =	slt.u32 s9, $0xF7A;
	s5 =	simm.s32 @!p2 $0x0  }
0x1d: {  	s5 =	simm.s32 @p1 $0x1;
	p0 =	seq.s32 s7, s2  }
0x1e: {  	s7 =	smul.u32 @!p0 $0xF7A, s2;
	p2 =	seq.s32 @!p0 s5, $0x0  }
0x1f: {  	s9 =	smul.u32 $0xF7A, s1;
	s8 =	simm.s32 @!p0 $0x1BF5;
	p2 =	por !p2, p0  }
0x20: {  	[sflag:s8] =	ssyncset.s32 @!p0 $0xFFFFF086;
	s6 =	sadd.s32 @!p0 s3, s7;
	s7 =	simm.s32 @!p0 $0x108  }
0x21: {  	s3 =	sadd.s32 s3, s9;
	s6 =	sadd.s32 @!p0 $0x88, s6;
	s7 =	simm.s32 @p2 $0x1082  }
0x22: {  	[simem:s7], [sflag:s8] =	dma.local @!p0 [hbm:s6], $0xF7A  }
0x23: {  	s9 =	sor.u32 $0xD0000000, s2;
	s6 =	simm.s32 $0x108;
	_ =	swait.ge @!p0 [sflag:s8], $0x0  }
0x24: {  	s3 =	sadd.s32 $0x88, s3;
	s6 =	simm.s32 @!p1 $0x1082;
	[sflag:s4] =	ssyncset.s32 $0xFFFFF086  }
0x25: {  	[simem:s6], [sflag:s4] =	dma.local [hbm:s3], $0xF7A  }
0x26: {  	[smem:$0x3F9C] =	sst s1;
	(tag) =	ssettag s2;
	_ =	strace s9  }
0x27: {  	s1 =	sld [smem:$0x3FAC]  }
0x28: {  	s2 =	sld [smem:$0x3FAD]  }
0x29: {  	s4 =	sld [smem:$0x3FAF]  }
0x2a: {  	p0 =	seq.s32 s5, $0x0;
	s5 =	sld [smem:$0x3FB0]  }
0x2b: {  	s6 =	sld [smem:$0x3FB1]  }
0x2c: {  	s7 =	sld [smem:$0x3FB2]  }
0x2d: {  	s3 =	simm.s32 $0x108;
	s8 =	sld [smem:$0x3FB3]  }
0x2e: {  	s3 =	simm.s32 @!p0 $0x1082;
	s9 =	sld [smem:$0x3FB4]  }
0x2f: {  	lr =	sadd.s32 s0, s3;
	s0 =	sld [smem:$0x3FAB]  }
0x30: {  	s3 =	sld [smem:$0x3FAE]  }
0x31: {  	[smem:$0x3FB7] =	sst s10  }
0x32: {  	s10 =	sld [smem:$0x3FB5];
	_ =	sdelay $0x3  }
0x33: {  	p0 =	seq.s32 s10, $0x1;
	s10 =	sld [smem:$0x3FB7];
	_ =	sdelay $0x3  }
0x34: {  	[smem:$0x3FB7] =	sst s10  }
0x35: {  	s10 =	sld [smem:$0x3FB6];
	_ =	sdelay $0x3  }
0x36: {  	p1 =	seq.s32 s10, $0x1;
	s10 =	sld [smem:$0x3FB7];
	_ =	sdelay $0x3  }
0x37: {  	[smem:$0x3FB7] =	sst s10  }
0x38: {  	s10 =	sld [smem:$0x3FB8]  }
0x39: {  	_ = 	snop;
	(pc) =	sbr.ind lr, $3  }
0x3a: {  	_ = 	snop  }
0x3b: {  	_ = 	snop  }
0x3c: {  	p2 =	seq.s32 s10, $0x1;
	s10 =	sld [smem:$0x3FB7]  }
0x3d: {  	_ =	shalt  }
0x3e: {  	_ =	shalt  }
0x3f: {  	_ =	shalt  }
0x40: {  	_ =	shalt  }
0x41: {  	_ =	shalt  }
0x42: {  	_ =	shalt  }
0x43: {  	_ =	shalt  }
0x44: {  	_ =	shalt  }
0x45: {  	_ =	shalt  }
0x46: {  	_ =	shalt  }
0x47: {  	_ =	shalt  }
0x48: {  	_ =	shalt  }
0x49: {  	_ =	shalt  }
0x4a: {  	_ =	shalt  }
0x4b: {  	_ =	shalt  }
0x4c: {  	_ =	shalt  }
0x4d: {  	_ =	shalt  }
0x4e: {  	_ =	shalt  }
0x4f: {  	_ =	shalt  }
0x50: {  	_ =	shalt  }
0x51: {  	_ =	shalt  }
0x52: {  	_ =	shalt  }
0x53: {  	_ =	shalt  }
0x54: {  	_ =	shalt  }
0x55: {  	_ =	shalt  }
0x56: {  	_ =	shalt  }
0x57: {  	_ =	shalt  }
0x58: {  	_ =	shalt  }
0x59: {  	_ =	shalt  }
0x5a: {  	_ =	shalt  }
0x5b: {  	_ =	shalt  }
0x5c: {  	_ =	shalt  }
0x5d: {  	_ =	shalt  }
0x5e: {  	_ =	shalt  }
0x5f: {  	_ =	shalt  }
0x60: {  	_ =	shalt  }
0x61: {  	_ =	shalt  }
0x62: {  	_ =	shalt  }
0x63: {  	_ =	shalt  }
0x64: {  	_ =	shalt  }
0x65: {  	_ =	shalt  }
0x66: {  	_ =	shalt  }
0x67: {  	_ =	shalt  }
0x68: {  	_ =	shalt  }
0x69: {  	_ =	shalt  }
0x6a: {  	_ =	shalt  }
0x6b: {  	_ =	shalt  }
0x6c: {  	_ =	shalt  }
0x6d: {  	_ =	shalt  }
0x6e: {  	_ =	shalt  }
0x6f: {  	_ =	shalt  }
0x70: {  	_ =	shalt  }
0x71: {  	_ =	shalt  }
0x72: {  	_ =	shalt  }
0x73: {  	_ =	shalt  }
0x74: {  	_ =	shalt  }
0x75: {  	_ =	shalt  }
0x76: {  	_ =	shalt  }
0x77: {  	_ =	shalt  }
0x78: {  	_ =	shalt  }
0x79: {  	_ =	shalt  }
0x7a: {  	_ =	shalt  }
0x7b: {  	_ =	shalt  }
0x7c: {  	_ =	shalt  }
0x7d: {  	_ =	shalt  }
0x7e: {  	_ =	shalt  }
0x7f: {  	_ =	shalt  }
0x80: {  	_ =	shalt  }
0x81: {  	_ =	shalt  }
0x82: {  	_ =	shalt  }
0x83: {  	_ =	shalt  }
0x84: {  	_ =	shalt  }
0x85: {  	_ =	shalt  }
0x86: {  	_ =	shalt  }
0x87: {  	_ =	shalt  }
.Lfunc_end0:
.L_simem_size_0:
called_computation_lowered:
.L_overlay_start_0:
0x88: {  	s2 =	sld [smem:$0x3FD9]  }
0x89: {  	s3 =	sld [smem:$0x3FFE];
	_ =	sdelay $0x1  }
0x8a: {  	s1 =	srdreg.scid  }
0x8b: {  	s0 =	sand.u32 $0x1, s1  }
0x8c: {  	s17 =	sshll.u32 s0, $0xA;
	s2 =	sadd.s32 s3, s2  }
0x8d: {  	s2 =	sadd.s32 s2, s17  }
0x8e: {  	[smem:$0x3FC3] =	sst s2  }
0x8f: {  	_ = 	snop  }
0x90: {  	s2 =	sld [smem:$0x3FC9]  }
0x91: {  	s18 =	sld [smem:$0x3FC7]  }
0x92: {  	s4 =	sld [smem:$0x3FD0];
	(tm) =	ssettm $0x1  }
0x93: {  	s5 =	sld [smem:$0x3FFB];
	_ =	sdelay $0x3  }
0x94: {  	_ =	strace s5  }
0x95: {  	s5 =	sld [smem:$0x3FFC];
	_ =	sdelay $0x3  }
0x96: {  	_ =	strace s5  }
0x97: {  	s5 =	sld [smem:$0x3FFD];
	_ =	sdelay $0x3  }
0x98: {  	_ =	strace s5  }
0x99: {  	_ =	strace $0x8FFFFFFF  }
0x9a: {  	s19 =	sld [smem:$0x3FDB];
	_ =	sdelay $0x1  }
0x9b: {  	s6 =	simm.s32 $_scs_section_size  }
0x9c: {  	s7 =	simm.s32 $_size__tile_overlayer_lowered;
	s8 =	simm.s32 $_tile_overlayer_lowered  }
0x9d: {  	s22 =	simm.s32 $0x1BFF;
	s21 =	sshll.u32 s8, $0x1;
	s5 =	sadd.s32 s6, s19  }
0x9e: {  	s9 =	simm.s32 $0x0;
	s20 =	sshll.u32 s7, $0x1;
	s7 =	sadd.s32 s21, s5  }
0x9f: {  	[timem:s9], [sflag:s22] =	dma.local [hbm:s7], s20  }
0xa0: {  	_ =	swait.ge [sflag:s22], s20  }
0xa1: {  	s6 =	ssub.s32 $0x0, s20;
	[sflag:s22] =	ssyncset.done $0x0  }
0xa2: {  	[sflag:s22] =	ssyncadd.s32 s6;
	_ =	sdelay $0x1  }
0xa3: {  	s23 =	simm.s32 $0x1B8B  }
0xa4: {  	_ =	swait.ge [sflag:s23], $0x1  }
0xa5: {  	[sflag:s23] =	ssyncset.done $0x0  }
0xa6: {  	s25 =	simm.s32 $0x1B8E;
	s24 =	sld [smem:$0x3FFE];
	[sflag:s23] =	ssyncadd.s32 $0xFFFFFFFF  }
0xa7: {  	s26 =	simm.s32 $execute0_lowered;
	[smem:$0x3FD2] =	sst s25  }
0xa8: {  	s7 =	sshll.u32 s26, $0x1;
	_ =	strace $0x80000046;
	[dreg:$0x1] =	wrdreg $0xFFFFFFFF  }
0xa9: {  	s28 =	simm.s32 $_size_execute0_lowered;
	s5 =	sadd.s32 s5, s7;
	[dreg:$0x0] =	wrdreg $0x0  }
0xaa: {  	s7 =	sshll.u32 s28, $0x1;
	[dreg:$0x2] =	wrdreg s5  }
0xab: {  	[dreg:$0x3] =	wrdreg s7  }
0xac: {  	[dreg:$0x4] =	wrdreg $0xC0  }
0xad: {  	_ =	task [dreg:s9], $0x5FFFF  }
0xae: {  	[dreg:$0x1] =	wrdreg $0xFFFFFFFF  }
0xaf: {  	[dreg:$0x0] =	wrdreg $0x60  }
0xb0: {  	[dreg:$0x2] =	wrdreg s2  }
0xb1: {  	[dreg:$0x3] =	wrdreg s4  }
0xb2: {  	[dreg:$0x4] =	wrdreg s18  }
0xb3: {  	[dreg:$0x5] =	wrdreg s24  }
0xb4: {  	[dreg:$0x6] =	wrdreg $0x9  }
0xb5: {  	_ =	task.clear_ibuf [dreg:s9], $0x7FFFF;
	_ =	strace $0x90000046  }
0xb6: {  	s29 =	simm.s32 $0x9;
	_ =	strace $0x80000048  }
0xb7: {  	_ =	swait.ge [sflag:s29], $0x1  }
0xb8: {  	[sflag:s29] =	ssyncadd.s32 $0xFFFFFFFF  }
0xb9: {  	_ =	strace $0x90000048  }
0xba: {  	_ =	sfence  }
0xbb: {  	s30 =	sld [smem:$0x0];
	_ =	sdelay $0x2  }
0xbc: {  	s31 =	sshll.u32 s1, $0xD;
	s1 =	sshrl.u32 s1, $0x2  }
0xbd: {  	s3 =	sand.u32 $0x4000, s31;
	s1 =	sadd.s32 s1, s30  }
0xbe: {  	s0 =	sor.u32 s3, s0;
	s1 =	sshll.u32 s1, $0x11  }
0xbf: {  	s0 =	sor.u32 s1, s0  }
0xc0: {  	s0 =	sadd.s32 $0x8F2B, s0  }
0xc1: {  	[sflag:s0] =	ssyncadd.remote.s32 $0x1  }
0xc2: {  	_ =	sfence.sel $0xFFFF  }
0xc3: {  	[dreg:$0x0] =	wrdreg $0xFFFFFFFF;
	(pc) =	sbr.abs _section_cstart, $3  }
0xc4: {  	[dreg:$0x1] =	wrdreg $0xFFFFFFFF  }
0xc5: {  	_ =	task.clear_ibuf [dreg:s9], $0x2FFFF;
	_ =	strace $0x9FFFFFFF  }
0xc6: {  	(tm) =	ssettm $0x7FFFFFFF  }
0xc7: {  	_ =	shalt  }
tec
execute0_lowered:
.L_overlay_start_1:
0x0: {  	(tag) =	ssettag $0x1  }
0x1: {  	s1 =	rddreg [dreg:$0x0]  }
0x2: {  	s7 =	rddreg [dreg:$0x1]  }
0x3: {  	s12 =	rddreg [dreg:$0x2];
	s0 =	srdreg.scid  }
0x4: {  	s11 =	stileid.u32;
	s2 =	rddreg [dreg:$0x3];
	s5 =	simm.s32 $0x0  }
0x5: {  	s14 =	simm.s32 $0x3;
	s18 =	simm.s32 $0x6000;
	s19 =	simm.s32 $0x1  }
0x6: {  	s20 =	simm.s32 $0x2;
	s22 =	simm.s32 $0x0;
	s0 =	sand.u32 $0x1, s0  }
0x7: {  	s3 =	sshll.u32 s11, $0x1;
	[smem:$0x7FF] =	sst s5;
	s13 =	sadd.s32 $0xE00, s2  }
0x8: {  	s15 =	sadd.s32 $0xC00, s2;
	p1 =	sgt.u32 s11, $0x3;
	s3 =	sor.u32 s0, s3  }
0x9: {  	_ =	strace $0x80000047;
	s0 =	ssub.s32 $0x2, s0;
	[dreg:$0x5] =	wrdreg s13  }
0xa: {  	s4 =	smul.u32 $0x60000, s3;
	s3 =	sshll.u32 s3, $0x4;
	s8 =	sshrl.u32 s0, $0x1  }
0xb: {  	[dreg:$0x6] =	wrdreg s15;
	s2 =	sadd.s32 s3, s2;
	s0 =	ssub.s32 s0, s8  }
0xc: {  	s3 =	simm.s32 $0x18180;
	s8 =	simm.s32 @!p1 $0x0;
	s6 =	sshrl.u32 s4, $0x3  }
.Ltmp0:
0xd: {  	s9 =	sadd.s32 $0x1506000, s4;
	s2 =	sadd.s32 $0x1200, s2;
	(pc) =	sbr.rel .LBB2_1-.Ltmp0, $4  }
0xe: {  	s10 =	sadd.s32 $0x150C000, s4;
	s0 =	smax.u32 s0, $0x1;
	[dreg:$0x8] =	wrdreg s2  }
0xf: {  	vm0 =	vcmask $0x300;
	vm1 =	vcmask $0x704;
	s8 =	simm.s32 @p1 $0x1;
	s6 =	sadd.s32 s1, s6;
	[dreg:$0x9] =	wrdreg s0  }
0x10: {  	vm2 =	vcmask $0xB08;
	vm3 =	vcmask $0xF0C;
	vm4 =	vcmask $0x1310;
	s4 =	simm.s32 $0x18200;
	[smem:$0x7FD] =	sst s8;
	s31 =	sadd.s32 $0x2A0000, s6  }
0x11: {  	vm5 =	vcmask $0x1714;
	vm6 =	vcmask $0x1B18;
	vm7 =	vcmask $0x1F1C;
	s2 =	simm.s32 $0xC180;
	s6 =	simm.s32 $0x19A00;
	[dreg:$0x7] =	wrdreg s31  }
.LBB2_11:
0x12: {  	s22 =	sadd.s32 $0x1, s22  }
0x13: {  	p0 =	sne.s32 s22, s0  }
.Ltmp1:
0x14: {  	_ = 	snop;
	(pc) =	sbr.rel @!p0 .LBB2_12-.Ltmp1, $1  }
0x15: {  	_ =	sdelay $0x3  }
.LBB2_1:
0x16: {  	[tilespmem:s2], [sflag:$0x3] =	stream.linear.gather [hbm4b:s7+s5], $0xC000, $0x38;
	[tilespmem:$0x19B00] =	vst v63  }
0x17: {  	_ =	swait.ge [sflag:s14], $0xC000  }
0x18: {  	[sflag:s14] =	ssyncset.done $0x0  }
0x19: {  	[sflag:s14] =	ssyncadd.s32 $0xFFFF4000  }
0x1a: {  	[tilespmem:s3], [sflag:$0x3] =	stream.linear.gather [hbm4b:s12+s5], $0x80, $0x38;
	[tilespmem:$0x19B00] =	vst v63  }
0x1b: {  	_ =	swait.ge [sflag:s14], $0x80  }
0x1c: {  	[sflag:s14] =	ssyncset.done $0x0  }
0x1d: {  	[sflag:s14] =	ssyncadd.s32 $0xFFFFFF80  }
0x1e: {  	[tilespmem:s4], [sflag:$0x3] =	stream.linear.gather [hbm4b:s13+s5], $0x1800, $0x38;
	[tilespmem:$0x19B00] =	vst v63  }
0x1f: {  	_ =	swait.ge [sflag:s14], $0x1800  }
0x20: {  	[sflag:s14] =	ssyncset.done $0x0  }
.Ltmp2:
0x21: {  	[sflag:s14] =	ssyncadd.s32 $0xFFFFE800;
	(pc) =	sbr.rel @p1 .LBB2_11-.Ltmp2, $4  }
0x22: {  	[tilespmem:s6], [sflag:$0x3] =	stream.linear.gather [hbm4b:s15+s5], $0x80, $0x38;
	[tilespmem:$0x19B00] =	vst v63  }
0x23: {  	_ =	swait.ge [sflag:s14], $0x80  }
0x24: {  	[sflag:s14] =	ssyncset.done $0x0  }
0x25: {  	[sflag:s14] =	ssyncadd.s32 $0xFFFFFF80  }
0x26: {  	v11 =	vimm.f32 $0.0e+00;
	v0 =	vimm.f32 $0.0e+00;
	v1 =	vimm.f32 $0.0e+00  }
0x27: {  	v2 =	vimm.f32 $0.0e+00;
	v3 =	vimm.f32 $0.0e+00;
	v4 =	vimm.f32 $0.0e+00  }
0x28: {  	v5 =	vimm.f32 $0.0e+00;
	v6 =	vimm.f32 $0.0e+00;
	v7 =	vimm.f32 $0.0e+00  }
0x29: {  	v8 =	vimm.f32 $0.0e+00;
	v9 =	vimm.f32 $0.0e+00;
	v10 =	vimm.f32 $0.0e+00  }
0x2a: {  	v23 =	vimm.f32 $0.0e+00;
	v22 =	vimm.f32 $0.0e+00;
	v20 =	vimm.f32 $0.0e+00  }
0x2b: {  	v19 =	vimm.f32 $0.0e+00;
	v18 =	vimm.f32 $0.0e+00;
	v17 =	vimm.f32 $0.0e+00  }
0x2c: {  	s23 =	simm.s32 $0x0;
	s0 =	rddreg [dreg:$0x7];
	v16 =	vimm.f32 $0.0e+00;
	v15 =	vimm.f32 $0.0e+00;
	v14 =	vimm.f32 $0.0e+00;
	s24 =	simm.s32 $0x0  }
0x2d: {  	v13 =	vimm.f32 $0.0e+00;
	v12 =	vimm.f32 $0.0e+00;
	v24 =	vimm.f32 $0.0e+00;
	[tilespmem:s23], [sflag:$0x1] =	stream.linear.gather [hbm4b:s0+s23], $0x6000, $0x38;
	[tilespmem:$0x19B00] =	vst v63  }
.LBB2_3:
0x2e: {  	s25 =	smul.u32 $0xC000, s24;
	_ =	sdelay $0x1  }
0x2f: {  	s2 =	simm.s32 $0x0;
	s3 =	simm.s32 $0x0;
	s0 =	sadd.s32 s25, s9  }
0x30: {  	s3 =	sand.u32 $0x3, s3;
	s2 =	smul.u32 $0xC000, s2;
	s0 =	sshrl.u32 s0, $0x3  }
0x31: {  	s3 =	smul.u32 $0x3000, s3;
	s0 =	sadd.s32 s1, s0  }
0x32: {  	[tilespmem:s18], [sflag:$0x2] =	stream.linear.gather [hbm4b:s0+s23], $0x6000, $0x38;
	[tilespmem:$0x19B00] =	vst v63  }
0x33: {  	s2 =	sshra.s32 s2, $0x2;
	s30 =	sshrl.u32 s3, $0x2;
	_ =	swait.ge [sflag:s19], $0x6000  }
0x34: {  	s31 =	sand.u32 $0x380, s23;
	s0 =	sadd.s32 s2, s30;
	[sflag:s19] =	ssyncset.done $0x0  }
0x35: {  	s0 =	sor.u32 s31, s0;
	[sflag:s19] =	ssyncadd.s32 $0xFFFFA000  }
0x36: {  	v21 =	vld [tilespmem:s0+$0x870]  }
0x37: {  	v25 =	vld [tilespmem:s0+$0x0]  }
0x38: {  	v26 =	vld [tilespmem:s0+$0x10]  }
0x39: {  	v27 =	vld [tilespmem:s0+$0x20]  }
0x3a: {  	v28 =	vld [tilespmem:s0+$0x30]  }
0x3b: {  	v29 =	vld [tilespmem:s0+$0x40]  }
0x3c: {  	v30 =	vld [tilespmem:s0+$0x50]  }
0x3d: {  	v31 =	vld [tilespmem:s0+$0x60]  }
0x3e: {  	v32 =	vld [tilespmem:s0+$0x70]  }
0x3f: {  	v33 =	vld [tilespmem:s0+$0x400]  }
0x40: {  	v34 =	vld [tilespmem:s0+$0x410]  }
0x41: {  	v35 =	vld [tilespmem:s0+$0x420];
	v21 =	vadd.f32 v21, v11  }
0x42: {  	v36 =	vld [tilespmem:s0+$0x430];
	v11 =	vadd.f32 v25, v24;
	v12 =	vadd.f32 v26, v12  }
0x43: {  	v13 =	vadd.f32 v27, v13;
	v14 =	vadd.f32 v28, v14;
	v24 =	vld [tilespmem:s0+$0x440]  }
0x44: {  	v15 =	vadd.f32 v29, v15;
	v16 =	vadd.f32 v30, v16;
	v25 =	vld [tilespmem:s0+$0x450]  }
0x45: {  	v17 =	vadd.f32 v31, v17;
	v18 =	vadd.f32 v32, v18;
	v26 =	vld [tilespmem:s0+$0x460]  }
0x46: {  	s4 =	simm.s32 $0x0;
	v19 =	vadd.f32 v33, v19;
	v20 =	vadd.f32 v34, v20;
	v27 =	vld [tilespmem:s0+$0x470]  }
0x47: {  	s6 =	simm.s32 $0x0;
	s3 =	simm.s32 $0x2;
	s2 =	simm.s32 $0x0;
	v22 =	vadd.f32 v35, v22;
	v23 =	vadd.f32 v36, v23;
	v28 =	vld [tilespmem:s0+$0x800]  }
.LBB2_4:
0x48: {  	p1 =	sne.s32 s3, $0x3F;
	s6 =	sand.u32 $0x3, s6;
	s4 =	smul.u32 $0xC000, s4;
	v10 =	vadd.f32 v24, v10;
	v24 =	vld [tilespmem:s0+$0x810]  }
0x49: {  	s6 =	smul.u32 $0x3000, s6;
	v9 =	vadd.f32 v25, v9;
	v25 =	vld [tilespmem:s0+$0x820]  }
0x4a: {  	v8 =	vadd.f32 v26, v8;
	v26 =	vld [tilespmem:s0+$0x830]  }
0x4b: {  	s2 =	sadd.s32 $0x80, s2;
	s4 =	sshra.s32 s4, $0x2;
	s6 =	sshrl.u32 s6, $0x2;
	v7 =	vadd.f32 v27, v7;
	v27 =	vld [tilespmem:s0+$0x840]  }
0x4c: {  	s8 =	sand.u32 $0x380, s2;
	s4 =	sadd.s32 s4, s6;
	v6 =	vadd.f32 v28, v6;
	v28 =	vld [tilespmem:s0+$0x850]  }
0x4d: {  	v5 =	vadd.f32 v24, v5;
	v24 =	vld [tilespmem:s0+$0x860];
	s0 =	sor.u32 s8, s4  }
0x4e: {  	v29 =	vld [tilespmem:s0+$0x870];
	v4 =	vadd.f32 v25, v4  }
0x4f: {  	v25 =	vld [tilespmem:s0+$0x0];
	v3 =	vadd.f32 v26, v3  }
0x50: {  	v26 =	vld [tilespmem:s0+$0x10];
	v2 =	vadd.f32 v27, v2  }
0x51: {  	v27 =	vld [tilespmem:s0+$0x20];
	v1 =	vadd.f32 v28, v1  }
0x52: {  	v28 =	vld [tilespmem:s0+$0x30];
	v0 =	vadd.f32 v24, v0  }
0x53: {  	v24 =	vld [tilespmem:s0+$0x40];
	v21 =	vadd.f32 v29, v21  }
0x54: {  	v11 =	vadd.f32 v25, v11;
	v25 =	vld [tilespmem:s0+$0x50]  }
0x55: {  	v12 =	vadd.f32 v26, v12;
	v26 =	vld [tilespmem:s0+$0x60]  }
0x56: {  	v13 =	vadd.f32 v27, v13;
	v27 =	vld [tilespmem:s0+$0x70]  }
0x57: {  	v14 =	vadd.f32 v28, v14;
	v28 =	vld [tilespmem:s0+$0x400]  }
0x58: {  	v15 =	vadd.f32 v24, v15;
	v29 =	vld [tilespmem:s0+$0x410]  }
0x59: {  	v16 =	vadd.f32 v25, v16;
	v30 =	vld [tilespmem:s0+$0x420]  }
0x5a: {  	v17 =	vadd.f32 v26, v17;
	v31 =	vld [tilespmem:s0+$0x430]  }
.Ltmp3:
0x5b: {  	v18 =	vadd.f32 v27, v18;
	v24 =	vld [tilespmem:s0+$0x440];
	(pc) =	sbr.rel @p1 .LBB2_4-.Ltmp3, $4  }
0x5c: {  	v19 =	vadd.f32 v28, v19;
	v25 =	vld [tilespmem:s0+$0x450]  }
0x5d: {  	v20 =	vadd.f32 v29, v20;
	v26 =	vld [tilespmem:s0+$0x460]  }
0x5e: {  	v22 =	vadd.f32 v30, v22;
	v27 =	vld [tilespmem:s0+$0x470]  }
0x5f: {  	s6 =	sshrl.u32 s3, $0x3;
	s4 =	sshrl.u32 s3, $0x5;
	s3 =	sadd.s32 $0x1, s3;
	v23 =	vadd.f32 v31, v23;
	v28 =	vld [tilespmem:s0+$0x800]  }
0x60: {  	s3 =	sand.u32 $0x3, s6;
	s4 =	smul.u32 $0xC000, s4;
	v29 =	vld [tilespmem:s0+$0x810]  }
0x61: {  	v30 =	vld [tilespmem:s0+$0x820];
	s3 =	smul.u32 $0x3000, s3  }
0x62: {  	v31 =	vld [tilespmem:s0+$0x830]  }
0x63: {  	v32 =	vld [tilespmem:s0+$0x840];
	s2 =	sadd.s32 $0x80, s2;
	s4 =	sshra.s32 s4, $0x2;
	s3 =	sshrl.u32 s3, $0x2  }
0x64: {  	v33 =	vld [tilespmem:s0+$0x850];
	s2 =	sand.u32 $0x380, s2;
	s3 =	sadd.s32 s4, s3  }
0x65: {  	v34 =	vld [tilespmem:s0+$0x860];
	s2 =	sor.u32 s2, s3  }
0x66: {  	v35 =	vld [tilespmem:s2+$0x870]  }
0x67: {  	v36 =	vld [tilespmem:s2+$0x0]  }
0x68: {  	v37 =	vld [tilespmem:s2+$0x10]  }
0x69: {  	v38 =	vld [tilespmem:s2+$0x20]  }
0x6a: {  	v39 =	vld [tilespmem:s2+$0x30]  }
0x6b: {  	v40 =	vld [tilespmem:s2+$0x40]  }
0x6c: {  	v41 =	vld [tilespmem:s2+$0x50]  }
0x6d: {  	v42 =	vld [tilespmem:s2+$0x60]  }
0x6e: {  	v43 =	vld [tilespmem:s2+$0x70]  }
0x6f: {  	v44 =	vld [tilespmem:s2+$0x400]  }
0x70: {  	v45 =	vld [tilespmem:s2+$0x410]  }
0x71: {  	v46 =	vld [tilespmem:s2+$0x420]  }
0x72: {  	v47 =	vld [tilespmem:s2+$0x430]  }
0x73: {  	v48 =	vld [tilespmem:s2+$0x440]  }
0x74: {  	v49 =	vld [tilespmem:s2+$0x450]  }
0x75: {  	v50 =	vld [tilespmem:s2+$0x460]  }
0x76: {  	v51 =	vld [tilespmem:s2+$0x470]  }
0x77: {  	v52 =	vld [tilespmem:s2+$0x800]  }
0x78: {  	v53 =	vld [tilespmem:s2+$0x810]  }
0x79: {  	v54 =	vld [tilespmem:s2+$0x820]  }
0x7a: {  	p0 =	seq.s32 s24, $0x7;
	v55 =	vld [tilespmem:s2+$0x830]  }
0x7b: {  	s0 =	sadd.s32 @!p0 s25, s10;
	v56 =	vld [tilespmem:s2+$0x840]  }
0x7c: {  	s28 =	simm.s32 $0x0;
	s0 =	sshrl.u32 @!p0 s0, $0x3;
	v57 =	vld [tilespmem:s2+$0x850]  }
0x7d: {  	s29 =	simm.s32 $0x0;
	s0 =	sadd.s32 @!p0 s1, s0;
	v58 =	vld [tilespmem:s2+$0x860];
	s2 =	simm.s32 @!p0 $0x0  }
0x7e: {  	[tilespmem:s2], [sflag:$0x1] =	stream.linear.gather @!p0 [hbm4b:s0+s2], $0x6000, $0x38;
	[tilespmem:$0x19B00] =	vst v63  }
0x7f: {  	v10 =	vadd.f32 v24, v10;
	v9 =	vadd.f32 v25, v9;
	s30 =	smul.u32 $0xC000, s28;
	s2 =	sand.u32 $0x3, s29  }
0x80: {  	v8 =	vadd.f32 v26, v8;
	v7 =	vadd.f32 v27, v7;
	s2 =	smul.u32 $0x3000, s2  }
0x81: {  	v6 =	vadd.f32 v28, v6;
	v5 =	vadd.f32 v29, v5;
	s3 =	sshra.s32 s30, $0x2  }
0x82: {  	v4 =	vadd.f32 v30, v4;
	v3 =	vadd.f32 v31, v3;
	s0 =	simm.s32 $0x0;
	_ =	swait.ge [sflag:s20], $0x6000;
	s2 =	sshrl.u32 s2, $0x2  }
0x83: {  	v24 =	vadd.f32 v32, v2;
	v25 =	vadd.f32 v33, v1;
	s31 =	sand.u32 $0x380, s0;
	[sflag:s20] =	ssyncset.done $0x0;
	s2 =	sadd.s32 s3, s2  }
0x84: {  	v26 =	vadd.f32 v34, v0;
	[sflag:s20] =	ssyncadd.s32 $0xFFFFA000;
	v21 =	vadd.f32 v35, v21;
	s2 =	sor.u32 s31, s2  }
0x85: {  	v27 =	vadd.f32 v36, v11;
	v28 =	vadd.f32 v37, v12;
	v29 =	vld [tilespmem:s2+$0x6870]  }
0x86: {  	v30 =	vadd.f32 v38, v13;
	v31 =	vadd.f32 v39, v14;
	v32 =	vld [tilespmem:s2+$0x6000]  }
0x87: {  	v33 =	vadd.f32 v40, v15;
	v34 =	vadd.f32 v41, v16;
	v35 =	vld [tilespmem:s2+$0x6010]  }
0x88: {  	v36 =	vadd.f32 v42, v17;
	v37 =	vadd.f32 v43, v18;
	v18 =	vld [tilespmem:s2+$0x6020]  }
0x89: {  	v59 =	vadd.f32 v44, v19;
	v60 =	vadd.f32 v45, v20;
	v19 =	vld [tilespmem:s2+$0x6030]  }
0x8a: {  	v22 =	vadd.f32 v46, v22;
	v23 =	vadd.f32 v47, v23;
	v20 =	vld [tilespmem:s2+$0x6040]  }
0x8b: {  	v11 =	vadd.f32 v48, v10;
	v0 =	vadd.f32 v49, v9;
	v9 =	vld [tilespmem:s2+$0x6050]  }
0x8c: {  	v12 =	vadd.f32 v50, v8;
	v1 =	vadd.f32 v51, v7;
	v10 =	vld [tilespmem:s2+$0x6060]  }
0x8d: {  	v13 =	vadd.f32 v52, v6;
	v2 =	vadd.f32 v53, v5;
	v61 =	vld [tilespmem:s2+$0x6070]  }
0x8e: {  	v14 =	vadd.f32 v54, v4;
	v3 =	vadd.f32 v55, v3;
	v62 =	vld [tilespmem:s2+$0x6400]  }
0x8f: {  	v15 =	vadd.f32 v56, v24;
	v4 =	vadd.f32 v57, v25;
	v63 =	vld [tilespmem:s2+$0x6410]  }
0x90: {  	v16 =	vadd.f32 v58, v26;
	v5 =	vadd.f32 v29, v21;
	v29 =	vld [tilespmem:s2+$0x6420]  }
0x91: {  	v17 =	vadd.f32 v32, v27;
	v6 =	vadd.f32 v35, v28;
	v28 =	vld [tilespmem:s2+$0x6430]  }
0x92: {  	v24 =	vld [tilespmem:s2+$0x6440];
	v18 =	vadd.f32 v18, v30;
	v7 =	vadd.f32 v19, v31  }
0x93: {  	v25 =	vld [tilespmem:s2+$0x6450];
	v19 =	vadd.f32 v20, v33;
	v8 =	vadd.f32 v9, v34  }
0x94: {  	v20 =	vadd.f32 v10, v36;
	v9 =	vadd.f32 v61, v37;
	v27 =	vld [tilespmem:s2+$0x6460]  }
0x95: {  	v26 =	vld [tilespmem:s2+$0x6470];
	v21 =	vadd.f32 v62, v59;
	v10 =	vadd.f32 v63, v60  }
0x96: {  	s6 =	simm.s32 $0x0;
	s4 =	simm.s32 $0x0;
	s3 =	simm.s32 $0x2;
	v22 =	vadd.f32 v29, v22;
	v23 =	vadd.f32 v28, v23;
	v28 =	vld [tilespmem:s2+$0x6800]  }
.LBB2_6:
0x97: {  	p1 =	sne.s32 s3, $0x3F;
	s6 =	sand.u32 $0x3, s6;
	s4 =	smul.u32 $0xC000, s4;
	v11 =	vadd.f32 v24, v11;
	v24 =	vld [tilespmem:s2+$0x6810]  }
0x98: {  	s6 =	smul.u32 $0x3000, s6;
	v0 =	vadd.f32 v25, v0;
	v25 =	vld [tilespmem:s2+$0x6820]  }
0x99: {  	v12 =	vadd.f32 v27, v12;
	v27 =	vld [tilespmem:s2+$0x6830]  }
0x9a: {  	s0 =	sadd.s32 $0x80, s0;
	s4 =	sshra.s32 s4, $0x2;
	s6 =	sshrl.u32 s6, $0x2;
	v1 =	vadd.f32 v26, v1;
	v26 =	vld [tilespmem:s2+$0x6840]  }
0x9b: {  	s8 =	sand.u32 $0x380, s0;
	s4 =	sadd.s32 s4, s6;
	v13 =	vadd.f32 v28, v13;
	v28 =	vld [tilespmem:s2+$0x6850]  }
0x9c: {  	v2 =	vadd.f32 v24, v2;
	v24 =	vld [tilespmem:s2+$0x6860];
	s2 =	sor.u32 s8, s4  }
0x9d: {  	v29 =	vld [tilespmem:s2+$0x6870];
	v14 =	vadd.f32 v25, v14  }
0x9e: {  	v25 =	vld [tilespmem:s2+$0x6000];
	v3 =	vadd.f32 v27, v3  }
0x9f: {  	v27 =	vld [tilespmem:s2+$0x6010];
	v15 =	vadd.f32 v26, v15  }
0xa0: {  	v26 =	vld [tilespmem:s2+$0x6020];
	v4 =	vadd.f32 v28, v4  }
0xa1: {  	v28 =	vld [tilespmem:s2+$0x6030];
	v16 =	vadd.f32 v24, v16  }
0xa2: {  	v24 =	vld [tilespmem:s2+$0x6040];
	v5 =	vadd.f32 v29, v5  }
0xa3: {  	v17 =	vadd.f32 v25, v17;
	v25 =	vld [tilespmem:s2+$0x6050]  }
0xa4: {  	v6 =	vadd.f32 v27, v6;
	v27 =	vld [tilespmem:s2+$0x6060]  }
0xa5: {  	v18 =	vadd.f32 v26, v18;
	v26 =	vld [tilespmem:s2+$0x6070]  }
0xa6: {  	v7 =	vadd.f32 v28, v7;
	v28 =	vld [tilespmem:s2+$0x6400]  }
0xa7: {  	v19 =	vadd.f32 v24, v19;
	v29 =	vld [tilespmem:s2+$0x6410]  }
0xa8: {  	v8 =	vadd.f32 v25, v8;
	v30 =	vld [tilespmem:s2+$0x6420]  }
0xa9: {  	v20 =	vadd.f32 v27, v20;
	v31 =	vld [tilespmem:s2+$0x6430]  }
.Ltmp4:
0xaa: {  	v9 =	vadd.f32 v26, v9;
	v24 =	vld [tilespmem:s2+$0x6440];
	(pc) =	sbr.rel @p1 .LBB2_6-.Ltmp4, $4  }
0xab: {  	v21 =	vadd.f32 v28, v21;
	v25 =	vld [tilespmem:s2+$0x6450]  }
0xac: {  	v10 =	vadd.f32 v29, v10;
	v27 =	vld [tilespmem:s2+$0x6460]  }
0xad: {  	v22 =	vadd.f32 v30, v22;
	v26 =	vld [tilespmem:s2+$0x6470]  }
0xae: {  	s6 =	sshrl.u32 s3, $0x3;
	s4 =	sshrl.u32 s3, $0x5;
	s3 =	sadd.s32 $0x1, s3;
	v23 =	vadd.f32 v31, v23;
	v28 =	vld [tilespmem:s2+$0x6800]  }
0xaf: {  	s3 =	sand.u32 $0x3, s6;
	s4 =	smul.u32 $0xC000, s4;
	v29 =	vld [tilespmem:s2+$0x6810]  }
0xb0: {  	v30 =	vld [tilespmem:s2+$0x6820];
	s3 =	smul.u32 $0x3000, s3  }
0xb1: {  	v31 =	vld [tilespmem:s2+$0x6830]  }
0xb2: {  	v32 =	vld [tilespmem:s2+$0x6840];
	s0 =	sadd.s32 $0x80, s0;
	s4 =	sshra.s32 s4, $0x2;
	s3 =	sshrl.u32 s3, $0x2  }
0xb3: {  	v33 =	vld [tilespmem:s2+$0x6850];
	s0 =	sand.u32 $0x380, s0;
	s3 =	sadd.s32 s4, s3  }
0xb4: {  	v34 =	vld [tilespmem:s2+$0x6860];
	s0 =	sor.u32 s0, s3  }
0xb5: {  	v35 =	vld [tilespmem:s0+$0x6870]  }
0xb6: {  	v36 =	vld [tilespmem:s0+$0x6000]  }
0xb7: {  	v37 =	vld [tilespmem:s0+$0x6010]  }
0xb8: {  	v38 =	vld [tilespmem:s0+$0x6020]  }
0xb9: {  	v39 =	vld [tilespmem:s0+$0x6030]  }
0xba: {  	v40 =	vld [tilespmem:s0+$0x6040]  }
0xbb: {  	v41 =	vld [tilespmem:s0+$0x6050]  }
0xbc: {  	v42 =	vld [tilespmem:s0+$0x6060]  }
0xbd: {  	v43 =	vld [tilespmem:s0+$0x6070]  }
0xbe: {  	v44 =	vld [tilespmem:s0+$0x6400]  }
0xbf: {  	v45 =	vld [tilespmem:s0+$0x6410]  }
0xc0: {  	v46 =	vadd.f32 v24, v11;
	v47 =	vld [tilespmem:s0+$0x6420]  }
0xc1: {  	v0 =	vadd.f32 v25, v0;
	v25 =	vadd.f32 v27, v12;
	v27 =	vld [tilespmem:s0+$0x6430]  }
0xc2: {  	v1 =	vadd.f32 v26, v1;
	v26 =	vadd.f32 v28, v13;
	v55 =	vld [tilespmem:s0+$0x6440]  }
0xc3: {  	v2 =	vadd.f32 v29, v2;
	v56 =	vadd.f32 v30, v14;
	v57 =	vld [tilespmem:s0+$0x6450]  }
0xc4: {  	v3 =	vadd.f32 v31, v3;
	v58 =	vadd.f32 v32, v15;
	v59 =	vld [tilespmem:s0+$0x6460]  }
0xc5: {  	v33 =	vadd.f32 v33, v4;
	v34 =	vadd.f32 v34, v16;
	v4 =	vld [tilespmem:s0+$0x6470]  }
0xc6: {  	v60 =	vld [tilespmem:s0+$0x6810];
	v11 =	vadd.f32 v35, v5;
	v24 =	vadd.f32 v36, v17  }
0xc7: {  	v61 =	vld [tilespmem:s0+$0x6820];
	v12 =	vadd.f32 v37, v6;
	v13 =	vadd.f32 v38, v18  }
0xc8: {  	v62 =	vld [tilespmem:s0+$0x6830];
	v14 =	vadd.f32 v39, v7;
	v15 =	vadd.f32 v40, v19  }
0xc9: {  	v63 =	vld [tilespmem:s0+$0x6850];
	v16 =	vadd.f32 v41, v8;
	v17 =	vadd.f32 v42, v20  }
0xca: {  	v5 =	vld [tilespmem:s0+$0x6800];
	v18 =	vadd.f32 v43, v9;
	v19 =	vadd.f32 v44, v21  }
0xcb: {  	s24 =	sadd.s32 $0x1, s24;
	v21 =	vld [tilespmem:s0+$0x6840];
	v20 =	vadd.f32 v45, v10;
	v22 =	vadd.f32 v47, v22  }
0xcc: {  	p0 =	sne.s32 s24, $0x8;
	v23 =	vadd.f32 v27, v23;
	v10 =	vadd.f32 v55, v46;
	v27 =	vld [tilespmem:s0+$0x6860]  }
.Ltmp5:
0xcd: {  	v9 =	vadd.f32 v57, v0;
	v8 =	vadd.f32 v59, v25;
	(pc) =	sbr.rel @p0 .LBB2_3-.Ltmp5, $4  }
0xce: {  	v7 =	vadd.f32 v4, v1;
	v4 =	vadd.f32 v61, v56  }
0xcf: {  	v3 =	vadd.f32 v62, v3;
	v1 =	vadd.f32 v63, v33  }
0xd0: {  	v6 =	vadd.f32 v5, v26;
	v5 =	vadd.f32 v60, v2  }
0xd1: {  	v2 =	vadd.f32 v21, v58;
	v0 =	vadd.f32 v27, v34  }
0xd2: {  	[tilespmem:$0xC000] =	vst v24  }
0xd3: {  	[tilespmem:$0xC010] =	vst v12  }
0xd4: {  	[tilespmem:$0xC020] =	vst v13  }
0xd5: {  	[tilespmem:$0xC030] =	vst v14  }
0xd6: {  	[tilespmem:$0xC040] =	vst v15  }
0xd7: {  	[tilespmem:$0xC050] =	vst v16  }
0xd8: {  	[tilespmem:$0xC060] =	vst v17  }
0xd9: {  	[tilespmem:$0xC070] =	vst v18  }
0xda: {  	[tilespmem:$0xC080] =	vst v19  }
0xdb: {  	[tilespmem:$0xC090] =	vst v20  }
0xdc: {  	[tilespmem:$0xC0A0] =	vst v22  }
0xdd: {  	[tilespmem:$0xC0B0] =	vst v23  }
0xde: {  	[tilespmem:$0xC0C0] =	vst v10  }
0xdf: {  	[tilespmem:$0xC0D0] =	vst v9  }
0xe0: {  	[tilespmem:$0xC0E0] =	vst v8  }
0xe1: {  	[tilespmem:$0xC0F0] =	vst v7  }
0xe2: {  	[tilespmem:$0xC100] =	vst v6  }
0xe3: {  	[tilespmem:$0xC110] =	vst v5  }
0xe4: {  	[tilespmem:$0xC120] =	vst v4  }
0xe5: {  	[tilespmem:$0xC130] =	vst v3  }
0xe6: {  	[tilespmem:$0xC150] =	vst v1  }
0xe7: {  	[tilespmem:$0xC170] =	vst v11  }
0xe8: {  	[tilespmem:$0xC140] =	vst v2  }
0xe9: {  	s0 =	simm.s32 $0x0;
	[tilespmem:$0xC160] =	vst v0  }
0xea: {  	s23 =	simm.s32 $0xC580;
	v8 =	vld [tilespmem:s0+$0xC000]  }
0xeb: {  	v1 =	vld [tilespmem:s23+$0x380]  }
0xec: {  	v0 =	vld [tilespmem:s23+$0x300]  }
0xed: {  	v3 =	vld [tilespmem:s23+$0x280]  }
0xee: {  	v4 =	vld [tilespmem:s23+$0x200]  }
0xef: {  	v5 =	vld [tilespmem:s23+$0x180];
	(v2sf) =	vpush v8, $0x0  }
0xf0: {  	v6 =	vld [tilespmem:s23+$0x100]  }
0xf1: {  	v7 =	vld [tilespmem:s23+$0x80];
	(v2sf) =	vpush v8, $0x1  }
0xf2: {  	v9 =	vld [tilespmem:s23+$0x0]  }
0xf3: {  	v10 =	vld [tilespmem:s23+$0xFFFFFF80];
	(v2sf) =	vpush v8, $0x2  }
0xf4: {  	v11 =	vld [tilespmem:s23+$0xFFFFFF00]  }
0xf5: {  	v12 =	vld [tilespmem:s23+$0xFFFFFE80];
	(v2sf) =	vpush v8, $0x3  }
0xf6: {  	v13 =	vld [tilespmem:s23+$0xFFFFFE00];
	(v2sf) =	vpush v8, $0xF  }
0xf7: {  	v14 =	vld [tilespmem:s23+$0xFFFFFD80];
	(v2sf) =	vpush v8, $0x4  }
0xf8: {  	v15 =	vld [tilespmem:s23+$0xFFFFFD00];
	(v2sf) =	vpush v8, $0xE  }
0xf9: {  	v16 =	vld [tilespmem:s23+$0xFFFFFC80];
	(v2sf) =	vpush v8, $0x5  }
0xfa: {  	v17 =	vld [tilespmem:s23+$0xFFFFFC00];
	(v2sf) =	vpush v8, $0xD  }
0xfb: {  	v18 =	vld [tilespmem:s23+$0xFFFFFC10];
	(v2sf) =	vpush v8, $0x6  }
0xfc: {  	s4 =	simm.s32 $0x10;
	v19 =	vld [tilespmem:s23+$0xFFFFFC20];
	(v2sf) =	vpush v8, $0xC  }
0xfd: {  	v2 =	vld [tilespmem:s4+$0xC000];
	(v2sf) =	vpush v8, $0x7  }
0xfe: {  	v20 =	vld [tilespmem:s23+$0xFFFFFC90];
	(v2sf) =	vpush v8, $0xB;
	s6 =	spop (v2sf)  }
0xff: {  	v21 =	vld [tilespmem:s23+$0xFFFFFCA0];
	(v2sf) =	vpush v8, $0x8;
	s0 =	smul.f32 $9.765625000e-04, s6  }
0x100: {  	v22 =	vld [tilespmem:s23+$0xFFFFFD10];
	s2 =	spop (v2sf);
	(v2sf) =	vpush v8, $0xA  }
0x101: {  	v38 =	vimm.f32 $0.0e+00;
	v24 =	vld [tilespmem:s23+$0xFFFFFD20];
	s2 =	smul.f32 $9.765625000e-04, s2;
	(v2sf) =	vpush v8, $0x9;
	v17 =	vmul.f32 s0, v17  }
0x102: {  	v40 =	vld [tilespmem:s23+$0xFFFFFD90];
	s8 =	spop (v2sf);
	(v2sf) =	vpush v2, $0x0;
	v8 =	vmul.f32 s0, v18;
	v39 =	vmul.f32 s0, v19  }
0x103: {  	v25 =	vld [tilespmem:s23+$0xFFFFFDA0];
	s0 =	smul.f32 $9.765625000e-04, s8;
	v16 =	vmul.f32 s2, v16;
	v20 =	vmul.f32 s2, v20;
	v17 =	vadd.f32 v17, v38  }
0x104: {  	v43 =	vld [tilespmem:s23+$0xFFFFFE20];
	s11 =	spop (v2sf);
	v21 =	vmul.f32 s2, v21;
	v8 =	vadd.f32 v8, v38;
	v18 =	vadd.f32 v39, v38  }
0x105: {  	v41 =	vld [tilespmem:s23+$0xFFFFFE10];
	s2 =	smul.f32 $9.765625000e-04, s11;
	s24 =	spop (v2sf);
	v15 =	vmul.f32 s0, v15;
	v42 =	vmul.f32 s0, v22;
	v16 =	vadd.f32 v17, v16  }
0x106: {  	v47 =	vld [tilespmem:s23+$0xFFFFFEA0];
	v44 =	vmul.f32 s0, v24;
	s13 =	spop (v2sf);
	v8 =	vadd.f32 v20, v8;
	v18 =	vadd.f32 v21, v18  }
0x107: {  	v45 =	vld [tilespmem:s23+$0xFFFFFE90];
	v14 =	vmul.f32 s2, v14;
	v46 =	vmul.f32 s2, v40;
	s3 =	smul.f32 $9.765625000e-04, s13;
	s15 =	spop (v2sf);
	v15 =	vadd.f32 v15, v16  }
0x108: {  	v50 =	vld [tilespmem:s23+$0xFFFFFF10];
	v49 =	vmul.f32 s2, v25;
	s16 =	spop (v2sf);
	v8 =	vadd.f32 v42, v8;
	v48 =	vadd.f32 v44, v18  }
0x109: {  	v51 =	vld [tilespmem:s23+$0xFFFFFF20];
	v13 =	vmul.f32 s3, v13;
	s4 =	smul.f32 $9.765625000e-04, s16;
	s17 =	spop (v2sf);
	v53 =	vmul.f32 s3, v43;
	v14 =	vadd.f32 v14, v15  }
0x10a: {  	v54 =	vld [tilespmem:s23+$0xFFFFFF90];
	s21 =	spop (v2sf);
	v15 =	vmul.f32 s3, v41;
	v8 =	vadd.f32 v46, v8;
	v52 =	vadd.f32 v49, v48  }
0x10b: {  	v55 =	vld [tilespmem:s23+$0xFFFFFFA0];
	v12 =	vmul.f32 s4, v12;
	s6 =	spop (v2sf);
	v56 =	vmul.f32 s4, v47;
	s3 =	smul.f32 $9.765625000e-04, s21;
	v13 =	vadd.f32 v13, v14  }
0x10c: {  	v57 =	vld [tilespmem:s23+$0x10];
	s25 =	spop (v2sf);
	v14 =	vmul.f32 s4, v45;
	v8 =	vadd.f32 v15, v8;
	v15 =	vadd.f32 v53, v52  }
0x10d: {  	v58 =	vld [tilespmem:s23+$0x20];
	s8 =	spop (v2sf);
	v11 =	vmul.f32 s3, v11;
	s4 =	smul.f32 $9.765625000e-04, s25;
	v12 =	vadd.f32 v12, v13;
	v13 =	vmul.f32 s3, v50  }
0x10e: {  	v59 =	vld [tilespmem:s23+$0x90];
	s26 =	spop (v2sf);
	v8 =	vadd.f32 v14, v8;
	v14 =	vadd.f32 v56, v15;
	v15 =	vmul.f32 s3, v51  }
0x10f: {  	v60 =	vld [tilespmem:s23+$0xA0];
	v10 =	vmul.f32 s4, v10;
	s3 =	smul.f32 $9.765625000e-04, s26;
	s11 =	spop (v2sf);
	v11 =	vadd.f32 v11, v12;
	v12 =	vmul.f32 s4, v54  }
0x110: {  	v8 =	vadd.f32 v13, v8;
	v13 =	vadd.f32 v15, v14;
	v14 =	vmul.f32 s4, v55;
	v15 =	vld [tilespmem:s23+$0x110];
	s29 =	spop (v2sf)  }
0x111: {  	v61 =	vld [tilespmem:s23+$0x120];
	v9 =	vmul.f32 s3, v9;
	s4 =	smul.f32 $9.765625000e-04, s29;
	v10 =	vadd.f32 v10, v11;
	v11 =	vmul.f32 s3, v57  }
0x112: {  	v62 =	vld [tilespmem:s23+$0x1A0];
	v8 =	vadd.f32 v12, v8;
	v12 =	vadd.f32 v14, v13;
	v13 =	vmul.f32 s3, v58  }
0x113: {  	s30 =	smul.f32 $9.765625000e-04, s11;
	v14 =	vld [tilespmem:s23+$0x190];
	v7 =	vmul.f32 s4, v7;
	v9 =	vadd.f32 v9, v10;
	v10 =	vmul.f32 s4, v59  }
0x114: {  	v8 =	vadd.f32 v11, v8;
	v11 =	vadd.f32 v13, v12;
	v12 =	vmul.f32 s4, v60;
	v13 =	vld [tilespmem:s23+$0x210]  }
0x115: {  	s31 =	smul.f32 $9.765625000e-04, s8;
	v6 =	vmul.f32 s30, v6;
	v7 =	vadd.f32 v7, v9;
	v9 =	vmul.f32 s30, v15;
	v15 =	vld [tilespmem:s23+$0x220]  }
0x116: {  	v8 =	vadd.f32 v10, v8;
	v10 =	vadd.f32 v12, v11;
	v11 =	vmul.f32 s30, v61;
	v12 =	vld [tilespmem:s23+$0x290]  }
0x117: {  	s6 =	smul.f32 $9.765625000e-04, s6;
	v16 =	vmul.f32 s31, v62;
	v6 =	vadd.f32 v6, v7;
	v7 =	vmul.f32 s31, v5;
	v5 =	vld [tilespmem:s23+$0x2A0]  }
0x118: {  	v14 =	vmul.f32 s31, v14;
	v8 =	vadd.f32 v9, v8;
	v10 =	vadd.f32 v11, v10;
	v9 =	vld [tilespmem:s23+$0x310]  }
0x119: {  	v63 =	vmul.f32 s6, v4;
	v4 =	vld [tilespmem:s23+$0x320];
	s26 =	smul.f32 $9.765625000e-04, s17;
	v11 =	vmul.f32 s6, v13;
	v6 =	vadd.f32 v7, v6  }
0x11a: {  	s28 =	smul.f32 $9.765625000e-04, s15;
	v13 =	vadd.f32 v14, v8;
	v7 =	vadd.f32 v16, v10;
	v10 =	vld [tilespmem:s23+$0x390];
	v8 =	vmul.f32 s6, v15  }
0x11b: {  	s25 =	simm.s32 $0x80;
	v3 =	vmul.f32 s26, v3;
	s3 =	spop (v2sf);
	v12 =	vmul.f32 s26, v12;
	v14 =	vadd.f32 v63, v6;
	v6 =	vld [tilespmem:s23+$0x3A0];
	s23 =	simm.s32 $0xCD80  }
.LBB2_9:
0x11c: {  	p1 =	sne.s32 s25, $0x5C0;
	v15 =	vld [tilespmem:s23+$0x380];
	v11 =	vadd.f32 v11, v13;
	v7 =	vadd.f32 v8, v7;
	v5 =	vmul.f32 s26, v5  }
0x11d: {  	s0 =	smul.f32 $9.765625000e-04, s24;
	v8 =	vadd.f32 v3, v14;
	v13 =	vmul.f32 s28, v0;
	v0 =	vld [tilespmem:s23+$0x300];
	v9 =	vmul.f32 s28, v9  }
0x11e: {  	v3 =	vld [tilespmem:s23+$0x280];
	v11 =	vadd.f32 v12, v11;
	v7 =	vadd.f32 v5, v7;
	v12 =	vmul.f32 s28, v4  }
0x11f: {  	v14 =	vmul.f32 s0, v1;
	v4 =	vld [tilespmem:s23+$0x200];
	v8 =	vadd.f32 v13, v8;
	v10 =	vmul.f32 s0, v10  }
0x120: {  	v5 =	vld [tilespmem:s23+$0x180];
	v9 =	vadd.f32 v9, v11;
	v11 =	vadd.f32 v12, v7;
	v12 =	vmul.f32 s0, v6  }
0x121: {  	v6 =	vld [tilespmem:s23+$0x100];
	(v2sf) =	vpush v2, $0x1;
	v13 =	vadd.f32 v14, v8;
	v1 =	vmov v15  }
0x122: {  	v7 =	vld [tilespmem:s23+$0x80];
	v10 =	vadd.f32 v10, v9;
	v11 =	vadd.f32 v12, v11  }
0x123: {  	v8 =	vld [tilespmem:s23+$0x0]  }
0x124: {  	v9 =	vld [tilespmem:s23+$0xFFFFFF80];
	(v2sf) =	vpush v2, $0x2  }
0x125: {  	v12 =	vld [tilespmem:s23+$0xFFFFFF00]  }
0x126: {  	v14 =	vld [tilespmem:s23+$0xFFFFFE80];
	(v2sf) =	vpush v2, $0x3  }
0x127: {  	v15 =	vld [tilespmem:s23+$0xFFFFFE00];
	(v2sf) =	vpush v2, $0xF  }
0x128: {  	v16 =	vld [tilespmem:s23+$0xFFFFFD80];
	(v2sf) =	vpush v2, $0x4  }
0x129: {  	v17 =	vld [tilespmem:s23+$0xFFFFFD00];
	(v2sf) =	vpush v2, $0xE  }
0x12a: {  	v18 =	vld [tilespmem:s23+$0xFFFFFC80];
	(v2sf) =	vpush v2, $0x5  }
0x12b: {  	v19 =	vld [tilespmem:s23+$0xFFFFFC00];
	(v2sf) =	vpush v2, $0xD  }
0x12c: {  	v20 =	vld [tilespmem:s23+$0xFFFFFC10];
	(v2sf) =	vpush v2, $0x6  }
0x12d: {  	s0 =	sshra.s32 s25, $0x2;
	v21 =	vld [tilespmem:s23+$0xFFFFFC20];
	(v2sf) =	vpush v2, $0xC  }
0x12e: {  	v22 =	vld [tilespmem:s0+$0xC000];
	(v2sf) =	vpush v2, $0x7  }
0x12f: {  	v23 =	vld [tilespmem:s23+$0xFFFFFC90];
	(v2sf) =	vpush v2, $0xB  }
0x130: {  	s0 =	smul.f32 $9.765625000e-04, s3;
	v24 =	vld [tilespmem:s23+$0xFFFFFCA0];
	s2 =	spop (v2sf);
	(v2sf) =	vpush v2, $0x8  }
0x131: {  	v25 =	vld [tilespmem:s23+$0xFFFFFD10];
	(v2sf) =	vpush v2, $0xA  }
0x132: {  	v19 =	vmul.f32 s0, v19;
	s2 =	smul.f32 $9.765625000e-04, s2;
	v26 =	vld [tilespmem:s23+$0xFFFFFD20];
	(v2sf) =	vpush v2, $0x9  }
0x133: {  	v20 =	vmul.f32 s0, v20;
	v21 =	vmul.f32 s0, v21;
	(v2sf) =	vpush v22, $0x0;
	v27 =	vld [tilespmem:s23+$0xFFFFFD90];
	s0 =	spop (v2sf);
	v2 =	vmovc v22  }
0x134: {  	v13 =	vadd.f32 v19, v13;
	v18 =	vmul.f32 s2, v18;
	v19 =	vmul.f32 s2, v23;
	s0 =	smul.f32 $9.765625000e-04, s0;
	v22 =	vld [tilespmem:s23+$0xFFFFFDA0]  }
0x135: {  	v10 =	vadd.f32 v20, v10;
	v11 =	vadd.f32 v21, v11;
	v20 =	vmul.f32 s2, v24;
	v21 =	vld [tilespmem:s23+$0xFFFFFE10];
	s2 =	spop (v2sf)  }
0x136: {  	v13 =	vadd.f32 v13, v18;
	v17 =	vmul.f32 s0, v17;
	v18 =	vmul.f32 s0, v25;
	s2 =	smul.f32 $9.765625000e-04, s2;
	v23 =	vld [tilespmem:s23+$0xFFFFFE20];
	s24 =	spop (v2sf)  }
0x137: {  	v10 =	vadd.f32 v19, v10;
	v11 =	vadd.f32 v20, v11;
	v19 =	vmul.f32 s0, v26;
	v20 =	vld [tilespmem:s23+$0xFFFFFE90];
	s0 =	spop (v2sf)  }
0x138: {  	v13 =	vadd.f32 v17, v13;
	v16 =	vmul.f32 s2, v16;
	v17 =	vmul.f32 s2, v27;
	s3 =	smul.f32 $9.765625000e-04, s0;
	v24 =	vld [tilespmem:s23+$0xFFFFFEA0];
	s0 =	spop (v2sf)  }
0x139: {  	v10 =	vadd.f32 v18, v10;
	v11 =	vadd.f32 v19, v11;
	v18 =	vmul.f32 s2, v22;
	v19 =	vld [tilespmem:s23+$0xFFFFFF10];
	s2 =	spop (v2sf)  }
0x13a: {  	v13 =	vadd.f32 v16, v13;
	v15 =	vmul.f32 s3, v15;
	v16 =	vmul.f32 s3, v21;
	s6 =	smul.f32 $9.765625000e-04, s2;
	v21 =	vld [tilespmem:s23+$0xFFFFFF20];
	s2 =	spop (v2sf)  }
0x13b: {  	v10 =	vadd.f32 v17, v10;
	v11 =	vadd.f32 v18, v11;
	v17 =	vmul.f32 s3, v23;
	v18 =	vld [tilespmem:s23+$0xFFFFFF90];
	s3 =	spop (v2sf)  }
0x13c: {  	v13 =	vadd.f32 v15, v13;
	v14 =	vmul.f32 s6, v14;
	v15 =	vmul.f32 s6, v20;
	s3 =	smul.f32 $9.765625000e-04, s3;
	v20 =	vld [tilespmem:s23+$0xFFFFFFA0];
	s4 =	spop (v2sf)  }
0x13d: {  	v10 =	vadd.f32 v16, v10;
	v11 =	vadd.f32 v17, v11;
	v16 =	vmul.f32 s6, v24;
	v17 =	vld [tilespmem:s23+$0x10];
	s6 =	spop (v2sf)  }
0x13e: {  	v13 =	vadd.f32 v14, v13;
	v12 =	vmul.f32 s3, v12;
	v14 =	vmul.f32 s3, v19;
	s6 =	smul.f32 $9.765625000e-04, s6;
	v19 =	vld [tilespmem:s23+$0x20];
	s8 =	spop (v2sf)  }
0x13f: {  	v10 =	vadd.f32 v15, v10;
	v11 =	vadd.f32 v16, v11;
	v15 =	vmul.f32 s3, v21;
	v16 =	vld [tilespmem:s23+$0x90];
	s3 =	spop (v2sf)  }
0x140: {  	v12 =	vadd.f32 v12, v13;
	v9 =	vmul.f32 s6, v9;
	v13 =	vmul.f32 s6, v18;
	s11 =	smul.f32 $9.765625000e-04, s3;
	v18 =	vld [tilespmem:s23+$0xA0];
	s13 =	spop (v2sf)  }
0x141: {  	v10 =	vadd.f32 v14, v10;
	v11 =	vadd.f32 v15, v11;
	v14 =	vmul.f32 s6, v20;
	v15 =	vld [tilespmem:s23+$0x110];
	s6 =	spop (v2sf)  }
0x142: {  	s3 =	spop (v2sf);
	v9 =	vadd.f32 v9, v12;
	v8 =	vmul.f32 s11, v8;
	v12 =	vmul.f32 s11, v17;
	s6 =	smul.f32 $9.765625000e-04, s6;
	v17 =	vld [tilespmem:s23+$0x120]  }
0x143: {  	v10 =	vadd.f32 v13, v10;
	v11 =	vadd.f32 v14, v11;
	v13 =	vmul.f32 s11, v19;
	v14 =	vld [tilespmem:s23+$0x190]  }
0x144: {  	s11 =	smul.f32 $9.765625000e-04, s13;
	v8 =	vadd.f32 v8, v9;
	v7 =	vmul.f32 s6, v7;
	v9 =	vmul.f32 s6, v16;
	v16 =	vld [tilespmem:s23+$0x1A0]  }
0x145: {  	v10 =	vadd.f32 v12, v10;
	v11 =	vadd.f32 v13, v11;
	v12 =	vmul.f32 s6, v18;
	v13 =	vld [tilespmem:s23+$0x210]  }
0x146: {  	v6 =	vmul.f32 s11, v6;
	s6 =	smul.f32 $9.765625000e-04, s8;
	v7 =	vadd.f32 v7, v8;
	v8 =	vmul.f32 s11, v15;
	v15 =	vld [tilespmem:s23+$0x220]  }
0x147: {  	s4 =	smul.f32 $9.765625000e-04, s4;
	v9 =	vadd.f32 v9, v10;
	v10 =	vadd.f32 v12, v11;
	v11 =	vmul.f32 s11, v17;
	v12 =	vld [tilespmem:s23+$0x290]  }
.Ltmp6:
0x148: {  	v6 =	vadd.f32 v6, v7;
	v7 =	vmul.f32 s6, v5;
	v14 =	vmul.f32 s6, v14;
	v5 =	vld [tilespmem:s23+$0x2A0];
	(pc) =	sbr.rel @p1 .LBB2_9-.Ltmp6, $4  }
0x149: {  	v8 =	vadd.f32 v8, v9;
	v10 =	vadd.f32 v11, v10;
	v16 =	vmul.f32 s6, v16;
	v9 =	vld [tilespmem:s23+$0x310]  }
0x14a: {  	s26 =	smul.f32 $9.765625000e-04, s2;
	v17 =	vmul.f32 s4, v4;
	v6 =	vadd.f32 v7, v6;
	v11 =	vmul.f32 s4, v13;
	v4 =	vld [tilespmem:s23+$0x320]  }
0x14b: {  	v13 =	vadd.f32 v14, v8;
	v7 =	vadd.f32 v16, v10;
	v8 =	vmul.f32 s4, v15;
	v10 =	vld [tilespmem:s23+$0x390]  }
0x14c: {  	s25 =	sadd.s32 $0x40, s25;
	s28 =	smul.f32 $9.765625000e-04, s0;
	v3 =	vmul.f32 s26, v3;
	v14 =	vadd.f32 v17, v6;
	v12 =	vmul.f32 s26, v12;
	v6 =	vld [tilespmem:s23+$0x3A0];
	s23 =	sadd.s32 $0x800, s23  }
0x14d: {  	(v2sf) =	vpush v2, $0x1;
	_ =	sdelay $0x1  }
0x14e: {  	(v2sf) =	vpush v2, $0x2;
	_ =	sdelay $0x1  }
0x14f: {  	(v2sf) =	vpush v2, $0x3  }
0x150: {  	(v2sf) =	vpush v2, $0xF  }
0x151: {  	(v2sf) =	vpush v2, $0x4  }
0x152: {  	(v2sf) =	vpush v2, $0xE  }
0x153: {  	(v2sf) =	vpush v2, $0x5  }
0x154: {  	(v2sf) =	vpush v2, $0xD  }
0x155: {  	(v2sf) =	vpush v2, $0x6  }
0x156: {  	v15 =	vld [tilespmem:s23+$0xFFFFFC00];
	(v2sf) =	vpush v2, $0xC  }
0x157: {  	s6 =	smul.f32 $9.765625000e-04, s24;
	v3 =	vadd.f32 v3, v14;
	v0 =	vmul.f32 s28, v0;
	(v2sf) =	vpush v2, $0x7  }
0x158: {  	v22 =	vld [tilespmem:s23+$0xFFFFFC80];
	(v2sf) =	vpush v2, $0xB  }
0x159: {  	s17 =	smul.f32 $9.765625000e-04, s3;
	v1 =	vmul.f32 s6, v1;
	v0 =	vadd.f32 v0, v3;
	(v2sf) =	vpush v2, $0x8  }
0x15a: {  	v23 =	vld [tilespmem:s23+$0xFFFFFD00];
	s0 =	spop (v2sf);
	(v2sf) =	vpush v2, $0xA  }
0x15b: {  	v0 =	vadd.f32 v1, v0;
	v24 =	vmul.f32 s17, v15;
	s11 =	smul.f32 $9.765625000e-04, s0;
	(v2sf) =	vpush v2, $0x9  }
0x15c: {  	v25 =	vld [tilespmem:s23+$0xFFFFFD80];
	s24 =	spop (v2sf)  }
0x15d: {  	v0 =	vadd.f32 v24, v0;
	s8 =	smul.f32 $9.765625000e-04, s24;
	v26 =	vmul.f32 s11, v22  }
0x15e: {  	v27 =	vld [tilespmem:s23+$0xFFFFFE00];
	s25 =	spop (v2sf)  }
0x15f: {  	s16 =	smul.f32 $9.765625000e-04, s25;
	s24 =	spop (v2sf);
	v28 =	vmul.f32 s8, v23;
	v0 =	vadd.f32 v0, v26  }
0x160: {  	v29 =	vld [tilespmem:s23+$0xFFFFFE80];
	s29 =	spop (v2sf)  }
0x161: {  	v30 =	vmul.f32 s16, v25;
	s15 =	smul.f32 $9.765625000e-04, s29;
	s29 =	spop (v2sf);
	v0 =	vadd.f32 v28, v0  }
0x162: {  	v31 =	vld [tilespmem:s23+$0xFFFFFF00];
	s30 =	spop (v2sf)  }
0x163: {  	v32 =	vmul.f32 s15, v27;
	s13 =	smul.f32 $9.765625000e-04, s30;
	s25 =	spop (v2sf);
	v0 =	vadd.f32 v30, v0  }
0x164: {  	v33 =	vld [tilespmem:s23+$0xFFFFFF80];
	s31 =	spop (v2sf)  }
0x165: {  	v34 =	vmul.f32 s13, v29;
	s4 =	smul.f32 $9.765625000e-04, s31;
	s30 =	spop (v2sf);
	v0 =	vadd.f32 v32, v0  }
0x166: {  	v35 =	vld [tilespmem:s23+$0x0];
	s2 =	spop (v2sf)  }
0x167: {  	v36 =	vmul.f32 s4, v31;
	s2 =	smul.f32 $9.765625000e-04, s2;
	s31 =	spop (v2sf);
	v0 =	vadd.f32 v34, v0  }
0x168: {  	v37 =	vld [tilespmem:s23+$0x80];
	s3 =	spop (v2sf)  }
0x169: {  	v38 =	vmul.f32 s2, v33;
	s21 =	smul.f32 $9.765625000e-04, s3;
	v0 =	vadd.f32 v36, v0;
	s3 =	spop (v2sf)  }
0x16a: {  	v39 =	vld [tilespmem:s23+$0x100];
	s0 =	spop (v2sf)  }
0x16b: {  	v40 =	vmul.f32 s21, v35;
	v0 =	vadd.f32 v38, v0;
	s0 =	smul.f32 $9.765625000e-04, s0  }
0x16c: {  	v41 =	vld [tilespmem:s23+$0x180]  }
0x16d: {  	s3 =	smul.f32 $9.765625000e-04, s3;
	v0 =	vadd.f32 v40, v0;
	v42 =	vmul.f32 s0, v37  }
0x16e: {  	v43 =	vld [tilespmem:s23+$0x200]  }
0x16f: {  	s31 =	smul.f32 $9.765625000e-04, s31;
	v44 =	vmul.f32 s3, v39;
	v0 =	vadd.f32 v42, v0  }
0x170: {  	v45 =	vld [tilespmem:s23+$0x280]  }
0x171: {  	s30 =	smul.f32 $9.765625000e-04, s30;
	v46 =	vmul.f32 s31, v41;
	v0 =	vadd.f32 v44, v0  }
0x172: {  	v47 =	vld [tilespmem:s23+$0x300]  }
0x173: {  	s25 =	smul.f32 $9.765625000e-04, s25;
	v48 =	vmul.f32 s30, v43;
	v0 =	vadd.f32 v46, v0  }
0x174: {  	v49 =	vld [tilespmem:s23+$0x380];
	v11 =	vadd.f32 v11, v13  }
0x175: {  	v50 =	vld [tilespmem:s23+$0xFFFFFC10];
	s29 =	smul.f32 $9.765625000e-04, s29;
	v51 =	vmul.f32 s25, v45;
	v0 =	vadd.f32 v48, v0  }
0x176: {  	v9 =	vmul.f32 s28, v9;
	v11 =	vadd.f32 v12, v11  }
0x177: {  	v52 =	vld [tilespmem:s23+$0xFFFFFC90];
	s24 =	smul.f32 $9.765625000e-04, s24;
	v53 =	vmul.f32 s29, v47;
	v0 =	vadd.f32 v51, v0  }
0x178: {  	v55 =	vld [tilespmem:$0x18180];
	v54 =	vmul.f32 s6, v10;
	v9 =	vadd.f32 v9, v11  }
0x179: {  	v56 =	vld [tilespmem:s23+$0xFFFFFD10];
	v57 =	vmul.f32 s24, v49;
	v0 =	vadd.f32 v53, v0  }
0x17a: {  	v59 =	vmul.f32 s17, v50;
	v58 =	vadd.f32 v54, v9  }
0x17b: {  	v60 =	vld [tilespmem:s23+$0xFFFFFD90];
	v0 =	vadd.f32 v57, v0  }
0x17c: {  	v2 =	vadd.f32 v59, v58;
	v61 =	vmul.f32 s11, v52  }
0x17d: {  	v62 =	vld [tilespmem:s23+$0xFFFFFE10];
	v0 =	vadd.f32 v55, v0  }
0x17e: {  	v63 =	vmul.f32 s8, v56;
	v1 =	vadd.f32 v61, v2  }
0x17f: {  	v12 =	vld [tilespmem:s23+$0xFFFFFE90];
	v13 =	vsub.f32 $0.0e+00, v0  }
0x180: {  	v9 =	vmul.f32 s16, v60;
	v1 =	vadd.f32 v63, v1  }
0x181: {  	v14 =	vld [tilespmem:s23+$0xFFFFFF10];
	v11 =	vmul.f32 $1.442695020e+00, v13  }
0x182: {  	v3 =	vmul.f32 s15, v62;
	v1 =	vadd.f32 v9, v1  }
0x183: {  	v15 =	vld [tilespmem:s23+$0xFFFFFF90];
	(erf) = vpow2.f32 v11  }
0x184: {  	v2 =	vmul.f32 s13, v12;
	v1 =	vadd.f32 v3, v1  }
0x185: {  	v16 =	vld [tilespmem:s23+$0x10]  }
0x186: {  	v10 =	vmul.f32 s4, v14;
	v1 =	vadd.f32 v2, v1  }
0x187: {  	v17 =	vld [tilespmem:s23+$0x90]  }
0x188: {  	v9 =	vmul.f32 s2, v15;
	v1 =	vadd.f32 v10, v1  }
0x189: {  	v18 =	vld [tilespmem:s23+$0x110]  }
0x18a: {  	v3 =	vmul.f32 s21, v16;
	v1 =	vadd.f32 v9, v1  }
0x18b: {  	v19 =	vld [tilespmem:s23+$0x190]  }
0x18c: {  	v2 =	vmul.f32 s0, v17;
	v1 =	vadd.f32 v3, v1;
	v20 =	vpop (erf)  }
0x18d: {  	v21 =	vld [tilespmem:s23+$0x210];
	v3 =	vadd.f32 $1.000000000e+00, v20  }
0x18e: {  	v10 =	vmul.f32 s3, v18;
	v1 =	vadd.f32 v2, v1  }
0x18f: {  	v22 =	vld [tilespmem:s23+$0x290];
	(erf) = vrcp.f32 v3  }
0x190: {  	v50 =	vld [tilespmem:s23+$0xFFFFFEA0];
	v23 =	vmul.f32 s31, v19;
	v1 =	vadd.f32 v10, v1  }
0x191: {  	v24 =	vld [tilespmem:s23+$0x310]  }
0x192: {  	v28 =	vld [tilespmem:s23+$0x390];
	v25 =	vmul.f32 s30, v21;
	v1 =	vadd.f32 v23, v1  }
0x193: {  	v26 =	vmul.f32 s26, v5;
	v29 =	vld [tilespmem:s23+$0xFFFFFC20]  }
0x194: {  	v27 =	vadd.f32 v8, v7;
	v30 =	vld [tilespmem:s23+$0xFFFFFCA0];
	v2 =	vmul.f32 s25, v22;
	v1 =	vadd.f32 v25, v1  }
0x195: {  	v4 =	vmul.f32 s28, v4;
	v31 =	vld [tilespmem:s23+$0xFFFFFD20]  }
0x196: {  	v33 =	vld [tilespmem:$0x18190];
	v9 =	vmul.f32 s29, v24;
	v1 =	vadd.f32 v2, v1;
	v3 =	vadd.f32 v26, v27  }
0x197: {  	v34 =	vmul.f32 s6, v6;
	v41 =	vld [tilespmem:s23+$0xFFFFFDA0]  }
0x198: {  	v35 =	vmul.f32 s24, v28;
	v37 =	vld [tilespmem:$0x18200];
	v1 =	vadd.f32 v9, v1;
	v32 =	vadd.f32 v4, v3;
	v36 =	vpop (erf)  }
0x199: {  	v62 =	vmul.f32 s13, v50;
	v38 =	vld [tilespmem:$0x19A00];
	v0 =	vmul.f32 v36, v0  }
0x19a: {  	v39 =	vmul.f32 s17, v29;
	v40 =	vld [tilespmem:$0x18280];
	v1 =	vadd.f32 v35, v1;
	v2 =	vadd.f32 v34, v32  }
0x19b: {  	v43 =	vmul.f32 s11, v30;
	v16 =	vld [tilespmem:s23+$0x20];
	v42 =	vbroadcast v0, $0x0  }
0x19c: {  	v47 =	vmul.f32 s8, v31;
	v44 =	vld [tilespmem:$0x18300];
	v1 =	vadd.f32 v33, v1;
	v2 =	vadd.f32 v39, v2  }
0x19d: {  	v45 =	vld [tilespmem:s23+$0xFFFFFE20];
	v46 =	vbroadcast v0, $0x1;
	v9 =	vmul.f32 v42, v37  }
0x19e: {  	v49 =	vld [tilespmem:$0x18380];
	v52 =	vmul.f32 s16, v41;
	v48 =	vsub.f32 $0.0e+00, v1;
	v2 =	vadd.f32 v43, v2  }
0x19f: {  	v59 =	vld [tilespmem:s23+$0xFFFFFFA0];
	v51 =	vbroadcast v0, $0x2;
	v6 =	vmul.f32 v46, v40;
	v7 =	vadd.f32 v9, v38  }
0x1a0: {  	v54 =	vld [tilespmem:$0x18400];
	v28 =	vmul.f32 s21, v16;
	v53 =	vmul.f32 $1.442695020e+00, v48;
	v2 =	vadd.f32 v47, v2  }
0x1a1: {  	v55 =	vld [tilespmem:s23+$0xFFFFFF20];
	v56 =	vbroadcast v0, $0x3;
	v3 =	vmul.f32 v51, v44;
	v6 =	vadd.f32 v7, v6  }
0x1a2: {  	v58 =	vld [tilespmem:$0x18480];
	v57 =	vmul.f32 s15, v45;
	(erf) = vpow2.f32 v53;
	v2 =	vadd.f32 v52, v2  }
0x1a3: {  	v30 =	vld [tilespmem:s23+$0x1A0];
	v61 =	vbroadcast v0, $0x4;
	v60 =	vmul.f32 v56, v49;
	v3 =	vadd.f32 v6, v3  }
0x1a4: {  	v63 =	vld [tilespmem:$0x18500];
	v23 =	vmul.f32 s2, v59;
	v18 =	vbroadcast v0, $0x5  }
0x1a5: {  	v21 =	vld [tilespmem:s23+$0xA0];
	v2 =	vadd.f32 v57, v2;
	v17 =	vmul.f32 v54, v61;
	v3 =	vadd.f32 v3, v60  }
0x1a6: {  	v19 =	vmul.f32 s4, v55;
	v20 =	vld [tilespmem:$0x18580];
	v22 =	vbroadcast v0, $0x6  }
0x1a7: {  	v25 =	vld [tilespmem:s23+$0x120];
	v5 =	vmul.f32 v58, v18;
	v2 =	vadd.f32 v62, v2;
	v3 =	vadd.f32 v3, v17  }
0x1a8: {  	v24 =	vld [tilespmem:$0x18600];
	v45 =	vmul.f32 s31, v30;
	v27 =	vbroadcast v0, $0x7  }
0x1a9: {  	v29 =	vld [tilespmem:$0x18680];
	v26 =	vmul.f32 v63, v22;
	v2 =	vadd.f32 v19, v2;
	v3 =	vadd.f32 v3, v5  }
0x1aa: {  	v34 =	vmul.f32 s0, v21;
	v33 =	vbroadcast v0, $0x8  }
0x1ab: {  	v41 =	vld [tilespmem:$0x18780];
	v32 =	vmul.f32 v20, v27;
	v31 =	vpop (erf);
	v2 =	vadd.f32 v23, v2;
	v3 =	vadd.f32 v3, v26  }
0x1ac: {  	v36 =	vld [tilespmem:$0x18700];
	v39 =	vbroadcast v0, $0x9;
	v40 =	vmul.f32 s3, v25;
	v35 =	vadd.f32 $1.000000000e+00, v31  }
0x1ad: {  	v47 =	vld [tilespmem:s23+$0x320];
	v38 =	vmul.f32 v24, v33;
	v2 =	vadd.f32 v28, v2;
	v3 =	vadd.f32 v3, v32  }
0x1ae: {  	v37 =	vld [tilespmem:s23+$0x220];
	v43 =	vmul.f32 v29, v39;
	v44 =	vbroadcast v0, $0xA  }
0x1af: {  	v42 =	vld [tilespmem:s23+$0x2A0];
	(erf) = vrcp.f32 v35;
	v2 =	vadd.f32 v34, v2;
	v3 =	vadd.f32 v3, v38  }
0x1b0: {  	v13 =	vbroadcast v0, $0xE;
	v46 =	vld [tilespmem:$0x18800];
	v49 =	vbroadcast v0, $0xB  }
0x1b1: {  	v52 =	vld [tilespmem:s23+$0x3A0];
	v48 =	vmul.f32 v36, v44;
	v2 =	vadd.f32 v40, v2;
	v3 =	vadd.f32 v3, v43  }
0x1b2: {  	v51 =	vld [tilespmem:$0x18880];
	v54 =	vbroadcast v0, $0xC;
	v53 =	vmul.f32 v41, v49  }
0x1b3: {  	v56 =	vld [tilespmem:$0x18900];
	v50 =	vmul.f32 s30, v37;
	v2 =	vadd.f32 v45, v2;
	v3 =	vadd.f32 v3, v48  }
0x1b4: {  	v58 =	vbroadcast v0, $0xD;
	v55 =	vmul.f32 s25, v42  }
0x1b5: {  	v57 =	vmul.f32 v46, v54;
	v60 =	vld [tilespmem:$0x18980];
	v2 =	vadd.f32 v50, v2;
	v3 =	vadd.f32 v3, v53  }
0x1b6: {  	v0 =	vbroadcast v0, $0xF;
	v59 =	vmul.f32 s29, v47  }
0x1b7: {  	v15 =	vld [tilespmem:$0x18A00];
	v63 =	vmul.f32 v51, v58;
	v2 =	vadd.f32 v55, v2;
	v3 =	vadd.f32 v3, v57  }
0x1b8: {  	v62 =	vld [tilespmem:$0x181A0];
	v14 =	vmul.f32 s24, v52;
	v16 =	vmul.f32 v56, v13;
	v61 =	vpop (erf)  }
0x1b9: {  	v1 =	vmul.f32 v61, v1;
	v2 =	vadd.f32 v59, v2;
	v3 =	vadd.f32 v3, v63  }
0x1ba: {  	v17 =	vld [tilespmem:$0x18A80];
	v0 =	vmul.f32 v60, v0  }
0x1bb: {  	v18 =	vbroadcast v1, $0x0;
	v2 =	vadd.f32 v14, v2;
	v3 =	vadd.f32 v3, v16  }
0x1bc: {  	v19 =	vld [tilespmem:$0x18B00];
	v21 =	vbroadcast v1, $0x1  }
0x1bd: {  	v20 =	vmul.f32 v15, v18;
	v2 =	vadd.f32 v62, v2;
	v0 =	vadd.f32 v3, v0  }
0x1be: {  	v23 =	vld [tilespmem:$0x18B80];
	v25 =	vbroadcast v1, $0x2  }
0x1bf: {  	v24 =	vmul.f32 v17, v21;
	v22 =	vsub.f32 $0.0e+00, v2;
	v0 =	vadd.f32 v0, v20  }
0x1c0: {  	v27 =	vld [tilespmem:$0x18C00];
	v29 =	vbroadcast v1, $0x3  }
0x1c1: {  	v28 =	vmul.f32 v19, v25;
	v26 =	vmul.f32 $1.442695020e+00, v22;
	v0 =	vadd.f32 v0, v24  }
0x1c2: {  	v30 =	vld [tilespmem:$0x18C80];
	v32 =	vbroadcast v1, $0x4  }
0x1c3: {  	v31 =	vmul.f32 v23, v29;
	(erf) = vpow2.f32 v26;
	v0 =	vadd.f32 v0, v28  }
0x1c4: {  	v33 =	vld [tilespmem:$0x18D00]  }
0x1c5: {  	v35 =	vbroadcast v1, $0x5;
	v34 =	vmul.f32 v27, v32;
	v0 =	vadd.f32 v0, v31  }
0x1c6: {  	v36 =	vld [tilespmem:$0x18D80]  }
0x1c7: {  	v38 =	vbroadcast v1, $0x6;
	v37 =	vmul.f32 v30, v35;
	v0 =	vadd.f32 v0, v34  }
0x1c8: {  	v39 =	vld [tilespmem:$0x18E00]  }
0x1c9: {  	v41 =	vbroadcast v1, $0x7;
	v40 =	vmul.f32 v33, v38;
	v0 =	vadd.f32 v0, v37  }
0x1ca: {  	v42 =	vld [tilespmem:$0x18E80]  }
0x1cb: {  	v45 =	vbroadcast v1, $0x8;
	v44 =	vmul.f32 v36, v41;
	v0 =	vadd.f32 v0, v40  }
0x1cc: {  	v47 =	vld [tilespmem:$0x18F00];
	v49 =	vbroadcast v1, $0x9;
	v43 =	vpop (erf)  }
0x1cd: {  	v48 =	vmul.f32 v39, v45;
	v46 =	vadd.f32 $1.000000000e+00, v43;
	v0 =	vadd.f32 v0, v44  }
0x1ce: {  	v50 =	vld [tilespmem:$0x18F80];
	v52 =	vbroadcast v1, $0xA  }
0x1cf: {  	v51 =	vmul.f32 v42, v49;
	(erf) = vrcp.f32 v46;
	v0 =	vadd.f32 v0, v48  }
0x1d0: {  	v53 =	vld [tilespmem:$0x19000]  }
0x1d1: {  	v55 =	vbroadcast v1, $0xB;
	v54 =	vmul.f32 v47, v52;
	v0 =	vadd.f32 v0, v51  }
0x1d2: {  	v56 =	vld [tilespmem:$0x19080]  }
0x1d3: {  	v58 =	vbroadcast v1, $0xC;
	v57 =	vmul.f32 v50, v55;
	v0 =	vadd.f32 v0, v54  }
0x1d4: {  	v59 =	vld [tilespmem:$0x19100]  }
0x1d5: {  	v61 =	vbroadcast v1, $0xD;
	v60 =	vmul.f32 v53, v58;
	v0 =	vadd.f32 v0, v57  }
0x1d6: {  	v62 =	vld [tilespmem:$0x19180]  }
0x1d7: {  	v12 =	vbroadcast v1, $0xE;
	v11 =	vmul.f32 v56, v61;
	v0 =	vadd.f32 v0, v60  }
0x1d8: {  	v13 =	vld [tilespmem:$0x19200];
	v1 =	vbroadcast v1, $0xF;
	v63 =	vpop (erf)  }
0x1d9: {  	v14 =	vmul.f32 v59, v12;
	v2 =	vmul.f32 v63, v2;
	v0 =	vadd.f32 v0, v11  }
0x1da: {  	v15 =	vld [tilespmem:$0x19280]  }
0x1db: {  	v1 =	vmul.f32 v62, v1;
	v16 =	vbroadcast v2, $0x0;
	v0 =	vadd.f32 v0, v14  }
0x1dc: {  	v17 =	vld [tilespmem:$0x19300]  }
0x1dd: {  	v19 =	vbroadcast v2, $0x1;
	v18 =	vmul.f32 v13, v16;
	v0 =	vadd.f32 v0, v1  }
0x1de: {  	v20 =	vld [tilespmem:$0x19380]  }
0x1df: {  	v22 =	vbroadcast v2, $0x2;
	v21 =	vmul.f32 v15, v19;
	v0 =	vadd.f32 v0, v18  }
0x1e0: {  	v23 =	vld [tilespmem:$0x19400]  }
0x1e1: {  	v25 =	vbroadcast v2, $0x3;
	v24 =	vmul.f32 v17, v22;
	v0 =	vadd.f32 v0, v21  }
0x1e2: {  	v26 =	vld [tilespmem:$0x19480]  }
0x1e3: {  	v28 =	vbroadcast v2, $0x4;
	v27 =	vmul.f32 v20, v25;
	v0 =	vadd.f32 v0, v24  }
0x1e4: {  	v29 =	vld [tilespmem:$0x19500]  }
0x1e5: {  	v31 =	vbroadcast v2, $0x5;
	v30 =	vmul.f32 v23, v28;
	v0 =	vadd.f32 v0, v27  }
0x1e6: {  	v32 =	vld [tilespmem:$0x19580]  }
0x1e7: {  	v34 =	vbroadcast v2, $0x6;
	v33 =	vmul.f32 v26, v31;
	v0 =	vadd.f32 v0, v30  }
0x1e8: {  	v35 =	vld [tilespmem:$0x19600]  }
0x1e9: {  	v37 =	vbroadcast v2, $0x7;
	v36 =	vmul.f32 v29, v34;
	v0 =	vadd.f32 v0, v33  }
0x1ea: {  	v38 =	vld [tilespmem:$0x19680]  }
0x1eb: {  	v40 =	vbroadcast v2, $0x8;
	v39 =	vmul.f32 v32, v37;
	v0 =	vadd.f32 v0, v36  }
0x1ec: {  	v41 =	vld [tilespmem:$0x19700]  }
0x1ed: {  	v43 =	vbroadcast v2, $0x9;
	v42 =	vmul.f32 v35, v40;
	v0 =	vadd.f32 v0, v39  }
0x1ee: {  	v44 =	vld [tilespmem:$0x19780]  }
0x1ef: {  	v46 =	vbroadcast v2, $0xA;
	v45 =	vmul.f32 v38, v43;
	v0 =	vadd.f32 v0, v42  }
0x1f0: {  	v47 =	vld [tilespmem:$0x19800]  }
0x1f1: {  	v49 =	vbroadcast v2, $0xB;
	v48 =	vmul.f32 v41, v46;
	v0 =	vadd.f32 v0, v45  }
0x1f2: {  	v50 =	vld [tilespmem:$0x19880]  }
0x1f3: {  	v52 =	vbroadcast v2, $0xC;
	v51 =	vmul.f32 v44, v49;
	v0 =	vadd.f32 v0, v48  }
0x1f4: {  	v53 =	vld [tilespmem:$0x19900]  }
0x1f5: {  	v55 =	vbroadcast v2, $0xD;
	v54 =	vmul.f32 v47, v52;
	v0 =	vadd.f32 v0, v51  }
0x1f6: {  	v56 =	vld [tilespmem:$0x19980]  }
0x1f7: {  	v58 =	vbroadcast v2, $0xE;
	v57 =	vmul.f32 v50, v55;
	v0 =	vadd.f32 v0, v54;
	_ =	sdelay $0x1  }
0x1f8: {  	v2 =	vbroadcast v2, $0xF;
	v59 =	vmul.f32 v53, v58;
	v0 =	vadd.f32 v0, v57;
	_ =	sdelay $0x1  }
0x1f9: {  	v60 =	vmul.f32 v56, v2;
	v0 =	vadd.f32 v0, v59;
	_ =	sdelay $0x1  }
0x1fa: {  	v0 =	vadd.f32 v0, v60;
	_ =	sdelay $0x1  }
0x1fb: {  	v0 =	vmul.f32 $1.442695020e+00, v0;
	_ =	sdelay $0x1  }
0x1fc: {  	(erf) = vpow2.f32 v0;
	_ =	sdelay $0x8  }
0x1fd: {  	v0 =	vpop (erf)  }
0x1fe: {  	(v2sf) =	vpush v0, $0x0  }
0x1ff: {  	(v2sf) =	vpush v0, $0x1;
	_ =	sdelay $0x1  }
0x200: {  	(v2sf) =	vpush v0, $0x2;
	_ =	sdelay $0x1  }
0x201: {  	(v2sf) =	vpush v0, $0x3;
	_ =	sdelay $0x1  }
0x202: {  	(v2sf) =	vpush v0, $0x4;
	_ =	sdelay $0x1  }
0x203: {  	(v2sf) =	vpush v0, $0x5;
	_ =	sdelay $0x1  }
0x204: {  	(v2sf) =	vpush v0, $0x6;
	_ =	sdelay $0x1  }
0x205: {  	(v2sf) =	vpush v0, $0x7;
	_ =	sdelay $0x1  }
0x206: {  	s15 =	spop (v2sf)  }
0x207: {  	s16 =	spop (v2sf)  }
0x208: {  	s17 =	sadd.f32 s16, s15  }
0x209: {  	s21 =	spop (v2sf)  }
0x20a: {  	s3 =	sadd.f32 s17, s21  }
0x20b: {  	s23 =	spop (v2sf)  }
0x20c: {  	s3 =	sadd.f32 s3, s23  }
0x20d: {  	s24 =	spop (v2sf)  }
0x20e: {  	s3 =	sadd.f32 s3, s24  }
0x20f: {  	s25 =	spop (v2sf)  }
0x210: {  	s3 =	sadd.f32 s3, s25  }
0x211: {  	s26 =	spop (v2sf)  }
0x212: {  	s3 =	sadd.f32 s3, s26  }
0x213: {  	s28 =	spop (v2sf)  }
0x214: {  	s3 =	sadd.f32 s3, s28;
	_ =	sdelay $0x1  }
0x215: {  	v61 =	vmov s3  }
0x216: {  	(erf) = vrcp.f32 v61;
	_ =	sdelay $0x8  }
0x217: {  	v0 =	vpop (erf)  }
0x218: {  	(v2sf) =	vpush v0, $0x0;
	_ =	sdelay $0xe  }
0x219: {  	s29 =	spop (v2sf)  }
0x21a: {  	s11 =	smul.f32 s29, s15  }
0x21b: {  	s13 =	smul.f32 s29, s16  }
0x21c: {  	s8 =	smul.f32 s29, s21  }
0x21d: {  	s6 =	smul.f32 s29, s23;
	s0 =	smax.f32 s11, s13  }
0x21e: {  	s4 =	smul.f32 s29, s24;
	s0 =	smax.f32 s0, s8  }
0x21f: {  	s3 =	smul.f32 s29, s25;
	s0 =	smax.f32 s0, s6  }
0x220: {  	s2 =	smul.f32 s29, s26;
	s15 =	smax.f32 s0, s4  }
0x221: {  	s0 =	smul.f32 s29, s28;
	s15 =	smax.f32 s15, s3  }
0x222: {  	s15 =	smax.f32 s15, s2  }
0x223: {  	s15 =	smax.f32 s15, s0  }
0x224: {  	p0 =	seq.f32 s2, s15  }
0x225: {  	s16 =	simm.s32 $0x6;
	p1 =	seq.f32 s3, s15  }
0x226: {  	s16 =	simm.s32 @!p0 $0x7;
	p0 =	seq.f32 s4, s15  }
0x227: {  	s16 =	simm.s32 @p1 $0x5;
	p1 =	seq.f32 s6, s15  }
0x228: {  	s16 =	simm.s32 @p0 $0x4;
	p0 =	seq.f32 s8, s15  }
0x229: {  	s17 =	smov.u32 s13;
	s16 =	simm.s32 @p1 $0x3;
	p1 =	seq.f32 s13, s15  }
0x22a: {  	p2 =	sne.f32 s11, s15;
	p4 =	seq.f32 s11, s15;
	s16 =	simm.s32 @p0 $0x2  }
0x22b: {  	s21 =	smov.u32 s8;
	s23 =	smov.u32 s6;
	s16 =	simm.s32 @p1 $0x1  }
0x22c: {  	s25 =	smov.u32 s4;
	p6 =	por !p2, !p1;
	s16 =	simm.s32 @p4 $0x0  }
0x22d: {  	s15 =	smov.u32 s11;
	p2 =	por !p6, !p6;
	p0 =	seq.s32 s16, $0x5  }
0x22e: {  	s15 =	simm.s32 @p4 $0xBF800000;
	s17 =	simm.s32 @p2 $0xBF800000;
	s26 =	simm.s32 @!p0 $0x0  }
0x22f: {  	p3 =	seq.s32 s16, $0x2;
	p6 =	seq.s32 s16, $0x3;
	s26 =	simm.s32 @p0 $0x1  }
0x230: {  	p5 =	seq.s32 s16, $0x4;
	[smem:$0x7FA] =	sst s26;
	s26 =	smov.u32 s3  }
0x231: {  	s21 =	simm.s32 @p3 $0xBF800000;
	s26 =	simm.s32 @p0 $0xBF800000;
	p0 =	seq.s32 s16, $0x6  }
0x232: {  	s30 =	smax.f32 s15, s17;
	s23 =	simm.s32 @p6 $0xBF800000;
	s28 =	simm.s32 @!p0 $0x0  }
0x233: {  	s25 =	simm.s32 @p5 $0xBF800000;
	s24 =	smax.f32 s30, s21;
	s28 =	simm.s32 @p0 $0x1  }
0x234: {  	s24 =	smax.f32 s24, s23;
	[smem:$0x7FB] =	sst s28;
	s28 =	smov.u32 s2  }
0x235: {  	s24 =	smax.f32 s24, s25;
	s28 =	simm.s32 @p0 $0xBF800000;
	p0 =	seq.s32 s16, $0x7  }
0x236: {  	s29 =	smov.u32 s0;
	s24 =	smax.f32 s24, s26;
	s16 =	simm.s32 @!p0 $0x0  }
0x237: {  	s29 =	simm.s32 @p0 $0xBF800000;
	s31 =	smax.f32 s24, s28;
	s16 =	simm.s32 @p0 $0x1  }
0x238: {  	[smem:$0x7FC] =	sst s16;
	s16 =	smax.f32 s31, s29  }
0x239: {  	p0 =	seq.f32 s28, s16  }
0x23a: {  	s24 =	simm.s32 $0x6;
	p1 =	seq.f32 s26, s16  }
0x23b: {  	s24 =	simm.s32 @!p0 $0x7;
	p0 =	seq.f32 s25, s16  }
0x23c: {  	s24 =	simm.s32 @p1 $0x5;
	p1 =	seq.f32 s23, s16  }
0x23d: {  	s25 =	sld [smem:$0x7FC];
	s24 =	simm.s32 @p0 $0x4;
	p0 =	seq.f32 s21, s16  }
0x23e: {  	s23 =	sld [smem:$0x7FB];
	s24 =	simm.s32 @p1 $0x3  }
0x23f: {  	p1 =	seq.f32 s17, s16;
	s24 =	simm.s32 @p0 $0x2;
	p0 =	seq.f32 s15, s16  }
0x240: {  	s21 =	sld [smem:$0x7FA];
	s15 =	smov.u32 s13;
	s16 =	smov.u32 s11  }
0x241: {  	s24 =	simm.s32 @p1 $0x1;
	s15 =	simm.s32 @!p1 $0x0;
	s16 =	simm.s32 @!p0 $0x0  }
0x242: {  	s24 =	simm.s32 @p0 $0x0;
	s15 =	simm.s32 @p0 $0x0;
	s16 =	smov.u32 @p4 s11  }
0x243: {  	s15 =	smov.u32 @p2 s13;
	p0 =	seq.s32 s24, $0x2;
	s11 =	smov.u32 s8  }
0x244: {  	s11 =	simm.s32 @!p0 $0x0;
	s13 =	sadd.f32 s15, s16  }
0x245: {  	p0 =	seq.s32 s24, $0x3;
	s11 =	smov.u32 @p3 s8;
	s8 =	smov.u32 s6  }
0x246: {  	s8 =	simm.s32 @!p0 $0x0;
	s13 =	sadd.f32 s11, s13  }
0x247: {  	p0 =	seq.s32 s24, $0x4;
	s8 =	smov.u32 @p6 s6;
	s6 =	smov.u32 s4  }
0x248: {  	s6 =	simm.s32 @!p0 $0x0;
	s13 =	sadd.f32 s13, s8  }
0x249: {  	p0 =	seq.s32 s24, $0x5;
	s6 =	smov.u32 @p5 s4;
	s4 =	smov.u32 s3  }
0x24a: {  	s4 =	simm.s32 @!p0 $0x0;
	s13 =	sadd.f32 s13, s6;
	p0 =	seq.s32 s21, $0x1  }
0x24b: {  	s4 =	smov.u32 @p0 s3;
	p0 =	seq.s32 s24, $0x6;
	s3 =	smov.u32 s2  }
0x24c: {  	s3 =	simm.s32 @!p0 $0x0;
	s13 =	sadd.f32 s13, s4;
	p0 =	seq.s32 s23, $0x1  }
0x24d: {  	s3 =	smov.u32 @p0 s2;
	p0 =	seq.s32 s24, $0x7;
	s2 =	smov.u32 s0  }
0x24e: {  	s2 =	simm.s32 @!p0 $0x0;
	s13 =	sadd.f32 s13, s3;
	p0 =	seq.s32 s25, $0x1  }
0x24f: {  	s2 =	smov.u32 @p0 s0  }
0x250: {  	s0 =	sadd.f32 s13, s2;
	_ =	sdelay $0x1  }
0x251: {  	s0 =	sadd.f32 $9.999999930e-09, s0;
	_ =	sdelay $0x1  }
0x252: {  	v62 =	vmov s0  }
0x253: {  	(erf) = vrcp.f32 v62;
	_ =	sdelay $0x8  }
0x254: {  	v0 =	vpop (erf)  }
0x255: {  	(v2sf) =	vpush v0, $0x0;
	_ =	sdelay $0xe  }
0x256: {  	s26 =	spop (v2sf)  }
0x257: {  	s28 =	smul.f32 s26, s16;
	_ =	sdelay $0x1  }
0x258: {  	s15 =	smul.f32 s26, s15;
	v63 =	vmov s28  }
0x259: {  	s11 =	smul.f32 s26, s11;
	v0 =	vnsel vm0, $0x0, v63  }
0x25a: {  	s8 =	smul.f32 s26, s8;
	v0 =	vsel vm1, s15, v0  }
0x25b: {  	s6 =	smul.f32 s26, s6;
	v0 =	vsel vm2, s11, v0  }
0x25c: {  	s4 =	smul.f32 s26, s4;
	v0 =	vsel vm3, s8, v0  }
0x25d: {  	s3 =	smul.f32 s26, s3;
	v0 =	vsel vm4, s6, v0  }
0x25e: {  	s0 =	smul.f32 s26, s2;
	v0 =	vsel vm5, s4, v0  }
0x25f: {  	v0 =	vsel vm6, s3, v0  }
0x260: {  	v0 =	vsel vm7, s0, v0  }
0x261: {  	s30 =	simm.s32 $0x19A80;
	s29 =	rddreg [dreg:$0x8];
	[tilespmem:$0x19A80] =	vst v0  }
0x262: {  	[hbm4b:s29+s5] =	stream.linear.scatter [tilespmem:s30], [sflag:$0x3], $0x80, $0x38;
	[tilespmem:$0x19B00] =	vst v63  }
.Ltmp7:
0x263: {  	_ =	swait.ge [sflag:s14], $0x80;
	(pc) =	sbr.rel .LBB2_11-.Ltmp7, $4  }
0x264: {  	s2 =	simm.s32 $0xC180;
	s31 =	sld [smem:$0x7FD]  }
0x265: {  	s6 =	simm.s32 $0x19A00;
	s4 =	simm.s32 $0x18200;
	s13 =	rddreg [dreg:$0x5]  }
0x266: {  	s3 =	simm.s32 $0x18180;
	[sflag:s14] =	ssyncset.done $0x0;
	s15 =	rddreg [dreg:$0x6]  }
0x267: {  	s0 =	rddreg [dreg:$0x9];
	[sflag:s14] =	ssyncadd.s32 $0xFFFFFF80;
	p1 =	seq.s32 s31, $0x1  }
.LBB2_12:
0x268: {  	_ =	sfence.sel $0x180000  }
0x269: {  	[bflag:$0x0] =	sbarrier.arrive $0xFFFF  }
0x26a: {  	_ =	strace $0x90000047  }
0x26b: {  	s0 =	stileid.u32;
	[bflag:$0x2] =	sbarrier.arrive $0xFFFF  }
0x26c: {  	p0 =	sne.s32 s0, $0x0;
	s0 =	rddreg [dreg:$0x4]  }
0x26d: {  	s0 =	sadd.s32 @!p0 $0x100000, s0  }
0x26e: {  	[sflag:s0] =	ssyncadd.tile.s32 @!p0 $0x1;
	_ =	shalt  }
.Lfunc_end2:
_tile_overlayer_lowered:
.L_overlay_start_2:
0x26f: {  	(tag) =	ssettag $0x2  }
0x270: {  	s0 =	rddreg [dreg:$0x0];
	s2 =	stileid.u32  }
0x271: {  	s1 =	rddreg [dreg:$0x1];
	p0 =	sne.s32 s2, $0x0  }
0x272: {  	s3 =	rddreg [dreg:$0x2];
	[bflag:$0x3] =	sbarrier.arrive $0xFFFF;
	s2 =	simm.s32 @!p0 $0x1C03  }
0x273: {  	[timem:s3], [sflag:s2] =	dma.local @!p0 [hbm:s0], s1  }
0x274: {  	s0 =	simm.s32 @!p0 $0x3  }
0x275: {  	_ =	swait.ge @!p0 [sflag:s0], s1  }
0x276: {  	s1 =	ssub.s32 @!p0 $0x0, s1;
	[sflag:s0] =	ssyncset.done @!p0 $0x0  }
0x277: {  	[sflag:s0] =	ssyncadd.s32 @!p0 s1  }
0x278: {  	[bflag:$0x3] =	sbarrier.arrive $0xFFFF  }
0x279: {  	_ =	shalt  }

</sc_bundles>
